<compile_context>
chip_gen: v7x
topology: tpu7x:2x2x1
jax: 0.10.2.dev20260603
libtpu: 0.0.44.dev20260713+nightly
codegen_flags: <defaults>
</compile_context>

<pallas_src>
import functools

import jax
import jax.numpy as jnp
from jax import lax
from jax.experimental import pallas as pl
from jax.experimental.pallas import tpu as pltpu
from jax.experimental.pallas import tpu_sc as plsc

BATCH = 4096
SEQ = 200
EMBED = 64
NC, NS, LANES = 2, 16, 16
NW = NC * NS
BPW = BATCH // NW
DHI = EMBED // 8
BHI = BATCH // 128
NGBUF = 4
GDEPTH = 3
PADD = EMBED + 1


def _body(idx_hbm, tok_hbm, pos_hbm, out_hbm, idx_v, pos_v, tbuf, gbufs,
          sbufs, gsems, ssems):
    wid = lax.axis_index("s") * NC + lax.axis_index("c")

    pltpu.sync_copy(idx_hbm.at[:, pl.ds(wid * BPW, BPW)], idx_v)
    pltpu.sync_copy(pos_hbm, pos_v)

    def fire_gather(gb, s):
        pltpu.async_copy(tok_hbm.at[idx_v.at[s]], gbufs[gb], gsems[gb])

    def wait_gather(gb):
        pltpu.make_async_copy(tok_hbm.at[idx_v.at[0]], gbufs[gb],
                              gsems[gb]).wait()

    def fire_store(sb, s):
        pltpu.async_copy(sbufs[sb], out_hbm.at[s, :, wid], ssems[sb])

    def wait_store(sb):
        pltpu.make_async_copy(sbufs[sb], out_hbm.at[0, :, 0],
                              ssems[sb]).wait()

    lanes = lax.iota(jnp.int32, LANES)

    def transpose_add(gb, sb, s):
        gbuf = gbufs[gb]
        sbuf = sbufs[sb]
        pc = [pos_v[s, pl.ds(c * LANES, LANES)] for c in range(EMBED // LANES)]

        @plsc.parallel_loop(0, BPW, 1, unroll=2)
        def _(j):
            for c in range(EMBED // LANES):
                sl = pl.ds(c * LANES, LANES)
                tbuf[j, sl] = gbuf[j, sl] + pc[c]

        @plsc.parallel_loop(0, EMBED, 1, unroll=2)
        def _(d):
            dsplat = jnp.full((LANES,), 0, jnp.int32) + d
            for bc in range(BPW // LANES):
                rows = bc * LANES + lanes
                vec = plsc.load_gather(tbuf, [rows, dsplat])
                sbuf[d // 8, d % 8, pl.ds(bc * LANES, LANES)] = vec

    for s0 in range(GDEPTH):
        fire_gather(s0, s0)

    def outer(g, _):
        for par in range(NGBUF):
            s = NGBUF * g + par

            @pl.when(s + GDEPTH < SEQ)
            def _():
                fire_gather((par + GDEPTH) % NGBUF, s + GDEPTH)

            wait_gather(par)

            @pl.when(s >= 2)
            def _():
                wait_store(par % 2)

            transpose_add(par, par % 2, s)
            fire_store(par % 2, s)
        return ()

    lax.fori_loop(0, SEQ // NGBUF, outer, ())
    wait_store(0)
    wait_store(1)


@functools.partial(
    pl.kernel,
    out_type=jax.ShapeDtypeStruct((SEQ, DHI, BHI, 8, 128), jnp.float32),
    mesh=plsc.VectorSubcoreMesh(core_axis_name="c", subcore_axis_name="s",
                                num_cores=NC, num_subcores=NS),
    scratch_types=[
        pltpu.VMEM((SEQ, BPW), jnp.int32),
        pltpu.VMEM((SEQ, EMBED), jnp.float32),
        pltpu.VMEM((BPW, PADD), jnp.float32),
    ] + [pltpu.VMEM((BPW, EMBED), jnp.float32)] * NGBUF
      + [pltpu.VMEM((DHI, 8, 128), jnp.float32)] * 2
      + [pltpu.SemaphoreType.DMA] * (NGBUF + 2),
    compiler_params=pltpu.CompilerParams(use_tc_tiling_on_sc=False,
                                         needs_layout_passes=False),
)
def _embed_kernel(idx_hbm, tok_hbm, pos_hbm, out_hbm, idx_v, pos_v, tbuf,
                  *rest):
    gbufs = rest[0:NGBUF]
    sbufs = rest[NGBUF:NGBUF + 2]
    gsems = rest[NGBUF + 2:2 * NGBUF + 2]
    ssems = rest[2 * NGBUF + 2:]
    _body(idx_hbm, tok_hbm, pos_hbm, out_hbm, idx_v, pos_v, tbuf, gbufs,
          sbufs, gsems, ssems)


def kernel(inputs, token_table, pos_table):
    idx_t = inputs.T.astype(jnp.int32)
    out5 = _embed_kernel(idx_t, token_table, pos_table)
    return jnp.transpose(out5, (2, 4, 0, 1, 3)).reshape(BATCH, SEQ, EMBED)

# --- scband reference (transcript-rebuilt; emitter-appended) ---
"""Pipeline reference for scband-positional-embedding-1932735283937 (READ-ONLY COPY).

The authoritative reference and input builder live on the scoring server;
editing this copy changes nothing except your own understanding.
"""

import jax, jax.numpy as jnp
import numpy as np

SEQ_LEN = 200
VOCAB = 100000
EMBED = 64
BATCH = 4096

def setup_inputs(seed: int = 0) -> dict:
    key = jax.random.key(seed)
    k1, k2, k3 = jax.random.split(key, 3)
    inputs = jax.random.randint(k1, (BATCH, SEQ_LEN), 0, VOCAB, dtype=jnp.int64 if jax.config.jax_enable_x64 else jnp.int32)
    token_table = jax.random.normal(k2, (VOCAB, EMBED), dtype=jnp.float32) * 0.02
    pos_table = jax.random.normal(k3, (SEQ_LEN, EMBED), dtype=jnp.float32) * 0.02
    return {"inputs": inputs, "token_table": token_table, "pos_table": pos_table}

def reference(inputs, token_table, pos_table):
    length = inputs.shape[-1]
    positions = jnp.arange(0, length)
    embedded_tokens = jnp.take(token_table, inputs, axis=0)
    embedded_positions = jnp.take(pos_table, positions, axis=0)
    return embedded_tokens + embedded_positions

if __name__ == "__main__":
    import jax
    _d = setup_inputs()
    print(jax.jit(kernel)(*tuple(_d.values())))

</pallas_src>

<mosaic_0001>
#map = affine_map<(d0, d1) -> (0, 0)>
#map1 = affine_map<(d0, d1) -> (0, 0, 0, 0, 0)>
module attributes {stable_mosaic.version = 14 : i64} {
  func.func @_embed_kernel(%arg0: i32, %arg1: i32, %arg2: memref<200x4096xi32, #tpu.memory_space<hbm>>, %arg3: memref<100000x64xf32, #tpu.memory_space<hbm>>, %arg4: memref<200x64xf32, #tpu.memory_space<hbm>>, %arg5: memref<200x8x32x8x128xf32, #tpu.memory_space<hbm>>, %arg6: memref<200x128xi32, #tpu.memory_space<vmem>>, %arg7: memref<200x64xf32, #tpu.memory_space<vmem>>, %arg8: memref<128x65xf32, #tpu.memory_space<vmem>>, %arg9: memref<128x64xf32, #tpu.memory_space<vmem>>, %arg10: memref<128x64xf32, #tpu.memory_space<vmem>>, %arg11: memref<128x64xf32, #tpu.memory_space<vmem>>, %arg12: memref<128x64xf32, #tpu.memory_space<vmem>>, %arg13: memref<8x8x128xf32, #tpu.memory_space<vmem>>, %arg14: memref<8x8x128xf32, #tpu.memory_space<vmem>>, %arg15: memref<!tpu.dma_semaphore, #tpu.memory_space<semaphore_mem>>, %arg16: memref<!tpu.dma_semaphore, #tpu.memory_space<semaphore_mem>>, %arg17: memref<!tpu.dma_semaphore, #tpu.memory_space<semaphore_mem>>, %arg18: memref<!tpu.dma_semaphore, #tpu.memory_space<semaphore_mem>>, %arg19: memref<!tpu.dma_semaphore, #tpu.memory_space<semaphore_mem>>, %arg20: memref<!tpu.dma_semaphore, #tpu.memory_space<semaphore_mem>>) attributes {dimension_semantics = [#tpu.dimension_semantics<core_parallel>, #tpu.dimension_semantics<subcore_parallel>], iteration_bounds = array<i64: 2, 16>, scalar_prefetch = 0 : i64, scratch_operands = 15 : i64, tpu.core_type = #tpu.core_type<sc_vector_subcore>, window_params = [{transform_indices = #map}, {transform_indices = #map}, {transform_indices = #map}, {transform_indices = #map1}]} {
    %mul3A = arith.constant 2 : i32
    %mul3A_0 = arith.muli %arg1, %mul3A : i32
    %add3A = arith.addi %mul3A_0, %arg0 : i32
    %mul3A_1 = arith.constant 128 : i32
    %mul3A_2 = arith.muli %add3A, %mul3A_1 : i32
    "tpu.region"() ({
      %run_scoped3A = tpu.sem_alloc : memref<!tpu.dma_semaphore, #tpu.memory_space<semaphore_mem>>
      %dma_start3A_50 = arith.constant 0 : i32
      %dma_start3A_51 = tpu.memref_slice %arg2[%dma_start3A_50, %mul3A_2] : memref<200x4096xi32, #tpu.memory_space<hbm>> -> memref<200x128xi32, #tpu.memory_space<hbm>>
      %dma_start3A_52 = arith.constant 0 : i32
      %dma_start3A_53 = tpu.memref_slice %arg2[%dma_start3A_52, %mul3A_2] : memref<200x4096xi32, #tpu.memory_space<hbm>> -> memref<200x128xi32, #tpu.memory_space<hbm>>
      tpu.enqueue_dma source(%dma_start3A_53 : memref<200x128xi32, #tpu.memory_space<hbm>>) target(%arg6 : memref<200x128xi32, #tpu.memory_space<vmem>>) target_semaphore(%run_scoped3A : memref<!tpu.dma_semaphore, #tpu.memory_space<semaphore_mem>>)
      %dma_wait3A_54 = arith.constant 0 : i32
      %dma_wait3A_55 = tpu.memref_slice %arg2[%dma_wait3A_54, %mul3A_2] : memref<200x4096xi32, #tpu.memory_space<hbm>> -> memref<200x128xi32, #tpu.memory_space<hbm>>
      %dma_wait3A_56 = arith.constant 0 : i32
      %dma_wait3A_57 = tpu.memref_slice %arg2[%dma_wait3A_56, %mul3A_2] : memref<200x4096xi32, #tpu.memory_space<hbm>> -> memref<200x128xi32, #tpu.memory_space<hbm>>
      tpu.wait_dma2 semaphore(%run_scoped3A : memref<!tpu.dma_semaphore, #tpu.memory_space<semaphore_mem>>) src(%dma_wait3A_57 : memref<200x128xi32, #tpu.memory_space<hbm>>) dst(%arg6 : memref<200x128xi32, #tpu.memory_space<vmem>>)
      tpu.yield
    }) : () -> ()
    "tpu.region"() ({
      %run_scoped3A = tpu.sem_alloc : memref<!tpu.dma_semaphore, #tpu.memory_space<semaphore_mem>>
      tpu.enqueue_dma source(%arg4 : memref<200x64xf32, #tpu.memory_space<hbm>>) target(%arg7 : memref<200x64xf32, #tpu.memory_space<vmem>>) target_semaphore(%run_scoped3A : memref<!tpu.dma_semaphore, #tpu.memory_space<semaphore_mem>>)
      tpu.wait_dma2 semaphore(%run_scoped3A : memref<!tpu.dma_semaphore, #tpu.memory_space<semaphore_mem>>) src(%arg4 : memref<200x64xf32, #tpu.memory_space<hbm>>) dst(%arg7 : memref<200x64xf32, #tpu.memory_space<vmem>>)
      tpu.yield
    }) : () -> ()
    %iota3A = tpu.iota {dimensions = array<i32: 0>} : vector<16xi32>
    %dma_start3A = arith.constant 0 : i32
    %dma_start3A_3 = arith.constant 0 : i32
    %dma_start3A_4 = tpu.memref_slice %arg6[%dma_start3A, %dma_start3A_3] : memref<200x128xi32, #tpu.memory_space<vmem>> -> memref<1x128xi32, #tpu.memory_space<vmem>>
    %dma_start3A_5 = tpu.memref_squeeze %dma_start3A_4 : memref<1x128xi32, #tpu.memory_space<vmem>> -> memref<128xi32, #tpu.memory_space<vmem>>
    %dma_start3A_6 = arith.constant 0 : i32
    %dma_start3A_7 = arith.constant 0 : i32
    %dma_start3A_8 = tpu.memref_slice %arg3[%dma_start3A_6, %dma_start3A_7] : memref<100000x64xf32, #tpu.memory_space<hbm>> -> memref<100000x64xf32, #tpu.memory_space<hbm>>
    tpu.enqueue_indirect_dma source(%dma_start3A_8 : memref<100000x64xf32, #tpu.memory_space<hbm>>) target(%arg9 : memref<128x64xf32, #tpu.memory_space<vmem>>) offsets(%dma_start3A_5 : memref<128xi32, #tpu.memory_space<vmem>>) semaphore(%arg15 : memref<!tpu.dma_semaphore, #tpu.memory_space<semaphore_mem>>)
    %dma_start3A_9 = arith.constant 1 : i32
    %dma_start3A_10 = arith.constant 0 : i32
    %dma_start3A_11 = tpu.memref_slice %arg6[%dma_start3A_9, %dma_start3A_10] : memref<200x128xi32, #tpu.memory_space<vmem>> -> memref<1x128xi32, #tpu.memory_space<vmem>>
    %dma_start3A_12 = tpu.memref_squeeze %dma_start3A_11 : memref<1x128xi32, #tpu.memory_space<vmem>> -> memref<128xi32, #tpu.memory_space<vmem>>
    %dma_start3A_13 = arith.constant 0 : i32
    %dma_start3A_14 = arith.constant 0 : i32
    %dma_start3A_15 = tpu.memref_slice %arg3[%dma_start3A_13, %dma_start3A_14] : memref<100000x64xf32, #tpu.memory_space<hbm>> -> memref<100000x64xf32, #tpu.memory_space<hbm>>
    tpu.enqueue_indirect_dma source(%dma_start3A_15 : memref<100000x64xf32, #tpu.memory_space<hbm>>) target(%arg10 : memref<128x64xf32, #tpu.memory_space<vmem>>) offsets(%dma_start3A_12 : memref<128xi32, #tpu.memory_space<vmem>>) semaphore(%arg16 : memref<!tpu.dma_semaphore, #tpu.memory_space<semaphore_mem>>)
    %dma_start3A_16 = arith.constant 2 : i32
    %dma_start3A_17 = arith.constant 0 : i32
    %dma_start3A_18 = tpu.memref_slice %arg6[%dma_start3A_16, %dma_start3A_17] : memref<200x128xi32, #tpu.memory_space<vmem>> -> memref<1x128xi32, #tpu.memory_space<vmem>>
    %dma_start3A_19 = tpu.memref_squeeze %dma_start3A_18 : memref<1x128xi32, #tpu.memory_space<vmem>> -> memref<128xi32, #tpu.memory_space<vmem>>
    %dma_start3A_20 = arith.constant 0 : i32
    %dma_start3A_21 = arith.constant 0 : i32
    %dma_start3A_22 = tpu.memref_slice %arg3[%dma_start3A_20, %dma_start3A_21] : memref<100000x64xf32, #tpu.memory_space<hbm>> -> memref<100000x64xf32, #tpu.memory_space<hbm>>
    tpu.enqueue_indirect_dma source(%dma_start3A_22 : memref<100000x64xf32, #tpu.memory_space<hbm>>) target(%arg11 : memref<128x64xf32, #tpu.memory_space<vmem>>) offsets(%dma_start3A_19 : memref<128xi32, #tpu.memory_space<vmem>>) semaphore(%arg17 : memref<!tpu.dma_semaphore, #tpu.memory_space<semaphore_mem>>)
    %scan3A = arith.constant 0 : i32
    %scan3A_23 = arith.constant 50 : i32
    %scan3A_24 = arith.addi %scan3A, %scan3A_23 : i32
    %scan3A_25 = arith.constant 1 : i32
    scf.for %scan3A_50 = %scan3A to %scan3A_24 step %scan3A_25  : i32 {
      %mul3A_51 = arith.constant 4 : i32
      %mul3A_52 = arith.muli %mul3A_51, %scan3A_50 : i32
      %add3A_53 = arith.constant 0 : i32
      %add3A_54 = arith.addi %mul3A_52, %add3A_53 : i32
      %add3A_55 = arith.constant 3 : i32
      %add3A_56 = arith.addi %add3A_54, %add3A_55 : i32
      %lt3A = arith.constant 200 : i32
      %lt3A_57 = arith.cmpi slt, %add3A_56, %lt3A : i32
      %convert_element_type3A = arith.extui %lt3A_57 : i1 to i32
      %cond3A = arith.constant 0 : i32
      %cond3A_58 = arith.cmpi ne, %convert_element_type3A, %cond3A : i32
      scf.if %cond3A_58 {
        %add3A_249 = arith.constant 3 : i32
        %add3A_250 = arith.addi %add3A_54, %add3A_249 : i32
        %dma_start3A_251 = arith.constant 0 : i32
        %dma_start3A_252 = tpu.memref_slice %arg6[%add3A_250, %dma_start3A_251] : memref<200x128xi32, #tpu.memory_space<vmem>> -> memref<1x128xi32, #tpu.memory_space<vmem>>
        %dma_start3A_253 = tpu.memref_squeeze %dma_start3A_252 : memref<1x128xi32, #tpu.memory_space<vmem>> -> memref<128xi32, #tpu.memory_space<vmem>>
        %dma_start3A_254 = arith.constant 0 : i32
        %dma_start3A_255 = arith.constant 0 : i32
        %dma_start3A_256 = tpu.memref_slice %arg3[%dma_start3A_254, %dma_start3A_255] : memref<100000x64xf32, #tpu.memory_space<hbm>> -> memref<100000x64xf32, #tpu.memory_space<hbm>>
        tpu.enqueue_indirect_dma source(%dma_start3A_256 : memref<100000x64xf32, #tpu.memory_space<hbm>>) target(%arg12 : memref<128x64xf32, #tpu.memory_space<vmem>>) offsets(%dma_start3A_253 : memref<128xi32, #tpu.memory_space<vmem>>) semaphore(%arg18 : memref<!tpu.dma_semaphore, #tpu.memory_space<semaphore_mem>>)
      } else {
      }
      %dma_wait3A_59 = arith.constant 0 : i32
      %dma_wait3A_60 = arith.constant 0 : i32
      %dma_wait3A_61 = tpu.memref_slice %arg6[%dma_wait3A_59, %dma_wait3A_60] : memref<200x128xi32, #tpu.memory_space<vmem>> -> memref<1x128xi32, #tpu.memory_space<vmem>>
      %dma_wait3A_62 = tpu.memref_squeeze %dma_wait3A_61 : memref<1x128xi32, #tpu.memory_space<vmem>> -> memref<128xi32, #tpu.memory_space<vmem>>
      %dma_wait3A_63 = arith.constant 0 : i32
      %dma_wait3A_64 = arith.constant 0 : i32
      %dma_wait3A_65 = tpu.memref_slice %arg3[%dma_wait3A_63, %dma_wait3A_64] : memref<100000x64xf32, #tpu.memory_space<hbm>> -> memref<100000x64xf32, #tpu.memory_space<hbm>>
      tpu.wait_indirect_dma semaphore(%arg15 : memref<!tpu.dma_semaphore, #tpu.memory_space<semaphore_mem>>) src(%dma_wait3A_65 : memref<100000x64xf32, #tpu.memory_space<hbm>>) dst(%arg9 : memref<128x64xf32, #tpu.memory_space<vmem>>)
      %ge3A = arith.constant 2 : i32
      %ge3A_66 = arith.cmpi sge, %add3A_54, %ge3A : i32
      %convert_element_type3A_67 = arith.extui %ge3A_66 : i1 to i32
      %cond3A_68 = arith.constant 0 : i32
      %cond3A_69 = arith.cmpi ne, %convert_element_type3A_67, %cond3A_68 : i32
      scf.if %cond3A_69 {
        %dma_wait3A_249 = arith.constant 0 : i32
        %dma_wait3A_250 = arith.constant 0 : i32
        %dma_wait3A_251 = arith.constant 0 : i32
        %dma_wait3A_252 = arith.constant 0 : i32
        %dma_wait3A_253 = arith.constant 0 : i32
        %dma_wait3A_254 = tpu.memref_slice %arg5[%dma_wait3A_249, %dma_wait3A_251, %dma_wait3A_250, %dma_wait3A_252, %dma_wait3A_253] : memref<200x8x32x8x128xf32, #tpu.memory_space<hbm>> -> memref<1x8x1x8x128xf32, #tpu.memory_space<hbm>>
        %dma_wait3A_255 = tpu.memref_squeeze %dma_wait3A_254 : memref<1x8x1x8x128xf32, #tpu.memory_space<hbm>> -> memref<8x8x128xf32, #tpu.memory_space<hbm>>
        %dma_wait3A_256 = arith.constant 0 : i32
        %dma_wait3A_257 = arith.constant 0 : i32
        %dma_wait3A_258 = arith.constant 0 : i32
        %dma_wait3A_259 = tpu.memref_slice %arg5[%dma_wait3A_249, %dma_wait3A_256, %dma_wait3A_250, %dma_wait3A_257, %dma_wait3A_258] : memref<200x8x32x8x128xf32, #tpu.memory_space<hbm>> -> memref<1x8x1x8x128xf32, #tpu.memory_space<hbm>>
        %dma_wait3A_260 = tpu.memref_squeeze %dma_wait3A_259 : memref<1x8x1x8x128xf32, #tpu.memory_space<hbm>> -> memref<8x8x128xf32, #tpu.memory_space<hbm>>
        tpu.wait_dma2 semaphore(%arg19 : memref<!tpu.dma_semaphore, #tpu.memory_space<semaphore_mem>>) src(%arg13 : memref<8x8x128xf32, #tpu.memory_space<vmem>>) dst(%dma_wait3A_260 : memref<8x8x128xf32, #tpu.memory_space<hbm>>)
      } else {
      }
      %get3A = arith.index_cast %add3A_54 : i32 to index
      %get3A_70 = arith.constant 0 : index
      %get3A_71 = tpu.vector_load %arg7[%get3A, %get3A_70] {strides = array<i32>} : memref<200x64xf32, #tpu.memory_space<vmem>>, vector<16xf32>,
      %get3A_72 = arith.index_cast %add3A_54 : i32 to index
      %get3A_73 = arith.constant 16 : index
      %get3A_74 = tpu.vector_load %arg7[%get3A_72, %get3A_73] {strides = array<i32>} : memref<200x64xf32, #tpu.memory_space<vmem>>, vector<16xf32>,
      %get3A_75 = arith.index_cast %add3A_54 : i32 to index
      %get3A_76 = arith.constant 32 : index
      %get3A_77 = tpu.vector_load %arg7[%get3A_75, %get3A_76] {strides = array<i32>} : memref<200x64xf32, #tpu.memory_space<vmem>>, vector<16xf32>,
      %get3A_78 = arith.index_cast %add3A_54 : i32 to index
      %get3A_79 = arith.constant 48 : index
      %get3A_80 = tpu.vector_load %arg7[%get3A_78, %get3A_79] {strides = array<i32>} : memref<200x64xf32, #tpu.memory_space<vmem>>, vector<16xf32>,
      %parallel_loop3A = arith.constant 0 : i32
      %parallel_loop3A_81 = arith.constant 128 : i32
      %parallel_loop3A_82 = arith.constant 1 : i32
      scf.for %parallel_loop3A_249 = %parallel_loop3A to %parallel_loop3A_81 step %parallel_loop3A_82  : i32 {
        %parallel_loop3A_250 = arith.index_cast %parallel_loop3A_249 : i32 to index
        %parallel_loop3A_251 = arith.constant 0 : index
        %parallel_loop3A_252 = tpu.vector_load %arg9[%parallel_loop3A_250, %parallel_loop3A_251] {strides = array<i32>} : memref<128x64xf32, #tpu.memory_space<vmem>>, vector<16xf32>,
        %parallel_loop3A_253 = arith.addf %parallel_loop3A_252, %get3A_71 : vector<16xf32>
        %parallel_loop3A_254 = arith.index_cast %parallel_loop3A_249 : i32 to index
        %parallel_loop3A_255 = arith.constant 0 : index
        %parallel_loop3A_256 = tpu.vector_load %arg8[%parallel_loop3A_254, %parallel_loop3A_255] {strides = array<i32>} : memref<128x65xf32, #tpu.memory_space<vmem>>, vector<16xf32>,
        tpu.vector_store %arg8[%parallel_loop3A_254, %parallel_loop3A_255], %parallel_loop3A_253 {strides = array<i32>} : memref<128x65xf32, #tpu.memory_space<vmem>>, vector<16xf32>,
        %parallel_loop3A_257 = arith.index_cast %parallel_loop3A_249 : i32 to index
        %parallel_loop3A_258 = arith.constant 16 : index
        %parallel_loop3A_259 = tpu.vector_load %arg9[%parallel_loop3A_257, %parallel_loop3A_258] {strides = array<i32>} : memref<128x64xf32, #tpu.memory_space<vmem>>, vector<16xf32>,
        %parallel_loop3A_260 = arith.addf %parallel_loop3A_259, %get3A_74 : vector<16xf32>
        %parallel_loop3A_261 = arith.index_cast %parallel_loop3A_249 : i32 to index
        %parallel_loop3A_262 = arith.constant 16 : index
        %parallel_loop3A_263 = tpu.vector_load %arg8[%parallel_loop3A_261, %parallel_loop3A_262] {strides = array<i32>} : memref<128x65xf32, #tpu.memory_space<vmem>>, vector<16xf32>,
        tpu.vector_store %arg8[%parallel_loop3A_261, %parallel_loop3A_262], %parallel_loop3A_260 {strides = array<i32>} : memref<128x65xf32, #tpu.memory_space<vmem>>, vector<16xf32>,
        %parallel_loop3A_264 = arith.index_cast %parallel_loop3A_249 : i32 to index
        %parallel_loop3A_265 = arith.constant 32 : index
        %parallel_loop3A_266 = tpu.vector_load %arg9[%parallel_loop3A_264, %parallel_loop3A_265] {strides = array<i32>} : memref<128x64xf32, #tpu.memory_space<vmem>>, vector<16xf32>,
        %parallel_loop3A_267 = arith.addf %parallel_loop3A_266, %get3A_77 : vector<16xf32>
        %parallel_loop3A_268 = arith.index_cast %parallel_loop3A_249 : i32 to index
        %parallel_loop3A_269 = arith.constant 32 : index
        %parallel_loop3A_270 = tpu.vector_load %arg8[%parallel_loop3A_268, %parallel_loop3A_269] {strides = array<i32>} : memref<128x65xf32, #tpu.memory_space<vmem>>, vector<16xf32>,
        tpu.vector_store %arg8[%parallel_loop3A_268, %parallel_loop3A_269], %parallel_loop3A_267 {strides = array<i32>} : memref<128x65xf32, #tpu.memory_space<vmem>>, vector<16xf32>,
        %parallel_loop3A_271 = arith.index_cast %parallel_loop3A_249 : i32 to index
        %parallel_loop3A_272 = arith.constant 48 : index
        %parallel_loop3A_273 = tpu.vector_load %arg9[%parallel_loop3A_271, %parallel_loop3A_272] {strides = array<i32>} : memref<128x64xf32, #tpu.memory_space<vmem>>, vector<16xf32>,
        %parallel_loop3A_274 = arith.addf %parallel_loop3A_273, %get3A_80 : vector<16xf32>
        %parallel_loop3A_275 = arith.index_cast %parallel_loop3A_249 : i32 to index
        %parallel_loop3A_276 = arith.constant 48 : index
        %parallel_loop3A_277 = tpu.vector_load %arg8[%parallel_loop3A_275, %parallel_loop3A_276] {strides = array<i32>} : memref<128x65xf32, #tpu.memory_space<vmem>>, vector<16xf32>,
        tpu.vector_store %arg8[%parallel_loop3A_275, %parallel_loop3A_276], %parallel_loop3A_274 {strides = array<i32>} : memref<128x65xf32, #tpu.memory_space<vmem>>, vector<16xf32>,
      } {sc.loop_unroll_factor = 2 : i64, sc.parallel_access}
      %parallel_loop3A_83 = arith.constant 0 : i32
      %parallel_loop3A_84 = arith.constant 64 : i32
      %parallel_loop3A_85 = arith.constant 1 : i32
      scf.for %parallel_loop3A_249 = %parallel_loop3A_83 to %parallel_loop3A_84 step %parallel_loop3A_85  : i32 {
        %parallel_loop3A_250 = arith.constant 0 : i32
        %parallel_loop3A_251 = vector.broadcast %parallel_loop3A_250 : i32 to vector<16xi32>
        %parallel_loop3A_252 = vector.broadcast %parallel_loop3A_249 : i32 to vector<16xi32>
        %parallel_loop3A_253 = arith.addi %parallel_loop3A_251, %parallel_loop3A_252 : vector<16xi32>
        %parallel_loop3A_254 = arith.constant 0 : i32
        %parallel_loop3A_255 = vector.broadcast %parallel_loop3A_254 : i32 to vector<16xi32>
        %parallel_loop3A_256 = arith.addi %parallel_loop3A_255, %iota3A : vector<16xi32>
        %parallel_loop3A_257 = tpu.vector_load_idx %arg8[%parallel_loop3A_256, %parallel_loop3A_253] : memref<128x65xf32, #tpu.memory_space<vmem>>[vector<16xi32>, vector<16xi32>], vector<16xf32>,
        %parallel_loop3A_258 = arith.constant 8 : i32
        %parallel_loop3A_259 = arith.divsi %parallel_loop3A_249, %parallel_loop3A_258 : i32
        %parallel_loop3A_260 = arith.constant 0 : i32
        %parallel_loop3A_261 = arith.cmpi sgt, %parallel_loop3A_249, %parallel_loop3A_260 : i32
        %parallel_loop3A_262 = arith.extui %parallel_loop3A_261 : i1 to i32
        %parallel_loop3A_263 = arith.constant 0 : i32
        %parallel_loop3A_264 = arith.cmpi slt, %parallel_loop3A_249, %parallel_loop3A_263 : i32
        %parallel_loop3A_265 = arith.extui %parallel_loop3A_264 : i1 to i32
        %parallel_loop3A_266 = arith.subi %parallel_loop3A_262, %parallel_loop3A_265 : i32
        %parallel_loop3A_267 = arith.constant 0 : i32
        %parallel_loop3A_268 = arith.cmpi sgt, %parallel_loop3A_258, %parallel_loop3A_267 : i32
        %parallel_loop3A_269 = arith.extui %parallel_loop3A_268 : i1 to i32
        %parallel_loop3A_270 = arith.constant 0 : i32
        %parallel_loop3A_271 = arith.cmpi slt, %parallel_loop3A_258, %parallel_loop3A_270 : i32
        %parallel_loop3A_272 = arith.extui %parallel_loop3A_271 : i1 to i32
        %parallel_loop3A_273 = arith.subi %parallel_loop3A_269, %parallel_loop3A_272 : i32
        %parallel_loop3A_274 = arith.cmpi ne, %parallel_loop3A_266, %parallel_loop3A_273 : i32
        %parallel_loop3A_275 = arith.remsi %parallel_loop3A_249, %parallel_loop3A_258 : i32
        %parallel_loop3A_276 = arith.constant 0 : i32
        %parallel_loop3A_277 = arith.cmpi ne, %parallel_loop3A_275, %parallel_loop3A_276 : i32
        %parallel_loop3A_278 = arith.andi %parallel_loop3A_274, %parallel_loop3A_277 : i1
        %parallel_loop3A_279 = arith.constant 1 : i32
        %parallel_loop3A_280 = arith.subi %parallel_loop3A_259, %parallel_loop3A_279 : i32
        %parallel_loop3A_281 = arith.select %parallel_loop3A_278, %parallel_loop3A_280, %parallel_loop3A_259 : i32
        %parallel_loop3A_282 = arith.constant 8 : i32
        %parallel_loop3A_283 = arith.constant 0 : i32
        %parallel_loop3A_284 = arith.cmpi eq, %parallel_loop3A_282, %parallel_loop3A_283 : i32
        %parallel_loop3A_285 = arith.constant 1 : i32
        %parallel_loop3A_286 = arith.select %parallel_loop3A_284, %parallel_loop3A_285, %parallel_loop3A_282 : i32
        %parallel_loop3A_287 = arith.remsi %parallel_loop3A_249, %parallel_loop3A_286 : i32
        %parallel_loop3A_288 = arith.constant 0 : i32
        %parallel_loop3A_289 = arith.cmpi ne, %parallel_loop3A_287, %parallel_loop3A_288 : i32
        %parallel_loop3A_290 = arith.constant 0 : i32
        %parallel_loop3A_291 = arith.cmpi slt, %parallel_loop3A_287, %parallel_loop3A_290 : i32
        %parallel_loop3A_292 = arith.constant 0 : i32
        %parallel_loop3A_293 = arith.cmpi slt, %parallel_loop3A_286, %parallel_loop3A_292 : i32
        %parallel_loop3A_294 = arith.xori %parallel_loop3A_291, %parallel_loop3A_293 : i1
        %parallel_loop3A_295 = arith.andi %parallel_loop3A_294, %parallel_loop3A_289 : i1
        %parallel_loop3A_296 = arith.addi %parallel_loop3A_287, %parallel_loop3A_286 : i32
        %parallel_loop3A_297 = arith.select %parallel_loop3A_295, %parallel_loop3A_296, %parallel_loop3A_287 : i32
        %parallel_loop3A_298 = arith.index_cast %parallel_loop3A_281 : i32 to index
        %parallel_loop3A_299 = arith.index_cast %parallel_loop3A_297 : i32 to index
        %parallel_loop3A_300 = arith.constant 0 : index
        %parallel_loop3A_301 = tpu.vector_load %arg13[%parallel_loop3A_298, %parallel_loop3A_299, %parallel_loop3A_300] {strides = array<i32>} : memref<8x8x128xf32, #tpu.memory_space<vmem>>, vector<16xf32>,
        tpu.vector_store %arg13[%parallel_loop3A_298, %parallel_loop3A_299, %parallel_loop3A_300], %parallel_loop3A_257 {strides = array<i32>} : memref<8x8x128xf32, #tpu.memory_space<vmem>>, vector<16xf32>,
        %parallel_loop3A_302 = arith.constant 16 : i32
        %parallel_loop3A_303 = vector.broadcast %parallel_loop3A_302 : i32 to vector<16xi32>
        %parallel_loop3A_304 = arith.addi %parallel_loop3A_303, %iota3A : vector<16xi32>
        %parallel_loop3A_305 = tpu.vector_load_idx %arg8[%parallel_loop3A_304, %parallel_loop3A_253] : memref<128x65xf32, #tpu.memory_space<vmem>>[vector<16xi32>, vector<16xi32>], vector<16xf32>,
        %parallel_loop3A_306 = arith.constant 8 : i32
        %parallel_loop3A_307 = arith.divsi %parallel_loop3A_249, %parallel_loop3A_306 : i32
        %parallel_loop3A_308 = arith.constant 0 : i32
        %parallel_loop3A_309 = arith.cmpi sgt, %parallel_loop3A_249, %parallel_loop3A_308 : i32
        %parallel_loop3A_310 = arith.extui %parallel_loop3A_309 : i1 to i32
        %parallel_loop3A_311 = arith.constant 0 : i32
        %parallel_loop3A_312 = arith.cmpi slt, %parallel_loop3A_249, %parallel_loop3A_311 : i32
        %parallel_loop3A_313 = arith.extui %parallel_loop3A_312 : i1 to i32
        %parallel_loop3A_314 = arith.subi %parallel_loop3A_310, %parallel_loop3A_313 : i32
        %parallel_loop3A_315 = arith.constant 0 : i32
        %parallel_loop3A_316 = arith.cmpi sgt, %parallel_loop3A_306, %parallel_loop3A_315 : i32
        %parallel_loop3A_317 = arith.extui %parallel_loop3A_316 : i1 to i32
        %parallel_loop3A_318 = arith.constant 0 : i32
        %parallel_loop3A_319 = arith.cmpi slt, %parallel_loop3A_306, %parallel_loop3A_318 : i32
        %parallel_loop3A_320 = arith.extui %parallel_loop3A_319 : i1 to i32
        %parallel_loop3A_321 = arith.subi %parallel_loop3A_317, %parallel_loop3A_320 : i32
        %parallel_loop3A_322 = arith.cmpi ne, %parallel_loop3A_314, %parallel_loop3A_321 : i32
        %parallel_loop3A_323 = arith.remsi %parallel_loop3A_249, %parallel_loop3A_306 : i32
        %parallel_loop3A_324 = arith.constant 0 : i32
        %parallel_loop3A_325 = arith.cmpi ne, %parallel_loop3A_323, %parallel_loop3A_324 : i32
        %parallel_loop3A_326 = arith.andi %parallel_loop3A_322, %parallel_loop3A_325 : i1
        %parallel_loop3A_327 = arith.constant 1 : i32
        %parallel_loop3A_328 = arith.subi %parallel_loop3A_307, %parallel_loop3A_327 : i32
        %parallel_loop3A_329 = arith.select %parallel_loop3A_326, %parallel_loop3A_328, %parallel_loop3A_307 : i32
        %parallel_loop3A_330 = arith.constant 8 : i32
        %parallel_loop3A_331 = arith.constant 0 : i32
        %parallel_loop3A_332 = arith.cmpi eq, %parallel_loop3A_330, %parallel_loop3A_331 : i32
        %parallel_loop3A_333 = arith.constant 1 : i32
        %parallel_loop3A_334 = arith.select %parallel_loop3A_332, %parallel_loop3A_333, %parallel_loop3A_330 : i32
        %parallel_loop3A_335 = arith.remsi %parallel_loop3A_249, %parallel_loop3A_334 : i32
        %parallel_loop3A_336 = arith.constant 0 : i32
        %parallel_loop3A_337 = arith.cmpi ne, %parallel_loop3A_335, %parallel_loop3A_336 : i32
        %parallel_loop3A_338 = arith.constant 0 : i32
        %parallel_loop3A_339 = arith.cmpi slt, %parallel_loop3A_335, %parallel_loop3A_338 : i32
        %parallel_loop3A_340 = arith.constant 0 : i32
        %parallel_loop3A_341 = arith.cmpi slt, %parallel_loop3A_334, %parallel_loop3A_340 : i32
        %parallel_loop3A_342 = arith.xori %parallel_loop3A_339, %parallel_loop3A_341 : i1
        %parallel_loop3A_343 = arith.andi %parallel_loop3A_342, %parallel_loop3A_337 : i1
        %parallel_loop3A_344 = arith.addi %parallel_loop3A_335, %parallel_loop3A_334 : i32
        %parallel_loop3A_345 = arith.select %parallel_loop3A_343, %parallel_loop3A_344, %parallel_loop3A_335 : i32
        %parallel_loop3A_346 = arith.index_cast %parallel_loop3A_329 : i32 to index
        %parallel_loop3A_347 = arith.index_cast %parallel_loop3A_345 : i32 to index
        %parallel_loop3A_348 = arith.constant 16 : index
        %parallel_loop3A_349 = tpu.vector_load %arg13[%parallel_loop3A_346, %parallel_loop3A_347, %parallel_loop3A_348] {strides = array<i32>} : memref<8x8x128xf32, #tpu.memory_space<vmem>>, vector<16xf32>,
        tpu.vector_store %arg13[%parallel_loop3A_346, %parallel_loop3A_347, %parallel_loop3A_348], %parallel_loop3A_305 {strides = array<i32>} : memref<8x8x128xf32, #tpu.memory_space<vmem>>, vector<16xf32>,
        %parallel_loop3A_350 = arith.constant 32 : i32
        %parallel_loop3A_351 = vector.broadcast %parallel_loop3A_350 : i32 to vector<16xi32>
        %parallel_loop3A_352 = arith.addi %parallel_loop3A_351, %iota3A : vector<16xi32>
        %parallel_loop3A_353 = tpu.vector_load_idx %arg8[%parallel_loop3A_352, %parallel_loop3A_253] : memref<128x65xf32, #tpu.memory_space<vmem>>[vector<16xi32>, vector<16xi32>], vector<16xf32>,
        %parallel_loop3A_354 = arith.constant 8 : i32
        %parallel_loop3A_355 = arith.divsi %parallel_loop3A_249, %parallel_loop3A_354 : i32
        %parallel_loop3A_356 = arith.constant 0 : i32
        %parallel_loop3A_357 = arith.cmpi sgt, %parallel_loop3A_249, %parallel_loop3A_356 : i32
        %parallel_loop3A_358 = arith.extui %parallel_loop3A_357 : i1 to i32
        %parallel_loop3A_359 = arith.constant 0 : i32
        %parallel_loop3A_360 = arith.cmpi slt, %parallel_loop3A_249, %parallel_loop3A_359 : i32
        %parallel_loop3A_361 = arith.extui %parallel_loop3A_360 : i1 to i32
        %parallel_loop3A_362 = arith.subi %parallel_loop3A_358, %parallel_loop3A_361 : i32
        %parallel_loop3A_363 = arith.constant 0 : i32
        %parallel_loop3A_364 = arith.cmpi sgt, %parallel_loop3A_354, %parallel_loop3A_363 : i32
        %parallel_loop3A_365 = arith.extui %parallel_loop3A_364 : i1 to i32
        %parallel_loop3A_366 = arith.constant 0 : i32
        %parallel_loop3A_367 = arith.cmpi slt, %parallel_loop3A_354, %parallel_loop3A_366 : i32
        %parallel_loop3A_368 = arith.extui %parallel_loop3A_367 : i1 to i32
        %parallel_loop3A_369 = arith.subi %parallel_loop3A_365, %parallel_loop3A_368 : i32
        %parallel_loop3A_370 = arith.cmpi ne, %parallel_loop3A_362, %parallel_loop3A_369 : i32
        %parallel_loop3A_371 = arith.remsi %parallel_loop3A_249, %parallel_loop3A_354 : i32
        %parallel_loop3A_372 = arith.constant 0 : i32
        %parallel_loop3A_373 = arith.cmpi ne, %parallel_loop3A_371, %parallel_loop3A_372 : i32
        %parallel_loop3A_374 = arith.andi %parallel_loop3A_370, %parallel_loop3A_373 : i1
        %parallel_loop3A_375 = arith.constant 1 : i32
        %parallel_loop3A_376 = arith.subi %parallel_loop3A_355, %parallel_loop3A_375 : i32
        %parallel_loop3A_377 = arith.select %parallel_loop3A_374, %parallel_loop3A_376, %parallel_loop3A_355 : i32
        %parallel_loop3A_378 = arith.constant 8 : i32
        %parallel_loop3A_379 = arith.constant 0 : i32
        %parallel_loop3A_380 = arith.cmpi eq, %parallel_loop3A_378, %parallel_loop3A_379 : i32
        %parallel_loop3A_381 = arith.constant 1 : i32
        %parallel_loop3A_382 = arith.select %parallel_loop3A_380, %parallel_loop3A_381, %parallel_loop3A_378 : i32
        %parallel_loop3A_383 = arith.remsi %parallel_loop3A_249, %parallel_loop3A_382 : i32
        %parallel_loop3A_384 = arith.constant 0 : i32
        %parallel_loop3A_385 = arith.cmpi ne, %parallel_loop3A_383, %parallel_loop3A_384 : i32
        %parallel_loop3A_386 = arith.constant 0 : i32
        %parallel_loop3A_387 = arith.cmpi slt, %parallel_loop3A_383, %parallel_loop3A_386 : i32
        %parallel_loop3A_388 = arith.constant 0 : i32
        %parallel_loop3A_389 = arith.cmpi slt, %parallel_loop3A_382, %parallel_loop3A_388 : i32
        %parallel_loop3A_390 = arith.xori %parallel_loop3A_387, %parallel_loop3A_389 : i1
        %parallel_loop3A_391 = arith.andi %parallel_loop3A_390, %parallel_loop3A_385 : i1
        %parallel_loop3A_392 = arith.addi %parallel_loop3A_383, %parallel_loop3A_382 : i32
        %parallel_loop3A_393 = arith.select %parallel_loop3A_391, %parallel_loop3A_392, %parallel_loop3A_383 : i32
        %parallel_loop3A_394 = arith.index_cast %parallel_loop3A_377 : i32 to index
        %parallel_loop3A_395 = arith.index_cast %parallel_loop3A_393 : i32 to index
        %parallel_loop3A_396 = arith.constant 32 : index
        %parallel_loop3A_397 = tpu.vector_load %arg13[%parallel_loop3A_394, %parallel_loop3A_395, %parallel_loop3A_396] {strides = array<i32>} : memref<8x8x128xf32, #tpu.memory_space<vmem>>, vector<16xf32>,
        tpu.vector_store %arg13[%parallel_loop3A_394, %parallel_loop3A_395, %parallel_loop3A_396], %parallel_loop3A_353 {strides = array<i32>} : memref<8x8x128xf32, #tpu.memory_space<vmem>>, vector<16xf32>,
        %parallel_loop3A_398 = arith.constant 48 : i32
        %parallel_loop3A_399 = vector.broadcast %parallel_loop3A_398 : i32 to vector<16xi32>
        %parallel_loop3A_400 = arith.addi %parallel_loop3A_399, %iota3A : vector<16xi32>
        %parallel_loop3A_401 = tpu.vector_load_idx %arg8[%parallel_loop3A_400, %parallel_loop3A_253] : memref<128x65xf32, #tpu.memory_space<vmem>>[vector<16xi32>, vector<16xi32>], vector<16xf32>,
        %parallel_loop3A_402 = arith.constant 8 : i32
        %parallel_loop3A_403 = arith.divsi %parallel_loop3A_249, %parallel_loop3A_402 : i32
        %parallel_loop3A_404 = arith.constant 0 : i32
        %parallel_loop3A_405 = arith.cmpi sgt, %parallel_loop3A_249, %parallel_loop3A_404 : i32
        %parallel_loop3A_406 = arith.extui %parallel_loop3A_405 : i1 to i32
        %parallel_loop3A_407 = arith.constant 0 : i32
        %parallel_loop3A_408 = arith.cmpi slt, %parallel_loop3A_249, %parallel_loop3A_407 : i32
        %parallel_loop3A_409 = arith.extui %parallel_loop3A_408 : i1 to i32
        %parallel_loop3A_410 = arith.subi %parallel_loop3A_406, %parallel_loop3A_409 : i32
        %parallel_loop3A_411 = arith.constant 0 : i32
        %parallel_loop3A_412 = arith.cmpi sgt, %parallel_loop3A_402, %parallel_loop3A_411 : i32
        %parallel_loop3A_413 = arith.extui %parallel_loop3A_412 : i1 to i32
        %parallel_loop3A_414 = arith.constant 0 : i32
        %parallel_loop3A_415 = arith.cmpi slt, %parallel_loop3A_402, %parallel_loop3A_414 : i32
        %parallel_loop3A_416 = arith.extui %parallel_loop3A_415 : i1 to i32
        %parallel_loop3A_417 = arith.subi %parallel_loop3A_413, %parallel_loop3A_416 : i32
        %parallel_loop3A_418 = arith.cmpi ne, %parallel_loop3A_410, %parallel_loop3A_417 : i32
        %parallel_loop3A_419 = arith.remsi %parallel_loop3A_249, %parallel_loop3A_402 : i32
        %parallel_loop3A_420 = arith.constant 0 : i32
        %parallel_loop3A_421 = arith.cmpi ne, %parallel_loop3A_419, %parallel_loop3A_420 : i32
        %parallel_loop3A_422 = arith.andi %parallel_loop3A_418, %parallel_loop3A_421 : i1
        %parallel_loop3A_423 = arith.constant 1 : i32
        %parallel_loop3A_424 = arith.subi %parallel_loop3A_403, %parallel_loop3A_423 : i32
        %parallel_loop3A_425 = arith.select %parallel_loop3A_422, %parallel_loop3A_424, %parallel_loop3A_403 : i32
        %parallel_loop3A_426 = arith.constant 8 : i32
        %parallel_loop3A_427 = arith.constant 0 : i32
        %parallel_loop3A_428 = arith.cmpi eq, %parallel_loop3A_426, %parallel_loop3A_427 : i32
        %parallel_loop3A_429 = arith.constant 1 : i32
        %parallel_loop3A_430 = arith.select %parallel_loop3A_428, %parallel_loop3A_429, %parallel_loop3A_426 : i32
        %parallel_loop3A_431 = arith.remsi %parallel_loop3A_249, %parallel_loop3A_430 : i32
        %parallel_loop3A_432 = arith.constant 0 : i32
        %parallel_loop3A_433 = arith.cmpi ne, %parallel_loop3A_431, %parallel_loop3A_432 : i32
        %parallel_loop3A_434 = arith.constant 0 : i32
        %parallel_loop3A_435 = arith.cmpi slt, %parallel_loop3A_431, %parallel_loop3A_434 : i32
        %parallel_loop3A_436 = arith.constant 0 : i32
        %parallel_loop3A_437 = arith.cmpi slt, %parallel_loop3A_430, %parallel_loop3A_436 : i32
        %parallel_loop3A_438 = arith.xori %parallel_loop3A_435, %parallel_loop3A_437 : i1
        %parallel_loop3A_439 = arith.andi %parallel_loop3A_438, %parallel_loop3A_433 : i1
        %parallel_loop3A_440 = arith.addi %parallel_loop3A_431, %parallel_loop3A_430 : i32
        %parallel_loop3A_441 = arith.select %parallel_loop3A_439, %parallel_loop3A_440, %parallel_loop3A_431 : i32
        %parallel_loop3A_442 = arith.index_cast %parallel_loop3A_425 : i32 to index
        %parallel_loop3A_443 = arith.index_cast %parallel_loop3A_441 : i32 to index
        %parallel_loop3A_444 = arith.constant 48 : index
        %parallel_loop3A_445 = tpu.vector_load %arg13[%parallel_loop3A_442, %parallel_loop3A_443, %parallel_loop3A_444] {strides = array<i32>} : memref<8x8x128xf32, #tpu.memory_space<vmem>>, vector<16xf32>,
        tpu.vector_store %arg13[%parallel_loop3A_442, %parallel_loop3A_443, %parallel_loop3A_444], %parallel_loop3A_401 {strides = array<i32>} : memref<8x8x128xf32, #tpu.memory_space<vmem>>, vector<16xf32>,
        %parallel_loop3A_446 = arith.constant 64 : i32
        %parallel_loop3A_447 = vector.broadcast %parallel_loop3A_446 : i32 to vector<16xi32>
        %parallel_loop3A_448 = arith.addi %parallel_loop3A_447, %iota3A : vector<16xi32>
        %parallel_loop3A_449 = tpu.vector_load_idx %arg8[%parallel_loop3A_448, %parallel_loop3A_253] : memref<128x65xf32, #tpu.memory_space<vmem>>[vector<16xi32>, vector<16xi32>], vector<16xf32>,
        %parallel_loop3A_450 = arith.constant 8 : i32
        %parallel_loop3A_451 = arith.divsi %parallel_loop3A_249, %parallel_loop3A_450 : i32
        %parallel_loop3A_452 = arith.constant 0 : i32
        %parallel_loop3A_453 = arith.cmpi sgt, %parallel_loop3A_249, %parallel_loop3A_452 : i32
        %parallel_loop3A_454 = arith.extui %parallel_loop3A_453 : i1 to i32
        %parallel_loop3A_455 = arith.constant 0 : i32
        %parallel_loop3A_456 = arith.cmpi slt, %parallel_loop3A_249, %parallel_loop3A_455 : i32
        %parallel_loop3A_457 = arith.extui %parallel_loop3A_456 : i1 to i32
        %parallel_loop3A_458 = arith.subi %parallel_loop3A_454, %parallel_loop3A_457 : i32
        %parallel_loop3A_459 = arith.constant 0 : i32
        %parallel_loop3A_460 = arith.cmpi sgt, %parallel_loop3A_450, %parallel_loop3A_459 : i32
        %parallel_loop3A_461 = arith.extui %parallel_loop3A_460 : i1 to i32
        %parallel_loop3A_462 = arith.constant 0 : i32
        %parallel_loop3A_463 = arith.cmpi slt, %parallel_loop3A_450, %parallel_loop3A_462 : i32
        %parallel_loop3A_464 = arith.extui %parallel_loop3A_463 : i1 to i32
        %parallel_loop3A_465 = arith.subi %parallel_loop3A_461, %parallel_loop3A_464 : i32
        %parallel_loop3A_466 = arith.cmpi ne, %parallel_loop3A_458, %parallel_loop3A_465 : i32
        %parallel_loop3A_467 = arith.remsi %parallel_loop3A_249, %parallel_loop3A_450 : i32
        %parallel_loop3A_468 = arith.constant 0 : i32
        %parallel_loop3A_469 = arith.cmpi ne, %parallel_loop3A_467, %parallel_loop3A_468 : i32
        %parallel_loop3A_470 = arith.andi %parallel_loop3A_466, %parallel_loop3A_469 : i1
        %parallel_loop3A_471 = arith.constant 1 : i32
        %parallel_loop3A_472 = arith.subi %parallel_loop3A_451, %parallel_loop3A_471 : i32
        %parallel_loop3A_473 = arith.select %parallel_loop3A_470, %parallel_loop3A_472, %parallel_loop3A_451 : i32
        %parallel_loop3A_474 = arith.constant 8 : i32
        %parallel_loop3A_475 = arith.constant 0 : i32
        %parallel_loop3A_476 = arith.cmpi eq, %parallel_loop3A_474, %parallel_loop3A_475 : i32
        %parallel_loop3A_477 = arith.constant 1 : i32
        %parallel_loop3A_478 = arith.select %parallel_loop3A_476, %parallel_loop3A_477, %parallel_loop3A_474 : i32
        %parallel_loop3A_479 = arith.remsi %parallel_loop3A_249, %parallel_loop3A_478 : i32
        %parallel_loop3A_480 = arith.constant 0 : i32
        %parallel_loop3A_481 = arith.cmpi ne, %parallel_loop3A_479, %parallel_loop3A_480 : i32
        %parallel_loop3A_482 = arith.constant 0 : i32
        %parallel_loop3A_483 = arith.cmpi slt, %parallel_loop3A_479, %parallel_loop3A_482 : i32
        %parallel_loop3A_484 = arith.constant 0 : i32
        %parallel_loop3A_485 = arith.cmpi slt, %parallel_loop3A_478, %parallel_loop3A_484 : i32
        %parallel_loop3A_486 = arith.xori %parallel_loop3A_483, %parallel_loop3A_485 : i1
        %parallel_loop3A_487 = arith.andi %parallel_loop3A_486, %parallel_loop3A_481 : i1
        %parallel_loop3A_488 = arith.addi %parallel_loop3A_479, %parallel_loop3A_478 : i32
        %parallel_loop3A_489 = arith.select %parallel_loop3A_487, %parallel_loop3A_488, %parallel_loop3A_479 : i32
        %parallel_loop3A_490 = arith.index_cast %parallel_loop3A_473 : i32 to index
        %parallel_loop3A_491 = arith.index_cast %parallel_loop3A_489 : i32 to index
        %parallel_loop3A_492 = arith.constant 64 : index
        %parallel_loop3A_493 = tpu.vector_load %arg13[%parallel_loop3A_490, %parallel_loop3A_491, %parallel_loop3A_492] {strides = array<i32>} : memref<8x8x128xf32, #tpu.memory_space<vmem>>, vector<16xf32>,
        tpu.vector_store %arg13[%parallel_loop3A_490, %parallel_loop3A_491, %parallel_loop3A_492], %parallel_loop3A_449 {strides = array<i32>} : memref<8x8x128xf32, #tpu.memory_space<vmem>>, vector<16xf32>,
        %parallel_loop3A_494 = arith.constant 80 : i32
        %parallel_loop3A_495 = vector.broadcast %parallel_loop3A_494 : i32 to vector<16xi32>
        %parallel_loop3A_496 = arith.addi %parallel_loop3A_495, %iota3A : vector<16xi32>
        %parallel_loop3A_497 = tpu.vector_load_idx %arg8[%parallel_loop3A_496, %parallel_loop3A_253] : memref<128x65xf32, #tpu.memory_space<vmem>>[vector<16xi32>, vector<16xi32>], vector<16xf32>,
        %parallel_loop3A_498 = arith.constant 8 : i32
        %parallel_loop3A_499 = arith.divsi %parallel_loop3A_249, %parallel_loop3A_498 : i32
        %parallel_loop3A_500 = arith.constant 0 : i32
        %parallel_loop3A_501 = arith.cmpi sgt, %parallel_loop3A_249, %parallel_loop3A_500 : i32
        %parallel_loop3A_502 = arith.extui %parallel_loop3A_501 : i1 to i32
        %parallel_loop3A_503 = arith.constant 0 : i32
        %parallel_loop3A_504 = arith.cmpi slt, %parallel_loop3A_249, %parallel_loop3A_503 : i32
        %parallel_loop3A_505 = arith.extui %parallel_loop3A_504 : i1 to i32
        %parallel_loop3A_506 = arith.subi %parallel_loop3A_502, %parallel_loop3A_505 : i32
        %parallel_loop3A_507 = arith.constant 0 : i32
        %parallel_loop3A_508 = arith.cmpi sgt, %parallel_loop3A_498, %parallel_loop3A_507 : i32
        %parallel_loop3A_509 = arith.extui %parallel_loop3A_508 : i1 to i32
        %parallel_loop3A_510 = arith.constant 0 : i32
        %parallel_loop3A_511 = arith.cmpi slt, %parallel_loop3A_498, %parallel_loop3A_510 : i32
        %parallel_loop3A_512 = arith.extui %parallel_loop3A_511 : i1 to i32
        %parallel_loop3A_513 = arith.subi %parallel_loop3A_509, %parallel_loop3A_512 : i32
        %parallel_loop3A_514 = arith.cmpi ne, %parallel_loop3A_506, %parallel_loop3A_513 : i32
        %parallel_loop3A_515 = arith.remsi %parallel_loop3A_249, %parallel_loop3A_498 : i32
        %parallel_loop3A_516 = arith.constant 0 : i32
        %parallel_loop3A_517 = arith.cmpi ne, %parallel_loop3A_515, %parallel_loop3A_516 : i32
        %parallel_loop3A_518 = arith.andi %parallel_loop3A_514, %parallel_loop3A_517 : i1
        %parallel_loop3A_519 = arith.constant 1 : i32
        %parallel_loop3A_520 = arith.subi %parallel_loop3A_499, %parallel_loop3A_519 : i32
        %parallel_loop3A_521 = arith.select %parallel_loop3A_518, %parallel_loop3A_520, %parallel_loop3A_499 : i32
        %parallel_loop3A_522 = arith.constant 8 : i32
        %parallel_loop3A_523 = arith.constant 0 : i32
        %parallel_loop3A_524 = arith.cmpi eq, %parallel_loop3A_522, %parallel_loop3A_523 : i32
        %parallel_loop3A_525 = arith.constant 1 : i32
        %parallel_loop3A_526 = arith.select %parallel_loop3A_524, %parallel_loop3A_525, %parallel_loop3A_522 : i32
        %parallel_loop3A_527 = arith.remsi %parallel_loop3A_249, %parallel_loop3A_526 : i32
        %parallel_loop3A_528 = arith.constant 0 : i32
        %parallel_loop3A_529 = arith.cmpi ne, %parallel_loop3A_527, %parallel_loop3A_528 : i32
        %parallel_loop3A_530 = arith.constant 0 : i32
        %parallel_loop3A_531 = arith.cmpi slt, %parallel_loop3A_527, %parallel_loop3A_530 : i32
        %parallel_loop3A_532 = arith.constant 0 : i32
        %parallel_loop3A_533 = arith.cmpi slt, %parallel_loop3A_526, %parallel_loop3A_532 : i32
        %parallel_loop3A_534 = arith.xori %parallel_loop3A_531, %parallel_loop3A_533 : i1
        %parallel_loop3A_535 = arith.andi %parallel_loop3A_534, %parallel_loop3A_529 : i1
        %parallel_loop3A_536 = arith.addi %parallel_loop3A_527, %parallel_loop3A_526 : i32
        %parallel_loop3A_537 = arith.select %parallel_loop3A_535, %parallel_loop3A_536, %parallel_loop3A_527 : i32
        %parallel_loop3A_538 = arith.index_cast %parallel_loop3A_521 : i32 to index
        %parallel_loop3A_539 = arith.index_cast %parallel_loop3A_537 : i32 to index
        %parallel_loop3A_540 = arith.constant 80 : index
        %parallel_loop3A_541 = tpu.vector_load %arg13[%parallel_loop3A_538, %parallel_loop3A_539, %parallel_loop3A_540] {strides = array<i32>} : memref<8x8x128xf32, #tpu.memory_space<vmem>>, vector<16xf32>,
        tpu.vector_store %arg13[%parallel_loop3A_538, %parallel_loop3A_539, %parallel_loop3A_540], %parallel_loop3A_497 {strides = array<i32>} : memref<8x8x128xf32, #tpu.memory_space<vmem>>, vector<16xf32>,
        %parallel_loop3A_542 = arith.constant 96 : i32
        %parallel_loop3A_543 = vector.broadcast %parallel_loop3A_542 : i32 to vector<16xi32>
        %parallel_loop3A_544 = arith.addi %parallel_loop3A_543, %iota3A : vector<16xi32>
        %parallel_loop3A_545 = tpu.vector_load_idx %arg8[%parallel_loop3A_544, %parallel_loop3A_253] : memref<128x65xf32, #tpu.memory_space<vmem>>[vector<16xi32>, vector<16xi32>], vector<16xf32>,
        %parallel_loop3A_546 = arith.constant 8 : i32
        %parallel_loop3A_547 = arith.divsi %parallel_loop3A_249, %parallel_loop3A_546 : i32
        %parallel_loop3A_548 = arith.constant 0 : i32
        %parallel_loop3A_549 = arith.cmpi sgt, %parallel_loop3A_249, %parallel_loop3A_548 : i32
        %parallel_loop3A_550 = arith.extui %parallel_loop3A_549 : i1 to i32
        %parallel_loop3A_551 = arith.constant 0 : i32
        %parallel_loop3A_552 = arith.cmpi slt, %parallel_loop3A_249, %parallel_loop3A_551 : i32
        %parallel_loop3A_553 = arith.extui %parallel_loop3A_552 : i1 to i32
        %parallel_loop3A_554 = arith.subi %parallel_loop3A_550, %parallel_loop3A_553 : i32
        %parallel_loop3A_555 = arith.constant 0 : i32
        %parallel_loop3A_556 = arith.cmpi sgt, %parallel_loop3A_546, %parallel_loop3A_555 : i32
        %parallel_loop3A_557 = arith.extui %parallel_loop3A_556 : i1 to i32
        %parallel_loop3A_558 = arith.constant 0 : i32
        %parallel_loop3A_559 = arith.cmpi slt, %parallel_loop3A_546, %parallel_loop3A_558 : i32
        %parallel_loop3A_560 = arith.extui %parallel_loop3A_559 : i1 to i32
        %parallel_loop3A_561 = arith.subi %parallel_loop3A_557, %parallel_loop3A_560 : i32
        %parallel_loop3A_562 = arith.cmpi ne, %parallel_loop3A_554, %parallel_loop3A_561 : i32
        %parallel_loop3A_563 = arith.remsi %parallel_loop3A_249, %parallel_loop3A_546 : i32
        %parallel_loop3A_564 = arith.constant 0 : i32
        %parallel_loop3A_565 = arith.cmpi ne, %parallel_loop3A_563, %parallel_loop3A_564 : i32
        %parallel_loop3A_566 = arith.andi %parallel_loop3A_562, %parallel_loop3A_565 : i1
        %parallel_loop3A_567 = arith.constant 1 : i32
        %parallel_loop3A_568 = arith.subi %parallel_loop3A_547, %parallel_loop3A_567 : i32
        %parallel_loop3A_569 = arith.select %parallel_loop3A_566, %parallel_loop3A_568, %parallel_loop3A_547 : i32
        %parallel_loop3A_570 = arith.constant 8 : i32
        %parallel_loop3A_571 = arith.constant 0 : i32
        %parallel_loop3A_572 = arith.cmpi eq, %parallel_loop3A_570, %parallel_loop3A_571 : i32
        %parallel_loop3A_573 = arith.constant 1 : i32
        %parallel_loop3A_574 = arith.select %parallel_loop3A_572, %parallel_loop3A_573, %parallel_loop3A_570 : i32
        %parallel_loop3A_575 = arith.remsi %parallel_loop3A_249, %parallel_loop3A_574 : i32
        %parallel_loop3A_576 = arith.constant 0 : i32
        %parallel_loop3A_577 = arith.cmpi ne, %parallel_loop3A_575, %parallel_loop3A_576 : i32
        %parallel_loop3A_578 = arith.constant 0 : i32
        %parallel_loop3A_579 = arith.cmpi slt, %parallel_loop3A_575, %parallel_loop3A_578 : i32
        %parallel_loop3A_580 = arith.constant 0 : i32
        %parallel_loop3A_581 = arith.cmpi slt, %parallel_loop3A_574, %parallel_loop3A_580 : i32
        %parallel_loop3A_582 = arith.xori %parallel_loop3A_579, %parallel_loop3A_581 : i1
        %parallel_loop3A_583 = arith.andi %parallel_loop3A_582, %parallel_loop3A_577 : i1
        %parallel_loop3A_584 = arith.addi %parallel_loop3A_575, %parallel_loop3A_574 : i32
        %parallel_loop3A_585 = arith.select %parallel_loop3A_583, %parallel_loop3A_584, %parallel_loop3A_575 : i32
        %parallel_loop3A_586 = arith.index_cast %parallel_loop3A_569 : i32 to index
        %parallel_loop3A_587 = arith.index_cast %parallel_loop3A_585 : i32 to index
        %parallel_loop3A_588 = arith.constant 96 : index
        %parallel_loop3A_589 = tpu.vector_load %arg13[%parallel_loop3A_586, %parallel_loop3A_587, %parallel_loop3A_588] {strides = array<i32>} : memref<8x8x128xf32, #tpu.memory_space<vmem>>, vector<16xf32>,
        tpu.vector_store %arg13[%parallel_loop3A_586, %parallel_loop3A_587, %parallel_loop3A_588], %parallel_loop3A_545 {strides = array<i32>} : memref<8x8x128xf32, #tpu.memory_space<vmem>>, vector<16xf32>,
        %parallel_loop3A_590 = arith.constant 112 : i32
        %parallel_loop3A_591 = vector.broadcast %parallel_loop3A_590 : i32 to vector<16xi32>
        %parallel_loop3A_592 = arith.addi %parallel_loop3A_591, %iota3A : vector<16xi32>
        %parallel_loop3A_593 = tpu.vector_load_idx %arg8[%parallel_loop3A_592, %parallel_loop3A_253] : memref<128x65xf32, #tpu.memory_space<vmem>>[vector<16xi32>, vector<16xi32>], vector<16xf32>,
        %parallel_loop3A_594 = arith.constant 8 : i32
        %parallel_loop3A_595 = arith.divsi %parallel_loop3A_249, %parallel_loop3A_594 : i32
        %parallel_loop3A_596 = arith.constant 0 : i32
        %parallel_loop3A_597 = arith.cmpi sgt, %parallel_loop3A_249, %parallel_loop3A_596 : i32
        %parallel_loop3A_598 = arith.extui %parallel_loop3A_597 : i1 to i32
        %parallel_loop3A_599 = arith.constant 0 : i32
        %parallel_loop3A_600 = arith.cmpi slt, %parallel_loop3A_249, %parallel_loop3A_599 : i32
        %parallel_loop3A_601 = arith.extui %parallel_loop3A_600 : i1 to i32
        %parallel_loop3A_602 = arith.subi %parallel_loop3A_598, %parallel_loop3A_601 : i32
        %parallel_loop3A_603 = arith.constant 0 : i32
        %parallel_loop3A_604 = arith.cmpi sgt, %parallel_loop3A_594, %parallel_loop3A_603 : i32
        %parallel_loop3A_605 = arith.extui %parallel_loop3A_604 : i1 to i32
        %parallel_loop3A_606 = arith.constant 0 : i32
        %parallel_loop3A_607 = arith.cmpi slt, %parallel_loop3A_594, %parallel_loop3A_606 : i32
        %parallel_loop3A_608 = arith.extui %parallel_loop3A_607 : i1 to i32
        %parallel_loop3A_609 = arith.subi %parallel_loop3A_605, %parallel_loop3A_608 : i32
        %parallel_loop3A_610 = arith.cmpi ne, %parallel_loop3A_602, %parallel_loop3A_609 : i32
        %parallel_loop3A_611 = arith.remsi %parallel_loop3A_249, %parallel_loop3A_594 : i32
        %parallel_loop3A_612 = arith.constant 0 : i32
        %parallel_loop3A_613 = arith.cmpi ne, %parallel_loop3A_611, %parallel_loop3A_612 : i32
        %parallel_loop3A_614 = arith.andi %parallel_loop3A_610, %parallel_loop3A_613 : i1
        %parallel_loop3A_615 = arith.constant 1 : i32
        %parallel_loop3A_616 = arith.subi %parallel_loop3A_595, %parallel_loop3A_615 : i32
        %parallel_loop3A_617 = arith.select %parallel_loop3A_614, %parallel_loop3A_616, %parallel_loop3A_595 : i32
        %parallel_loop3A_618 = arith.constant 8 : i32
        %parallel_loop3A_619 = arith.constant 0 : i32
        %parallel_loop3A_620 = arith.cmpi eq, %parallel_loop3A_618, %parallel_loop3A_619 : i32
        %parallel_loop3A_621 = arith.constant 1 : i32
        %parallel_loop3A_622 = arith.select %parallel_loop3A_620, %parallel_loop3A_621, %parallel_loop3A_618 : i32
        %parallel_loop3A_623 = arith.remsi %parallel_loop3A_249, %parallel_loop3A_622 : i32
        %parallel_loop3A_624 = arith.constant 0 : i32
        %parallel_loop3A_625 = arith.cmpi ne, %parallel_loop3A_623, %parallel_loop3A_624 : i32
        %parallel_loop3A_626 = arith.constant 0 : i32
        %parallel_loop3A_627 = arith.cmpi slt, %parallel_loop3A_623, %parallel_loop3A_626 : i32
        %parallel_loop3A_628 = arith.constant 0 : i32
        %parallel_loop3A_629 = arith.cmpi slt, %parallel_loop3A_622, %parallel_loop3A_628 : i32
        %parallel_loop3A_630 = arith.xori %parallel_loop3A_627, %parallel_loop3A_629 : i1
        %parallel_loop3A_631 = arith.andi %parallel_loop3A_630, %parallel_loop3A_625 : i1
        %parallel_loop3A_632 = arith.addi %parallel_loop3A_623, %parallel_loop3A_622 : i32
        %parallel_loop3A_633 = arith.select %parallel_loop3A_631, %parallel_loop3A_632, %parallel_loop3A_623 : i32
        %parallel_loop3A_634 = arith.index_cast %parallel_loop3A_617 : i32 to index
        %parallel_loop3A_635 = arith.index_cast %parallel_loop3A_633 : i32 to index
        %parallel_loop3A_636 = arith.constant 112 : index
        %parallel_loop3A_637 = tpu.vector_load %arg13[%parallel_loop3A_634, %parallel_loop3A_635, %parallel_loop3A_636] {strides = array<i32>} : memref<8x8x128xf32, #tpu.memory_space<vmem>>, vector<16xf32>,
        tpu.vector_store %arg13[%parallel_loop3A_634, %parallel_loop3A_635, %parallel_loop3A_636], %parallel_loop3A_593 {strides = array<i32>} : memref<8x8x128xf32, #tpu.memory_space<vmem>>, vector<16xf32>,
      } {sc.loop_unroll_factor = 2 : i64, sc.parallel_access}
      %dma_start3A_86 = arith.constant 0 : i32
      %dma_start3A_87 = arith.constant 0 : i32
      %dma_start3A_88 = arith.constant 0 : i32
      %dma_start3A_89 = tpu.memref_slice %arg5[%add3A_54, %dma_start3A_86, %add3A, %dma_start3A_87, %dma_start3A_88] : memref<200x8x32x8x128xf32, #tpu.memory_space<hbm>> -> memref<1x8x1x8x128xf32, #tpu.memory_space<hbm>>
      %dma_start3A_90 = tpu.memref_squeeze %dma_start3A_89 : memref<1x8x1x8x128xf32, #tpu.memory_space<hbm>> -> memref<8x8x128xf32, #tpu.memory_space<hbm>>
      %dma_start3A_91 = arith.constant 0 : i32
      %dma_start3A_92 = arith.constant 0 : i32
      %dma_start3A_93 = arith.constant 0 : i32
      %dma_start3A_94 = tpu.memref_slice %arg5[%add3A_54, %dma_start3A_91, %add3A, %dma_start3A_92, %dma_start3A_93] : memref<200x8x32x8x128xf32, #tpu.memory_space<hbm>> -> memref<1x8x1x8x128xf32, #tpu.memory_space<hbm>>
      %dma_start3A_95 = tpu.memref_squeeze %dma_start3A_94 : memref<1x8x1x8x128xf32, #tpu.memory_space<hbm>> -> memref<8x8x128xf32, #tpu.memory_space<hbm>>
      tpu.enqueue_dma source(%arg13 : memref<8x8x128xf32, #tpu.memory_space<vmem>>) target(%dma_start3A_95 : memref<8x8x128xf32, #tpu.memory_space<hbm>>) target_semaphore(%arg19 : memref<!tpu.dma_semaphore, #tpu.memory_space<semaphore_mem>>)
      %mul3A_96 = arith.constant 4 : i32
      %mul3A_97 = arith.muli %mul3A_96, %scan3A_50 : i32
      %add3A_98 = arith.constant 1 : i32
      %add3A_99 = arith.addi %mul3A_97, %add3A_98 : i32
      %add3A_100 = arith.constant 3 : i32
      %add3A_101 = arith.addi %add3A_99, %add3A_100 : i32
      %lt3A_102 = arith.constant 200 : i32
      %lt3A_103 = arith.cmpi slt, %add3A_101, %lt3A_102 : i32
      %convert_element_type3A_104 = arith.extui %lt3A_103 : i1 to i32
      %cond3A_105 = arith.constant 0 : i32
      %cond3A_106 = arith.cmpi ne, %convert_element_type3A_104, %cond3A_105 : i32
      scf.if %cond3A_106 {
        %add3A_249 = arith.constant 3 : i32
        %add3A_250 = arith.addi %add3A_99, %add3A_249 : i32
        %dma_start3A_251 = arith.constant 0 : i32
        %dma_start3A_252 = tpu.memref_slice %arg6[%add3A_250, %dma_start3A_251] : memref<200x128xi32, #tpu.memory_space<vmem>> -> memref<1x128xi32, #tpu.memory_space<vmem>>
        %dma_start3A_253 = tpu.memref_squeeze %dma_start3A_252 : memref<1x128xi32, #tpu.memory_space<vmem>> -> memref<128xi32, #tpu.memory_space<vmem>>
        %dma_start3A_254 = arith.constant 0 : i32
        %dma_start3A_255 = arith.constant 0 : i32
        %dma_start3A_256 = tpu.memref_slice %arg3[%dma_start3A_254, %dma_start3A_255] : memref<100000x64xf32, #tpu.memory_space<hbm>> -> memref<100000x64xf32, #tpu.memory_space<hbm>>
        tpu.enqueue_indirect_dma source(%dma_start3A_256 : memref<100000x64xf32, #tpu.memory_space<hbm>>) target(%arg9 : memref<128x64xf32, #tpu.memory_space<vmem>>) offsets(%dma_start3A_253 : memref<128xi32, #tpu.memory_space<vmem>>) semaphore(%arg15 : memref<!tpu.dma_semaphore, #tpu.memory_space<semaphore_mem>>)
      } else {
      }
      %dma_wait3A_107 = arith.constant 0 : i32
      %dma_wait3A_108 = arith.constant 0 : i32
      %dma_wait3A_109 = tpu.memref_slice %arg6[%dma_wait3A_107, %dma_wait3A_108] : memref<200x128xi32, #tpu.memory_space<vmem>> -> memref<1x128xi32, #tpu.memory_space<vmem>>
      %dma_wait3A_110 = tpu.memref_squeeze %dma_wait3A_109 : memref<1x128xi32, #tpu.memory_space<vmem>> -> memref<128xi32, #tpu.memory_space<vmem>>
      %dma_wait3A_111 = arith.constant 0 : i32
      %dma_wait3A_112 = arith.constant 0 : i32
      %dma_wait3A_113 = tpu.memref_slice %arg3[%dma_wait3A_111, %dma_wait3A_112] : memref<100000x64xf32, #tpu.memory_space<hbm>> -> memref<100000x64xf32, #tpu.memory_space<hbm>>
      tpu.wait_indirect_dma semaphore(%arg16 : memref<!tpu.dma_semaphore, #tpu.memory_space<semaphore_mem>>) src(%dma_wait3A_113 : memref<100000x64xf32, #tpu.memory_space<hbm>>) dst(%arg10 : memref<128x64xf32, #tpu.memory_space<vmem>>)
      %ge3A_114 = arith.constant 2 : i32
      %ge3A_115 = arith.cmpi sge, %add3A_99, %ge3A_114 : i32
      %convert_element_type3A_116 = arith.extui %ge3A_115 : i1 to i32
      %cond3A_117 = arith.constant 0 : i32
      %cond3A_118 = arith.cmpi ne, %convert_element_type3A_116, %cond3A_117 : i32
      scf.if %cond3A_118 {
        %dma_wait3A_249 = arith.constant 0 : i32
        %dma_wait3A_250 = arith.constant 0 : i32
        %dma_wait3A_251 = arith.constant 0 : i32
        %dma_wait3A_252 = arith.constant 0 : i32
        %dma_wait3A_253 = arith.constant 0 : i32
        %dma_wait3A_254 = tpu.memref_slice %arg5[%dma_wait3A_249, %dma_wait3A_251, %dma_wait3A_250, %dma_wait3A_252, %dma_wait3A_253] : memref<200x8x32x8x128xf32, #tpu.memory_space<hbm>> -> memref<1x8x1x8x128xf32, #tpu.memory_space<hbm>>
        %dma_wait3A_255 = tpu.memref_squeeze %dma_wait3A_254 : memref<1x8x1x8x128xf32, #tpu.memory_space<hbm>> -> memref<8x8x128xf32, #tpu.memory_space<hbm>>
        %dma_wait3A_256 = arith.constant 0 : i32
        %dma_wait3A_257 = arith.constant 0 : i32
        %dma_wait3A_258 = arith.constant 0 : i32
        %dma_wait3A_259 = tpu.memref_slice %arg5[%dma_wait3A_249, %dma_wait3A_256, %dma_wait3A_250, %dma_wait3A_257, %dma_wait3A_258] : memref<200x8x32x8x128xf32, #tpu.memory_space<hbm>> -> memref<1x8x1x8x128xf32, #tpu.memory_space<hbm>>
        %dma_wait3A_260 = tpu.memref_squeeze %dma_wait3A_259 : memref<1x8x1x8x128xf32, #tpu.memory_space<hbm>> -> memref<8x8x128xf32, #tpu.memory_space<hbm>>
        tpu.wait_dma2 semaphore(%arg20 : memref<!tpu.dma_semaphore, #tpu.memory_space<semaphore_mem>>) src(%arg14 : memref<8x8x128xf32, #tpu.memory_space<vmem>>) dst(%dma_wait3A_260 : memref<8x8x128xf32, #tpu.memory_space<hbm>>)
      } else {
      }
      %get3A_119 = arith.index_cast %add3A_99 : i32 to index
      %get3A_120 = arith.constant 0 : index
      %get3A_121 = tpu.vector_load %arg7[%get3A_119, %get3A_120] {strides = array<i32>} : memref<200x64xf32, #tpu.memory_space<vmem>>, vector<16xf32>,
      %get3A_122 = arith.index_cast %add3A_99 : i32 to index
      %get3A_123 = arith.constant 16 : index
      %get3A_124 = tpu.vector_load %arg7[%get3A_122, %get3A_123] {strides = array<i32>} : memref<200x64xf32, #tpu.memory_space<vmem>>, vector<16xf32>,
      %get3A_125 = arith.index_cast %add3A_99 : i32 to index
      %get3A_126 = arith.constant 32 : index
      %get3A_127 = tpu.vector_load %arg7[%get3A_125, %get3A_126] {strides = array<i32>} : memref<200x64xf32, #tpu.memory_space<vmem>>, vector<16xf32>,
      %get3A_128 = arith.index_cast %add3A_99 : i32 to index
      %get3A_129 = arith.constant 48 : index
      %get3A_130 = tpu.vector_load %arg7[%get3A_128, %get3A_129] {strides = array<i32>} : memref<200x64xf32, #tpu.memory_space<vmem>>, vector<16xf32>,
      %parallel_loop3A_131 = arith.constant 0 : i32
      %parallel_loop3A_132 = arith.constant 128 : i32
      %parallel_loop3A_133 = arith.constant 1 : i32
      scf.for %parallel_loop3A_249 = %parallel_loop3A_131 to %parallel_loop3A_132 step %parallel_loop3A_133  : i32 {
        %parallel_loop3A_250 = arith.index_cast %parallel_loop3A_249 : i32 to index
        %parallel_loop3A_251 = arith.constant 0 : index
        %parallel_loop3A_252 = tpu.vector_load %arg10[%parallel_loop3A_250, %parallel_loop3A_251] {strides = array<i32>} : memref<128x64xf32, #tpu.memory_space<vmem>>, vector<16xf32>,
        %parallel_loop3A_253 = arith.addf %parallel_loop3A_252, %get3A_121 : vector<16xf32>
        %parallel_loop3A_254 = arith.index_cast %parallel_loop3A_249 : i32 to index
        %parallel_loop3A_255 = arith.constant 0 : index
        %parallel_loop3A_256 = tpu.vector_load %arg8[%parallel_loop3A_254, %parallel_loop3A_255] {strides = array<i32>} : memref<128x65xf32, #tpu.memory_space<vmem>>, vector<16xf32>,
        tpu.vector_store %arg8[%parallel_loop3A_254, %parallel_loop3A_255], %parallel_loop3A_253 {strides = array<i32>} : memref<128x65xf32, #tpu.memory_space<vmem>>, vector<16xf32>,
        %parallel_loop3A_257 = arith.index_cast %parallel_loop3A_249 : i32 to index
        %parallel_loop3A_258 = arith.constant 16 : index
        %parallel_loop3A_259 = tpu.vector_load %arg10[%parallel_loop3A_257, %parallel_loop3A_258] {strides = array<i32>} : memref<128x64xf32, #tpu.memory_space<vmem>>, vector<16xf32>,
        %parallel_loop3A_260 = arith.addf %parallel_loop3A_259, %get3A_124 : vector<16xf32>
        %parallel_loop3A_261 = arith.index_cast %parallel_loop3A_249 : i32 to index
        %parallel_loop3A_262 = arith.constant 16 : index
        %parallel_loop3A_263 = tpu.vector_load %arg8[%parallel_loop3A_261, %parallel_loop3A_262] {strides = array<i32>} : memref<128x65xf32, #tpu.memory_space<vmem>>, vector<16xf32>,
        tpu.vector_store %arg8[%parallel_loop3A_261, %parallel_loop3A_262], %parallel_loop3A_260 {strides = array<i32>} : memref<128x65xf32, #tpu.memory_space<vmem>>, vector<16xf32>,
        %parallel_loop3A_264 = arith.index_cast %parallel_loop3A_249 : i32 to index
        %parallel_loop3A_265 = arith.constant 32 : index
        %parallel_loop3A_266 = tpu.vector_load %arg10[%parallel_loop3A_264, %parallel_loop3A_265] {strides = array<i32>} : memref<128x64xf32, #tpu.memory_space<vmem>>, vector<16xf32>,
        %parallel_loop3A_267 = arith.addf %parallel_loop3A_266, %get3A_127 : vector<16xf32>
        %parallel_loop3A_268 = arith.index_cast %parallel_loop3A_249 : i32 to index
        %parallel_loop3A_269 = arith.constant 32 : index
        %parallel_loop3A_270 = tpu.vector_load %arg8[%parallel_loop3A_268, %parallel_loop3A_269] {strides = array<i32>} : memref<128x65xf32, #tpu.memory_space<vmem>>, vector<16xf32>,
        tpu.vector_store %arg8[%parallel_loop3A_268, %parallel_loop3A_269], %parallel_loop3A_267 {strides = array<i32>} : memref<128x65xf32, #tpu.memory_space<vmem>>, vector<16xf32>,
        %parallel_loop3A_271 = arith.index_cast %parallel_loop3A_249 : i32 to index
        %parallel_loop3A_272 = arith.constant 48 : index
        %parallel_loop3A_273 = tpu.vector_load %arg10[%parallel_loop3A_271, %parallel_loop3A_272] {strides = array<i32>} : memref<128x64xf32, #tpu.memory_space<vmem>>, vector<16xf32>,
        %parallel_loop3A_274 = arith.addf %parallel_loop3A_273, %get3A_130 : vector<16xf32>
        %parallel_loop3A_275 = arith.index_cast %parallel_loop3A_249 : i32 to index
        %parallel_loop3A_276 = arith.constant 48 : index
        %parallel_loop3A_277 = tpu.vector_load %arg8[%parallel_loop3A_275, %parallel_loop3A_276] {strides = array<i32>} : memref<128x65xf32, #tpu.memory_space<vmem>>, vector<16xf32>,
        tpu.vector_store %arg8[%parallel_loop3A_275, %parallel_loop3A_276], %parallel_loop3A_274 {strides = array<i32>} : memref<128x65xf32, #tpu.memory_space<vmem>>, vector<16xf32>,
      } {sc.loop_unroll_factor = 2 : i64, sc.parallel_access}
      %parallel_loop3A_134 = arith.constant 0 : i32
      %parallel_loop3A_135 = arith.constant 64 : i32
      %parallel_loop3A_136 = arith.constant 1 : i32
      scf.for %parallel_loop3A_249 = %parallel_loop3A_134 to %parallel_loop3A_135 step %parallel_loop3A_136  : i32 {
        %parallel_loop3A_250 = arith.constant 0 : i32
        %parallel_loop3A_251 = vector.broadcast %parallel_loop3A_250 : i32 to vector<16xi32>
        %parallel_loop3A_252 = vector.broadcast %parallel_loop3A_249 : i32 to vector<16xi32>
        %parallel_loop3A_253 = arith.addi %parallel_loop3A_251, %parallel_loop3A_252 : vector<16xi32>
        %parallel_loop3A_254 = arith.constant 0 : i32
        %parallel_loop3A_255 = vector.broadcast %parallel_loop3A_254 : i32 to vector<16xi32>
        %parallel_loop3A_256 = arith.addi %parallel_loop3A_255, %iota3A : vector<16xi32>
        %parallel_loop3A_257 = tpu.vector_load_idx %arg8[%parallel_loop3A_256, %parallel_loop3A_253] : memref<128x65xf32, #tpu.memory_space<vmem>>[vector<16xi32>, vector<16xi32>], vector<16xf32>,
        %parallel_loop3A_258 = arith.constant 8 : i32
        %parallel_loop3A_259 = arith.divsi %parallel_loop3A_249, %parallel_loop3A_258 : i32
        %parallel_loop3A_260 = arith.constant 0 : i32
        %parallel_loop3A_261 = arith.cmpi sgt, %parallel_loop3A_249, %parallel_loop3A_260 : i32
        %parallel_loop3A_262 = arith.extui %parallel_loop3A_261 : i1 to i32
        %parallel_loop3A_263 = arith.constant 0 : i32
        %parallel_loop3A_264 = arith.cmpi slt, %parallel_loop3A_249, %parallel_loop3A_263 : i32
        %parallel_loop3A_265 = arith.extui %parallel_loop3A_264 : i1 to i32
        %parallel_loop3A_266 = arith.subi %parallel_loop3A_262, %parallel_loop3A_265 : i32
        %parallel_loop3A_267 = arith.constant 0 : i32
        %parallel_loop3A_268 = arith.cmpi sgt, %parallel_loop3A_258, %parallel_loop3A_267 : i32
        %parallel_loop3A_269 = arith.extui %parallel_loop3A_268 : i1 to i32
        %parallel_loop3A_270 = arith.constant 0 : i32
        %parallel_loop3A_271 = arith.cmpi slt, %parallel_loop3A_258, %parallel_loop3A_270 : i32
        %parallel_loop3A_272 = arith.extui %parallel_loop3A_271 : i1 to i32
        %parallel_loop3A_273 = arith.subi %parallel_loop3A_269, %parallel_loop3A_272 : i32
        %parallel_loop3A_274 = arith.cmpi ne, %parallel_loop3A_266, %parallel_loop3A_273 : i32
        %parallel_loop3A_275 = arith.remsi %parallel_loop3A_249, %parallel_loop3A_258 : i32
        %parallel_loop3A_276 = arith.constant 0 : i32
        %parallel_loop3A_277 = arith.cmpi ne, %parallel_loop3A_275, %parallel_loop3A_276 : i32
        %parallel_loop3A_278 = arith.andi %parallel_loop3A_274, %parallel_loop3A_277 : i1
        %parallel_loop3A_279 = arith.constant 1 : i32
        %parallel_loop3A_280 = arith.subi %parallel_loop3A_259, %parallel_loop3A_279 : i32
        %parallel_loop3A_281 = arith.select %parallel_loop3A_278, %parallel_loop3A_280, %parallel_loop3A_259 : i32
        %parallel_loop3A_282 = arith.constant 8 : i32
        %parallel_loop3A_283 = arith.constant 0 : i32
        %parallel_loop3A_284 = arith.cmpi eq, %parallel_loop3A_282, %parallel_loop3A_283 : i32
        %parallel_loop3A_285 = arith.constant 1 : i32
        %parallel_loop3A_286 = arith.select %parallel_loop3A_284, %parallel_loop3A_285, %parallel_loop3A_282 : i32
        %parallel_loop3A_287 = arith.remsi %parallel_loop3A_249, %parallel_loop3A_286 : i32
        %parallel_loop3A_288 = arith.constant 0 : i32
        %parallel_loop3A_289 = arith.cmpi ne, %parallel_loop3A_287, %parallel_loop3A_288 : i32
        %parallel_loop3A_290 = arith.constant 0 : i32
        %parallel_loop3A_291 = arith.cmpi slt, %parallel_loop3A_287, %parallel_loop3A_290 : i32
        %parallel_loop3A_292 = arith.constant 0 : i32
        %parallel_loop3A_293 = arith.cmpi slt, %parallel_loop3A_286, %parallel_loop3A_292 : i32
        %parallel_loop3A_294 = arith.xori %parallel_loop3A_291, %parallel_loop3A_293 : i1
        %parallel_loop3A_295 = arith.andi %parallel_loop3A_294, %parallel_loop3A_289 : i1
        %parallel_loop3A_296 = arith.addi %parallel_loop3A_287, %parallel_loop3A_286 : i32
        %parallel_loop3A_297 = arith.select %parallel_loop3A_295, %parallel_loop3A_296, %parallel_loop3A_287 : i32
        %parallel_loop3A_298 = arith.index_cast %parallel_loop3A_281 : i32 to index
        %parallel_loop3A_299 = arith.index_cast %parallel_loop3A_297 : i32 to index
        %parallel_loop3A_300 = arith.constant 0 : index
        %parallel_loop3A_301 = tpu.vector_load %arg14[%parallel_loop3A_298, %parallel_loop3A_299, %parallel_loop3A_300] {strides = array<i32>} : memref<8x8x128xf32, #tpu.memory_space<vmem>>, vector<16xf32>,
        tpu.vector_store %arg14[%parallel_loop3A_298, %parallel_loop3A_299, %parallel_loop3A_300], %parallel_loop3A_257 {strides = array<i32>} : memref<8x8x128xf32, #tpu.memory_space<vmem>>, vector<16xf32>,
        %parallel_loop3A_302 = arith.constant 16 : i32
        %parallel_loop3A_303 = vector.broadcast %parallel_loop3A_302 : i32 to vector<16xi32>
        %parallel_loop3A_304 = arith.addi %parallel_loop3A_303, %iota3A : vector<16xi32>
        %parallel_loop3A_305 = tpu.vector_load_idx %arg8[%parallel_loop3A_304, %parallel_loop3A_253] : memref<128x65xf32, #tpu.memory_space<vmem>>[vector<16xi32>, vector<16xi32>], vector<16xf32>,
        %parallel_loop3A_306 = arith.constant 8 : i32
        %parallel_loop3A_307 = arith.divsi %parallel_loop3A_249, %parallel_loop3A_306 : i32
        %parallel_loop3A_308 = arith.constant 0 : i32
        %parallel_loop3A_309 = arith.cmpi sgt, %parallel_loop3A_249, %parallel_loop3A_308 : i32
        %parallel_loop3A_310 = arith.extui %parallel_loop3A_309 : i1 to i32
        %parallel_loop3A_311 = arith.constant 0 : i32
        %parallel_loop3A_312 = arith.cmpi slt, %parallel_loop3A_249, %parallel_loop3A_311 : i32
        %parallel_loop3A_313 = arith.extui %parallel_loop3A_312 : i1 to i32
        %parallel_loop3A_314 = arith.subi %parallel_loop3A_310, %parallel_loop3A_313 : i32
        %parallel_loop3A_315 = arith.constant 0 : i32
        %parallel_loop3A_316 = arith.cmpi sgt, %parallel_loop3A_306, %parallel_loop3A_315 : i32
        %parallel_loop3A_317 = arith.extui %parallel_loop3A_316 : i1 to i32
        %parallel_loop3A_318 = arith.constant 0 : i32
        %parallel_loop3A_319 = arith.cmpi slt, %parallel_loop3A_306, %parallel_loop3A_318 : i32
        %parallel_loop3A_320 = arith.extui %parallel_loop3A_319 : i1 to i32
        %parallel_loop3A_321 = arith.subi %parallel_loop3A_317, %parallel_loop3A_320 : i32
        %parallel_loop3A_322 = arith.cmpi ne, %parallel_loop3A_314, %parallel_loop3A_321 : i32
        %parallel_loop3A_323 = arith.remsi %parallel_loop3A_249, %parallel_loop3A_306 : i32
        %parallel_loop3A_324 = arith.constant 0 : i32
        %parallel_loop3A_325 = arith.cmpi ne, %parallel_loop3A_323, %parallel_loop3A_324 : i32
        %parallel_loop3A_326 = arith.andi %parallel_loop3A_322, %parallel_loop3A_325 : i1
        %parallel_loop3A_327 = arith.constant 1 : i32
        %parallel_loop3A_328 = arith.subi %parallel_loop3A_307, %parallel_loop3A_327 : i32
        %parallel_loop3A_329 = arith.select %parallel_loop3A_326, %parallel_loop3A_328, %parallel_loop3A_307 : i32
        %parallel_loop3A_330 = arith.constant 8 : i32
        %parallel_loop3A_331 = arith.constant 0 : i32
        %parallel_loop3A_332 = arith.cmpi eq, %parallel_loop3A_330, %parallel_loop3A_331 : i32
        %parallel_loop3A_333 = arith.constant 1 : i32
        %parallel_loop3A_334 = arith.select %parallel_loop3A_332, %parallel_loop3A_333, %parallel_loop3A_330 : i32
        %parallel_loop3A_335 = arith.remsi %parallel_loop3A_249, %parallel_loop3A_334 : i32
        %parallel_loop3A_336 = arith.constant 0 : i32
        %parallel_loop3A_337 = arith.cmpi ne, %parallel_loop3A_335, %parallel_loop3A_336 : i32
        %parallel_loop3A_338 = arith.constant 0 : i32
        %parallel_loop3A_339 = arith.cmpi slt, %parallel_loop3A_335, %parallel_loop3A_338 : i32
        %parallel_loop3A_340 = arith.constant 0 : i32
        %parallel_loop3A_341 = arith.cmpi slt, %parallel_loop3A_334, %parallel_loop3A_340 : i32
        %parallel_loop3A_342 = arith.xori %parallel_loop3A_339, %parallel_loop3A_341 : i1
        %parallel_loop3A_343 = arith.andi %parallel_loop3A_342, %parallel_loop3A_337 : i1
        %parallel_loop3A_344 = arith.addi %parallel_loop3A_335, %parallel_loop3A_334 : i32
        %parallel_loop3A_345 = arith.select %parallel_loop3A_343, %parallel_loop3A_344, %parallel_loop3A_335 : i32
        %parallel_loop3A_346 = arith.index_cast %parallel_loop3A_329 : i32 to index
        %parallel_loop3A_347 = arith.index_cast %parallel_loop3A_345 : i32 to index
        %parallel_loop3A_348 = arith.constant 16 : index
        %parallel_loop3A_349 = tpu.vector_load %arg14[%parallel_loop3A_346, %parallel_loop3A_347, %parallel_loop3A_348] {strides = array<i32>} : memref<8x8x128xf32, #tpu.memory_space<vmem>>, vector<16xf32>,
        tpu.vector_store %arg14[%parallel_loop3A_346, %parallel_loop3A_347, %parallel_loop3A_348], %parallel_loop3A_305 {strides = array<i32>} : memref<8x8x128xf32, #tpu.memory_space<vmem>>, vector<16xf32>,
        %parallel_loop3A_350 = arith.constant 32 : i32
        %parallel_loop3A_351 = vector.broadcast %parallel_loop3A_350 : i32 to vector<16xi32>
        %parallel_loop3A_352 = arith.addi %parallel_loop3A_351, %iota3A : vector<16xi32>
        %parallel_loop3A_353 = tpu.vector_load_idx %arg8[%parallel_loop3A_352, %parallel_loop3A_253] : memref<128x65xf32, #tpu.memory_space<vmem>>[vector<16xi32>, vector<16xi32>], vector<16xf32>,
        %parallel_loop3A_354 = arith.constant 8 : i32
        %parallel_loop3A_355 = arith.divsi %parallel_loop3A_249, %parallel_loop3A_354 : i32
        %parallel_loop3A_356 = arith.constant 0 : i32
        %parallel_loop3A_357 = arith.cmpi sgt, %parallel_loop3A_249, %parallel_loop3A_356 : i32
        %parallel_loop3A_358 = arith.extui %parallel_loop3A_357 : i1 to i32
        %parallel_loop3A_359 = arith.constant 0 : i32
        %parallel_loop3A_360 = arith.cmpi slt, %parallel_loop3A_249, %parallel_loop3A_359 : i32
        %parallel_loop3A_361 = arith.extui %parallel_loop3A_360 : i1 to i32
        %parallel_loop3A_362 = arith.subi %parallel_loop3A_358, %parallel_loop3A_361 : i32
        %parallel_loop3A_363 = arith.constant 0 : i32
        %parallel_loop3A_364 = arith.cmpi sgt, %parallel_loop3A_354, %parallel_loop3A_363 : i32
        %parallel_loop3A_365 = arith.extui %parallel_loop3A_364 : i1 to i32
        %parallel_loop3A_366 = arith.constant 0 : i32
        %parallel_loop3A_367 = arith.cmpi slt, %parallel_loop3A_354, %parallel_loop3A_366 : i32
        %parallel_loop3A_368 = arith.extui %parallel_loop3A_367 : i1 to i32
        %parallel_loop3A_369 = arith.subi %parallel_loop3A_365, %parallel_loop3A_368 : i32
        %parallel_loop3A_370 = arith.cmpi ne, %parallel_loop3A_362, %parallel_loop3A_369 : i32
        %parallel_loop3A_371 = arith.remsi %parallel_loop3A_249, %parallel_loop3A_354 : i32
        %parallel_loop3A_372 = arith.constant 0 : i32
        %parallel_loop3A_373 = arith.cmpi ne, %parallel_loop3A_371, %parallel_loop3A_372 : i32
        %parallel_loop3A_374 = arith.andi %parallel_loop3A_370, %parallel_loop3A_373 : i1
        %parallel_loop3A_375 = arith.constant 1 : i32
        %parallel_loop3A_376 = arith.subi %parallel_loop3A_355, %parallel_loop3A_375 : i32
        %parallel_loop3A_377 = arith.select %parallel_loop3A_374, %parallel_loop3A_376, %parallel_loop3A_355 : i32
        %parallel_loop3A_378 = arith.constant 8 : i32
        %parallel_loop3A_379 = arith.constant 0 : i32
        %parallel_loop3A_380 = arith.cmpi eq, %parallel_loop3A_378, %parallel_loop3A_379 : i32
        %parallel_loop3A_381 = arith.constant 1 : i32
        %parallel_loop3A_382 = arith.select %parallel_loop3A_380, %parallel_loop3A_381, %parallel_loop3A_378 : i32
        %parallel_loop3A_383 = arith.remsi %parallel_loop3A_249, %parallel_loop3A_382 : i32
        %parallel_loop3A_384 = arith.constant 0 : i32
        %parallel_loop3A_385 = arith.cmpi ne, %parallel_loop3A_383, %parallel_loop3A_384 : i32
        %parallel_loop3A_386 = arith.constant 0 : i32
        %parallel_loop3A_387 = arith.cmpi slt, %parallel_loop3A_383, %parallel_loop3A_386 : i32
        %parallel_loop3A_388 = arith.constant 0 : i32
        %parallel_loop3A_389 = arith.cmpi slt, %parallel_loop3A_382, %parallel_loop3A_388 : i32
        %parallel_loop3A_390 = arith.xori %parallel_loop3A_387, %parallel_loop3A_389 : i1
        %parallel_loop3A_391 = arith.andi %parallel_loop3A_390, %parallel_loop3A_385 : i1
        %parallel_loop3A_392 = arith.addi %parallel_loop3A_383, %parallel_loop3A_382 : i32
        %parallel_loop3A_393 = arith.select %parallel_loop3A_391, %parallel_loop3A_392, %parallel_loop3A_383 : i32
        %parallel_loop3A_394 = arith.index_cast %parallel_loop3A_377 : i32 to index
        %parallel_loop3A_395 = arith.index_cast %parallel_loop3A_393 : i32 to index
        %parallel_loop3A_396 = arith.constant 32 : index
        %parallel_loop3A_397 = tpu.vector_load %arg14[%parallel_loop3A_394, %parallel_loop3A_395, %parallel_loop3A_396] {strides = array<i32>} : memref<8x8x128xf32, #tpu.memory_space<vmem>>, vector<16xf32>,
        tpu.vector_store %arg14[%parallel_loop3A_394, %parallel_loop3A_395, %parallel_loop3A_396], %parallel_loop3A_353 {strides = array<i32>} : memref<8x8x128xf32, #tpu.memory_space<vmem>>, vector<16xf32>,
        %parallel_loop3A_398 = arith.constant 48 : i32
        %parallel_loop3A_399 = vector.broadcast %parallel_loop3A_398 : i32 to vector<16xi32>
        %parallel_loop3A_400 = arith.addi %parallel_loop3A_399, %iota3A : vector<16xi32>
        %parallel_loop3A_401 = tpu.vector_load_idx %arg8[%parallel_loop3A_400, %parallel_loop3A_253] : memref<128x65xf32, #tpu.memory_space<vmem>>[vector<16xi32>, vector<16xi32>], vector<16xf32>,
        %parallel_loop3A_402 = arith.constant 8 : i32
        %parallel_loop3A_403 = arith.divsi %parallel_loop3A_249, %parallel_loop3A_402 : i32
        %parallel_loop3A_404 = arith.constant 0 : i32
        %parallel_loop3A_405 = arith.cmpi sgt, %parallel_loop3A_249, %parallel_loop3A_404 : i32
        %parallel_loop3A_406 = arith.extui %parallel_loop3A_405 : i1 to i32
        %parallel_loop3A_407 = arith.constant 0 : i32
        %parallel_loop3A_408 = arith.cmpi slt, %parallel_loop3A_249, %parallel_loop3A_407 : i32
        %parallel_loop3A_409 = arith.extui %parallel_loop3A_408 : i1 to i32
        %parallel_loop3A_410 = arith.subi %parallel_loop3A_406, %parallel_loop3A_409 : i32
        %parallel_loop3A_411 = arith.constant 0 : i32
        %parallel_loop3A_412 = arith.cmpi sgt, %parallel_loop3A_402, %parallel_loop3A_411 : i32
        %parallel_loop3A_413 = arith.extui %parallel_loop3A_412 : i1 to i32
        %parallel_loop3A_414 = arith.constant 0 : i32
        %parallel_loop3A_415 = arith.cmpi slt, %parallel_loop3A_402, %parallel_loop3A_414 : i32
        %parallel_loop3A_416 = arith.extui %parallel_loop3A_415 : i1 to i32
        %parallel_loop3A_417 = arith.subi %parallel_loop3A_413, %parallel_loop3A_416 : i32
        %parallel_loop3A_418 = arith.cmpi ne, %parallel_loop3A_410, %parallel_loop3A_417 : i32
        %parallel_loop3A_419 = arith.remsi %parallel_loop3A_249, %parallel_loop3A_402 : i32
        %parallel_loop3A_420 = arith.constant 0 : i32
        %parallel_loop3A_421 = arith.cmpi ne, %parallel_loop3A_419, %parallel_loop3A_420 : i32
        %parallel_loop3A_422 = arith.andi %parallel_loop3A_418, %parallel_loop3A_421 : i1
        %parallel_loop3A_423 = arith.constant 1 : i32
        %parallel_loop3A_424 = arith.subi %parallel_loop3A_403, %parallel_loop3A_423 : i32
        %parallel_loop3A_425 = arith.select %parallel_loop3A_422, %parallel_loop3A_424, %parallel_loop3A_403 : i32
        %parallel_loop3A_426 = arith.constant 8 : i32
        %parallel_loop3A_427 = arith.constant 0 : i32
        %parallel_loop3A_428 = arith.cmpi eq, %parallel_loop3A_426, %parallel_loop3A_427 : i32
        %parallel_loop3A_429 = arith.constant 1 : i32
        %parallel_loop3A_430 = arith.select %parallel_loop3A_428, %parallel_loop3A_429, %parallel_loop3A_426 : i32
        %parallel_loop3A_431 = arith.remsi %parallel_loop3A_249, %parallel_loop3A_430 : i32
        %parallel_loop3A_432 = arith.constant 0 : i32
        %parallel_loop3A_433 = arith.cmpi ne, %parallel_loop3A_431, %parallel_loop3A_432 : i32
        %parallel_loop3A_434 = arith.constant 0 : i32
        %parallel_loop3A_435 = arith.cmpi slt, %parallel_loop3A_431, %parallel_loop3A_434 : i32
        %parallel_loop3A_436 = arith.constant 0 : i32
        %parallel_loop3A_437 = arith.cmpi slt, %parallel_loop3A_430, %parallel_loop3A_436 : i32
        %parallel_loop3A_438 = arith.xori %parallel_loop3A_435, %parallel_loop3A_437 : i1
        %parallel_loop3A_439 = arith.andi %parallel_loop3A_438, %parallel_loop3A_433 : i1
        %parallel_loop3A_440 = arith.addi %parallel_loop3A_431, %parallel_loop3A_430 : i32
        %parallel_loop3A_441 = arith.select %parallel_loop3A_439, %parallel_loop3A_440, %parallel_loop3A_431 : i32
        %parallel_loop3A_442 = arith.index_cast %parallel_loop3A_425 : i32 to index
        %parallel_loop3A_443 = arith.index_cast %parallel_loop3A_441 : i32 to index
        %parallel_loop3A_444 = arith.constant 48 : index
        %parallel_loop3A_445 = tpu.vector_load %arg14[%parallel_loop3A_442, %parallel_loop3A_443, %parallel_loop3A_444] {strides = array<i32>} : memref<8x8x128xf32, #tpu.memory_space<vmem>>, vector<16xf32>,
        tpu.vector_store %arg14[%parallel_loop3A_442, %parallel_loop3A_443, %parallel_loop3A_444], %parallel_loop3A_401 {strides = array<i32>} : memref<8x8x128xf32, #tpu.memory_space<vmem>>, vector<16xf32>,
        %parallel_loop3A_446 = arith.constant 64 : i32
        %parallel_loop3A_447 = vector.broadcast %parallel_loop3A_446 : i32 to vector<16xi32>
        %parallel_loop3A_448 = arith.addi %parallel_loop3A_447, %iota3A : vector<16xi32>
        %parallel_loop3A_449 = tpu.vector_load_idx %arg8[%parallel_loop3A_448, %parallel_loop3A_253] : memref<128x65xf32, #tpu.memory_space<vmem>>[vector<16xi32>, vector<16xi32>], vector<16xf32>,
        %parallel_loop3A_450 = arith.constant 8 : i32
        %parallel_loop3A_451 = arith.divsi %parallel_loop3A_249, %parallel_loop3A_450 : i32
        %parallel_loop3A_452 = arith.constant 0 : i32
        %parallel_loop3A_453 = arith.cmpi sgt, %parallel_loop3A_249, %parallel_loop3A_452 : i32
        %parallel_loop3A_454 = arith.extui %parallel_loop3A_453 : i1 to i32
        %parallel_loop3A_455 = arith.constant 0 : i32
        %parallel_loop3A_456 = arith.cmpi slt, %parallel_loop3A_249, %parallel_loop3A_455 : i32
        %parallel_loop3A_457 = arith.extui %parallel_loop3A_456 : i1 to i32
        %parallel_loop3A_458 = arith.subi %parallel_loop3A_454, %parallel_loop3A_457 : i32
        %parallel_loop3A_459 = arith.constant 0 : i32
        %parallel_loop3A_460 = arith.cmpi sgt, %parallel_loop3A_450, %parallel_loop3A_459 : i32
        %parallel_loop3A_461 = arith.extui %parallel_loop3A_460 : i1 to i32
        %parallel_loop3A_462 = arith.constant 0 : i32
        %parallel_loop3A_463 = arith.cmpi slt, %parallel_loop3A_450, %parallel_loop3A_462 : i32
        %parallel_loop3A_464 = arith.extui %parallel_loop3A_463 : i1 to i32
        %parallel_loop3A_465 = arith.subi %parallel_loop3A_461, %parallel_loop3A_464 : i32
        %parallel_loop3A_466 = arith.cmpi ne, %parallel_loop3A_458, %parallel_loop3A_465 : i32
        %parallel_loop3A_467 = arith.remsi %parallel_loop3A_249, %parallel_loop3A_450 : i32
        %parallel_loop3A_468 = arith.constant 0 : i32
        %parallel_loop3A_469 = arith.cmpi ne, %parallel_loop3A_467, %parallel_loop3A_468 : i32
        %parallel_loop3A_470 = arith.andi %parallel_loop3A_466, %parallel_loop3A_469 : i1
        %parallel_loop3A_471 = arith.constant 1 : i32
        %parallel_loop3A_472 = arith.subi %parallel_loop3A_451, %parallel_loop3A_471 : i32
        %parallel_loop3A_473 = arith.select %parallel_loop3A_470, %parallel_loop3A_472, %parallel_loop3A_451 : i32
        %parallel_loop3A_474 = arith.constant 8 : i32
        %parallel_loop3A_475 = arith.constant 0 : i32
        %parallel_loop3A_476 = arith.cmpi eq, %parallel_loop3A_474, %parallel_loop3A_475 : i32
        %parallel_loop3A_477 = arith.constant 1 : i32
        %parallel_loop3A_478 = arith.select %parallel_loop3A_476, %parallel_loop3A_477, %parallel_loop3A_474 : i32
        %parallel_loop3A_479 = arith.remsi %parallel_loop3A_249, %parallel_loop3A_478 : i32
        %parallel_loop3A_480 = arith.constant 0 : i32
        %parallel_loop3A_481 = arith.cmpi ne, %parallel_loop3A_479, %parallel_loop3A_480 : i32
        %parallel_loop3A_482 = arith.constant 0 : i32
        %parallel_loop3A_483 = arith.cmpi slt, %parallel_loop3A_479, %parallel_loop3A_482 : i32
        %parallel_loop3A_484 = arith.constant 0 : i32
        %parallel_loop3A_485 = arith.cmpi slt, %parallel_loop3A_478, %parallel_loop3A_484 : i32
        %parallel_loop3A_486 = arith.xori %parallel_loop3A_483, %parallel_loop3A_485 : i1
        %parallel_loop3A_487 = arith.andi %parallel_loop3A_486, %parallel_loop3A_481 : i1
        %parallel_loop3A_488 = arith.addi %parallel_loop3A_479, %parallel_loop3A_478 : i32
        %parallel_loop3A_489 = arith.select %parallel_loop3A_487, %parallel_loop3A_488, %parallel_loop3A_479 : i32
        %parallel_loop3A_490 = arith.index_cast %parallel_loop3A_473 : i32 to index
        %parallel_loop3A_491 = arith.index_cast %parallel_loop3A_489 : i32 to index
        %parallel_loop3A_492 = arith.constant 64 : index
        %parallel_loop3A_493 = tpu.vector_load %arg14[%parallel_loop3A_490, %parallel_loop3A_491, %parallel_loop3A_492] {strides = array<i32>} : memref<8x8x128xf32, #tpu.memory_space<vmem>>, vector<16xf32>,
        tpu.vector_store %arg14[%parallel_loop3A_490, %parallel_loop3A_491, %parallel_loop3A_492], %parallel_loop3A_449 {strides = array<i32>} : memref<8x8x128xf32, #tpu.memory_space<vmem>>, vector<16xf32>,
        %parallel_loop3A_494 = arith.constant 80 : i32
        %parallel_loop3A_495 = vector.broadcast %parallel_loop3A_494 : i32 to vector<16xi32>
        %parallel_loop3A_496 = arith.addi %parallel_loop3A_495, %iota3A : vector<16xi32>
        %parallel_loop3A_497 = tpu.vector_load_idx %arg8[%parallel_loop3A_496, %parallel_loop3A_253] : memref<128x65xf32, #tpu.memory_space<vmem>>[vector<16xi32>, vector<16xi32>], vector<16xf32>,
        %parallel_loop3A_498 = arith.constant 8 : i32
        %parallel_loop3A_499 = arith.divsi %parallel_loop3A_249, %parallel_loop3A_498 : i32
        %parallel_loop3A_500 = arith.constant 0 : i32
        %parallel_loop3A_501 = arith.cmpi sgt, %parallel_loop3A_249, %parallel_loop3A_500 : i32
        %parallel_loop3A_502 = arith.extui %parallel_loop3A_501 : i1 to i32
        %parallel_loop3A_503 = arith.constant 0 : i32
        %parallel_loop3A_504 = arith.cmpi slt, %parallel_loop3A_249, %parallel_loop3A_503 : i32
        %parallel_loop3A_505 = arith.extui %parallel_loop3A_504 : i1 to i32
        %parallel_loop3A_506 = arith.subi %parallel_loop3A_502, %parallel_loop3A_505 : i32
        %parallel_loop3A_507 = arith.constant 0 : i32
        %parallel_loop3A_508 = arith.cmpi sgt, %parallel_loop3A_498, %parallel_loop3A_507 : i32
        %parallel_loop3A_509 = arith.extui %parallel_loop3A_508 : i1 to i32
        %parallel_loop3A_510 = arith.constant 0 : i32
        %parallel_loop3A_511 = arith.cmpi slt, %parallel_loop3A_498, %parallel_loop3A_510 : i32
        %parallel_loop3A_512 = arith.extui %parallel_loop3A_511 : i1 to i32
        %parallel_loop3A_513 = arith.subi %parallel_loop3A_509, %parallel_loop3A_512 : i32
        %parallel_loop3A_514 = arith.cmpi ne, %parallel_loop3A_506, %parallel_loop3A_513 : i32
        %parallel_loop3A_515 = arith.remsi %parallel_loop3A_249, %parallel_loop3A_498 : i32
        %parallel_loop3A_516 = arith.constant 0 : i32
        %parallel_loop3A_517 = arith.cmpi ne, %parallel_loop3A_515, %parallel_loop3A_516 : i32
        %parallel_loop3A_518 = arith.andi %parallel_loop3A_514, %parallel_loop3A_517 : i1
        %parallel_loop3A_519 = arith.constant 1 : i32
        %parallel_loop3A_520 = arith.subi %parallel_loop3A_499, %parallel_loop3A_519 : i32
        %parallel_loop3A_521 = arith.select %parallel_loop3A_518, %parallel_loop3A_520, %parallel_loop3A_499 : i32
        %parallel_loop3A_522 = arith.constant 8 : i32
        %parallel_loop3A_523 = arith.constant 0 : i32
        %parallel_loop3A_524 = arith.cmpi eq, %parallel_loop3A_522, %parallel_loop3A_523 : i32
        %parallel_loop3A_525 = arith.constant 1 : i32
        %parallel_loop3A_526 = arith.select %parallel_loop3A_524, %parallel_loop3A_525, %parallel_loop3A_522 : i32
        %parallel_loop3A_527 = arith.remsi %parallel_loop3A_249, %parallel_loop3A_526 : i32
        %parallel_loop3A_528 = arith.constant 0 : i32
        %parallel_loop3A_529 = arith.cmpi ne, %parallel_loop3A_527, %parallel_loop3A_528 : i32
        %parallel_loop3A_530 = arith.constant 0 : i32
        %parallel_loop3A_531 = arith.cmpi slt, %parallel_loop3A_527, %parallel_loop3A_530 : i32
        %parallel_loop3A_532 = arith.constant 0 : i32
        %parallel_loop3A_533 = arith.cmpi slt, %parallel_loop3A_526, %parallel_loop3A_532 : i32
        %parallel_loop3A_534 = arith.xori %parallel_loop3A_531, %parallel_loop3A_533 : i1
        %parallel_loop3A_535 = arith.andi %parallel_loop3A_534, %parallel_loop3A_529 : i1
        %parallel_loop3A_536 = arith.addi %parallel_loop3A_527, %parallel_loop3A_526 : i32
        %parallel_loop3A_537 = arith.select %parallel_loop3A_535, %parallel_loop3A_536, %parallel_loop3A_527 : i32
        %parallel_loop3A_538 = arith.index_cast %parallel_loop3A_521 : i32 to index
        %parallel_loop3A_539 = arith.index_cast %parallel_loop3A_537 : i32 to index
        %parallel_loop3A_540 = arith.constant 80 : index
        %parallel_loop3A_541 = tpu.vector_load %arg14[%parallel_loop3A_538, %parallel_loop3A_539, %parallel_loop3A_540] {strides = array<i32>} : memref<8x8x128xf32, #tpu.memory_space<vmem>>, vector<16xf32>,
        tpu.vector_store %arg14[%parallel_loop3A_538, %parallel_loop3A_539, %parallel_loop3A_540], %parallel_loop3A_497 {strides = array<i32>} : memref<8x8x128xf32, #tpu.memory_space<vmem>>, vector<16xf32>,
        %parallel_loop3A_542 = arith.constant 96 : i32
        %parallel_loop3A_543 = vector.broadcast %parallel_loop3A_542 : i32 to vector<16xi32>
        %parallel_loop3A_544 = arith.addi %parallel_loop3A_543, %iota3A : vector<16xi32>
        %parallel_loop3A_545 = tpu.vector_load_idx %arg8[%parallel_loop3A_544, %parallel_loop3A_253] : memref<128x65xf32, #tpu.memory_space<vmem>>[vector<16xi32>, vector<16xi32>], vector<16xf32>,
        %parallel_loop3A_546 = arith.constant 8 : i32
        %parallel_loop3A_547 = arith.divsi %parallel_loop3A_249, %parallel_loop3A_546 : i32
        %parallel_loop3A_548 = arith.constant 0 : i32
        %parallel_loop3A_549 = arith.cmpi sgt, %parallel_loop3A_249, %parallel_loop3A_548 : i32
        %parallel_loop3A_550 = arith.extui %parallel_loop3A_549 : i1 to i32
        %parallel_loop3A_551 = arith.constant 0 : i32
        %parallel_loop3A_552 = arith.cmpi slt, %parallel_loop3A_249, %parallel_loop3A_551 : i32
        %parallel_loop3A_553 = arith.extui %parallel_loop3A_552 : i1 to i32
        %parallel_loop3A_554 = arith.subi %parallel_loop3A_550, %parallel_loop3A_553 : i32
        %parallel_loop3A_555 = arith.constant 0 : i32
        %parallel_loop3A_556 = arith.cmpi sgt, %parallel_loop3A_546, %parallel_loop3A_555 : i32
        %parallel_loop3A_557 = arith.extui %parallel_loop3A_556 : i1 to i32
        %parallel_loop3A_558 = arith.constant 0 : i32
        %parallel_loop3A_559 = arith.cmpi slt, %parallel_loop3A_546, %parallel_loop3A_558 : i32
        %parallel_loop3A_560 = arith.extui %parallel_loop3A_559 : i1 to i32
        %parallel_loop3A_561 = arith.subi %parallel_loop3A_557, %parallel_loop3A_560 : i32
        %parallel_loop3A_562 = arith.cmpi ne, %parallel_loop3A_554, %parallel_loop3A_561 : i32
        %parallel_loop3A_563 = arith.remsi %parallel_loop3A_249, %parallel_loop3A_546 : i32
        %parallel_loop3A_564 = arith.constant 0 : i32
        %parallel_loop3A_565 = arith.cmpi ne, %parallel_loop3A_563, %parallel_loop3A_564 : i32
        %parallel_loop3A_566 = arith.andi %parallel_loop3A_562, %parallel_loop3A_565 : i1
        %parallel_loop3A_567 = arith.constant 1 : i32
        %parallel_loop3A_568 = arith.subi %parallel_loop3A_547, %parallel_loop3A_567 : i32
        %parallel_loop3A_569 = arith.select %parallel_loop3A_566, %parallel_loop3A_568, %parallel_loop3A_547 : i32
        %parallel_loop3A_570 = arith.constant 8 : i32
        %parallel_loop3A_571 = arith.constant 0 : i32
        %parallel_loop3A_572 = arith.cmpi eq, %parallel_loop3A_570, %parallel_loop3A_571 : i32
        %parallel_loop3A_573 = arith.constant 1 : i32
        %parallel_loop3A_574 = arith.select %parallel_loop3A_572, %parallel_loop3A_573, %parallel_loop3A_570 : i32
        %parallel_loop3A_575 = arith.remsi %parallel_loop3A_249, %parallel_loop3A_574 : i32
        %parallel_loop3A_576 = arith.constant 0 : i32
        %parallel_loop3A_577 = arith.cmpi ne, %parallel_loop3A_575, %parallel_loop3A_576 : i32
        %parallel_loop3A_578 = arith.constant 0 : i32
        %parallel_loop3A_579 = arith.cmpi slt, %parallel_loop3A_575, %parallel_loop3A_578 : i32
        %parallel_loop3A_580 = arith.constant 0 : i32
        %parallel_loop3A_581 = arith.cmpi slt, %parallel_loop3A_574, %parallel_loop3A_580 : i32
        %parallel_loop3A_582 = arith.xori %parallel_loop3A_579, %parallel_loop3A_581 : i1
        %parallel_loop3A_583 = arith.andi %parallel_loop3A_582, %parallel_loop3A_577 : i1
        %parallel_loop3A_584 = arith.addi %parallel_loop3A_575, %parallel_loop3A_574 : i32
        %parallel_loop3A_585 = arith.select %parallel_loop3A_583, %parallel_loop3A_584, %parallel_loop3A_575 : i32
        %parallel_loop3A_586 = arith.index_cast %parallel_loop3A_569 : i32 to index
        %parallel_loop3A_587 = arith.index_cast %parallel_loop3A_585 : i32 to index
        %parallel_loop3A_588 = arith.constant 96 : index
        %parallel_loop3A_589 = tpu.vector_load %arg14[%parallel_loop3A_586, %parallel_loop3A_587, %parallel_loop3A_588] {strides = array<i32>} : memref<8x8x128xf32, #tpu.memory_space<vmem>>, vector<16xf32>,
        tpu.vector_store %arg14[%parallel_loop3A_586, %parallel_loop3A_587, %parallel_loop3A_588], %parallel_loop3A_545 {strides = array<i32>} : memref<8x8x128xf32, #tpu.memory_space<vmem>>, vector<16xf32>,
        %parallel_loop3A_590 = arith.constant 112 : i32
        %parallel_loop3A_591 = vector.broadcast %parallel_loop3A_590 : i32 to vector<16xi32>
        %parallel_loop3A_592 = arith.addi %parallel_loop3A_591, %iota3A : vector<16xi32>
        %parallel_loop3A_593 = tpu.vector_load_idx %arg8[%parallel_loop3A_592, %parallel_loop3A_253] : memref<128x65xf32, #tpu.memory_space<vmem>>[vector<16xi32>, vector<16xi32>], vector<16xf32>,
        %parallel_loop3A_594 = arith.constant 8 : i32
        %parallel_loop3A_595 = arith.divsi %parallel_loop3A_249, %parallel_loop3A_594 : i32
        %parallel_loop3A_596 = arith.constant 0 : i32
        %parallel_loop3A_597 = arith.cmpi sgt, %parallel_loop3A_249, %parallel_loop3A_596 : i32
        %parallel_loop3A_598 = arith.extui %parallel_loop3A_597 : i1 to i32
        %parallel_loop3A_599 = arith.constant 0 : i32
        %parallel_loop3A_600 = arith.cmpi slt, %parallel_loop3A_249, %parallel_loop3A_599 : i32
        %parallel_loop3A_601 = arith.extui %parallel_loop3A_600 : i1 to i32
        %parallel_loop3A_602 = arith.subi %parallel_loop3A_598, %parallel_loop3A_601 : i32
        %parallel_loop3A_603 = arith.constant 0 : i32
        %parallel_loop3A_604 = arith.cmpi sgt, %parallel_loop3A_594, %parallel_loop3A_603 : i32
        %parallel_loop3A_605 = arith.extui %parallel_loop3A_604 : i1 to i32
        %parallel_loop3A_606 = arith.constant 0 : i32
        %parallel_loop3A_607 = arith.cmpi slt, %parallel_loop3A_594, %parallel_loop3A_606 : i32
        %parallel_loop3A_608 = arith.extui %parallel_loop3A_607 : i1 to i32
        %parallel_loop3A_609 = arith.subi %parallel_loop3A_605, %parallel_loop3A_608 : i32
        %parallel_loop3A_610 = arith.cmpi ne, %parallel_loop3A_602, %parallel_loop3A_609 : i32
        %parallel_loop3A_611 = arith.remsi %parallel_loop3A_249, %parallel_loop3A_594 : i32
        %parallel_loop3A_612 = arith.constant 0 : i32
        %parallel_loop3A_613 = arith.cmpi ne, %parallel_loop3A_611, %parallel_loop3A_612 : i32
        %parallel_loop3A_614 = arith.andi %parallel_loop3A_610, %parallel_loop3A_613 : i1
        %parallel_loop3A_615 = arith.constant 1 : i32
        %parallel_loop3A_616 = arith.subi %parallel_loop3A_595, %parallel_loop3A_615 : i32
        %parallel_loop3A_617 = arith.select %parallel_loop3A_614, %parallel_loop3A_616, %parallel_loop3A_595 : i32
        %parallel_loop3A_618 = arith.constant 8 : i32
        %parallel_loop3A_619 = arith.constant 0 : i32
        %parallel_loop3A_620 = arith.cmpi eq, %parallel_loop3A_618, %parallel_loop3A_619 : i32
        %parallel_loop3A_621 = arith.constant 1 : i32
        %parallel_loop3A_622 = arith.select %parallel_loop3A_620, %parallel_loop3A_621, %parallel_loop3A_618 : i32
        %parallel_loop3A_623 = arith.remsi %parallel_loop3A_249, %parallel_loop3A_622 : i32
        %parallel_loop3A_624 = arith.constant 0 : i32
        %parallel_loop3A_625 = arith.cmpi ne, %parallel_loop3A_623, %parallel_loop3A_624 : i32
        %parallel_loop3A_626 = arith.constant 0 : i32
        %parallel_loop3A_627 = arith.cmpi slt, %parallel_loop3A_623, %parallel_loop3A_626 : i32
        %parallel_loop3A_628 = arith.constant 0 : i32
        %parallel_loop3A_629 = arith.cmpi slt, %parallel_loop3A_622, %parallel_loop3A_628 : i32
        %parallel_loop3A_630 = arith.xori %parallel_loop3A_627, %parallel_loop3A_629 : i1
        %parallel_loop3A_631 = arith.andi %parallel_loop3A_630, %parallel_loop3A_625 : i1
        %parallel_loop3A_632 = arith.addi %parallel_loop3A_623, %parallel_loop3A_622 : i32
        %parallel_loop3A_633 = arith.select %parallel_loop3A_631, %parallel_loop3A_632, %parallel_loop3A_623 : i32
        %parallel_loop3A_634 = arith.index_cast %parallel_loop3A_617 : i32 to index
        %parallel_loop3A_635 = arith.index_cast %parallel_loop3A_633 : i32 to index
        %parallel_loop3A_636 = arith.constant 112 : index
        %parallel_loop3A_637 = tpu.vector_load %arg14[%parallel_loop3A_634, %parallel_loop3A_635, %parallel_loop3A_636] {strides = array<i32>} : memref<8x8x128xf32, #tpu.memory_space<vmem>>, vector<16xf32>,
        tpu.vector_store %arg14[%parallel_loop3A_634, %parallel_loop3A_635, %parallel_loop3A_636], %parallel_loop3A_593 {strides = array<i32>} : memref<8x8x128xf32, #tpu.memory_space<vmem>>, vector<16xf32>,
      } {sc.loop_unroll_factor = 2 : i64, sc.parallel_access}
      %dma_start3A_137 = arith.constant 0 : i32
      %dma_start3A_138 = arith.constant 0 : i32
      %dma_start3A_139 = arith.constant 0 : i32
      %dma_start3A_140 = tpu.memref_slice %arg5[%add3A_99, %dma_start3A_137, %add3A, %dma_start3A_138, %dma_start3A_139] : memref<200x8x32x8x128xf32, #tpu.memory_space<hbm>> -> memref<1x8x1x8x128xf32, #tpu.memory_space<hbm>>
      %dma_start3A_141 = tpu.memref_squeeze %dma_start3A_140 : memref<1x8x1x8x128xf32, #tpu.memory_space<hbm>> -> memref<8x8x128xf32, #tpu.memory_space<hbm>>
      %dma_start3A_142 = arith.constant 0 : i32
      %dma_start3A_143 = arith.constant 0 : i32
      %dma_start3A_144 = arith.constant 0 : i32
      %dma_start3A_145 = tpu.memref_slice %arg5[%add3A_99, %dma_start3A_142, %add3A, %dma_start3A_143, %dma_start3A_144] : memref<200x8x32x8x128xf32, #tpu.memory_space<hbm>> -> memref<1x8x1x8x128xf32, #tpu.memory_space<hbm>>
      %dma_start3A_146 = tpu.memref_squeeze %dma_start3A_145 : memref<1x8x1x8x128xf32, #tpu.memory_space<hbm>> -> memref<8x8x128xf32, #tpu.memory_space<hbm>>
      tpu.enqueue_dma source(%arg14 : memref<8x8x128xf32, #tpu.memory_space<vmem>>) target(%dma_start3A_146 : memref<8x8x128xf32, #tpu.memory_space<hbm>>) target_semaphore(%arg20 : memref<!tpu.dma_semaphore, #tpu.memory_space<semaphore_mem>>)
      %mul3A_147 = arith.constant 4 : i32
      %mul3A_148 = arith.muli %mul3A_147, %scan3A_50 : i32
      %add3A_149 = arith.constant 2 : i32
      %add3A_150 = arith.addi %mul3A_148, %add3A_149 : i32
      %add3A_151 = arith.constant 3 : i32
      %add3A_152 = arith.addi %add3A_150, %add3A_151 : i32
      %lt3A_153 = arith.constant 200 : i32
      %lt3A_154 = arith.cmpi slt, %add3A_152, %lt3A_153 : i32
      %convert_element_type3A_155 = arith.extui %lt3A_154 : i1 to i32
      %cond3A_156 = arith.constant 0 : i32
      %cond3A_157 = arith.cmpi ne, %convert_element_type3A_155, %cond3A_156 : i32
      scf.if %cond3A_157 {
        %add3A_249 = arith.constant 3 : i32
        %add3A_250 = arith.addi %add3A_150, %add3A_249 : i32
        %dma_start3A_251 = arith.constant 0 : i32
        %dma_start3A_252 = tpu.memref_slice %arg6[%add3A_250, %dma_start3A_251] : memref<200x128xi32, #tpu.memory_space<vmem>> -> memref<1x128xi32, #tpu.memory_space<vmem>>
        %dma_start3A_253 = tpu.memref_squeeze %dma_start3A_252 : memref<1x128xi32, #tpu.memory_space<vmem>> -> memref<128xi32, #tpu.memory_space<vmem>>
        %dma_start3A_254 = arith.constant 0 : i32
        %dma_start3A_255 = arith.constant 0 : i32
        %dma_start3A_256 = tpu.memref_slice %arg3[%dma_start3A_254, %dma_start3A_255] : memref<100000x64xf32, #tpu.memory_space<hbm>> -> memref<100000x64xf32, #tpu.memory_space<hbm>>
        tpu.enqueue_indirect_dma source(%dma_start3A_256 : memref<100000x64xf32, #tpu.memory_space<hbm>>) target(%arg10 : memref<128x64xf32, #tpu.memory_space<vmem>>) offsets(%dma_start3A_253 : memref<128xi32, #tpu.memory_space<vmem>>) semaphore(%arg16 : memref<!tpu.dma_semaphore, #tpu.memory_space<semaphore_mem>>)
      } else {
      }
      %dma_wait3A_158 = arith.constant 0 : i32
      %dma_wait3A_159 = arith.constant 0 : i32
      %dma_wait3A_160 = tpu.memref_slice %arg6[%dma_wait3A_158, %dma_wait3A_159] : memref<200x128xi32, #tpu.memory_space<vmem>> -> memref<1x128xi32, #tpu.memory_space<vmem>>
      %dma_wait3A_161 = tpu.memref_squeeze %dma_wait3A_160 : memref<1x128xi32, #tpu.memory_space<vmem>> -> memref<128xi32, #tpu.memory_space<vmem>>
      %dma_wait3A_162 = arith.constant 0 : i32
      %dma_wait3A_163 = arith.constant 0 : i32
      %dma_wait3A_164 = tpu.memref_slice %arg3[%dma_wait3A_162, %dma_wait3A_163] : memref<100000x64xf32, #tpu.memory_space<hbm>> -> memref<100000x64xf32, #tpu.memory_space<hbm>>
      tpu.wait_indirect_dma semaphore(%arg17 : memref<!tpu.dma_semaphore, #tpu.memory_space<semaphore_mem>>) src(%dma_wait3A_164 : memref<100000x64xf32, #tpu.memory_space<hbm>>) dst(%arg11 : memref<128x64xf32, #tpu.memory_space<vmem>>)
      %ge3A_165 = arith.constant 2 : i32
      %ge3A_166 = arith.cmpi sge, %add3A_150, %ge3A_165 : i32
      %convert_element_type3A_167 = arith.extui %ge3A_166 : i1 to i32
      %cond3A_168 = arith.constant 0 : i32
      %cond3A_169 = arith.cmpi ne, %convert_element_type3A_167, %cond3A_168 : i32
      scf.if %cond3A_169 {
        %dma_wait3A_249 = arith.constant 0 : i32
        %dma_wait3A_250 = arith.constant 0 : i32
        %dma_wait3A_251 = arith.constant 0 : i32
        %dma_wait3A_252 = arith.constant 0 : i32
        %dma_wait3A_253 = arith.constant 0 : i32
        %dma_wait3A_254 = tpu.memref_slice %arg5[%dma_wait3A_249, %dma_wait3A_251, %dma_wait3A_250, %dma_wait3A_252, %dma_wait3A_253] : memref<200x8x32x8x128xf32, #tpu.memory_space<hbm>> -> memref<1x8x1x8x128xf32, #tpu.memory_space<hbm>>
        %dma_wait3A_255 = tpu.memref_squeeze %dma_wait3A_254 : memref<1x8x1x8x128xf32, #tpu.memory_space<hbm>> -> memref<8x8x128xf32, #tpu.memory_space<hbm>>
        %dma_wait3A_256 = arith.constant 0 : i32
        %dma_wait3A_257 = arith.constant 0 : i32
        %dma_wait3A_258 = arith.constant 0 : i32
        %dma_wait3A_259 = tpu.memref_slice %arg5[%dma_wait3A_249, %dma_wait3A_256, %dma_wait3A_250, %dma_wait3A_257, %dma_wait3A_258] : memref<200x8x32x8x128xf32, #tpu.memory_space<hbm>> -> memref<1x8x1x8x128xf32, #tpu.memory_space<hbm>>
        %dma_wait3A_260 = tpu.memref_squeeze %dma_wait3A_259 : memref<1x8x1x8x128xf32, #tpu.memory_space<hbm>> -> memref<8x8x128xf32, #tpu.memory_space<hbm>>
        tpu.wait_dma2 semaphore(%arg19 : memref<!tpu.dma_semaphore, #tpu.memory_space<semaphore_mem>>) src(%arg13 : memref<8x8x128xf32, #tpu.memory_space<vmem>>) dst(%dma_wait3A_260 : memref<8x8x128xf32, #tpu.memory_space<hbm>>)
      } else {
      }
      %get3A_170 = arith.index_cast %add3A_150 : i32 to index
      %get3A_171 = arith.constant 0 : index
      %get3A_172 = tpu.vector_load %arg7[%get3A_170, %get3A_171] {strides = array<i32>} : memref<200x64xf32, #tpu.memory_space<vmem>>, vector<16xf32>,
      %get3A_173 = arith.index_cast %add3A_150 : i32 to index
      %get3A_174 = arith.constant 16 : index
      %get3A_175 = tpu.vector_load %arg7[%get3A_173, %get3A_174] {strides = array<i32>} : memref<200x64xf32, #tpu.memory_space<vmem>>, vector<16xf32>,
      %get3A_176 = arith.index_cast %add3A_150 : i32 to index
      %get3A_177 = arith.constant 32 : index
      %get3A_178 = tpu.vector_load %arg7[%get3A_176, %get3A_177] {strides = array<i32>} : memref<200x64xf32, #tpu.memory_space<vmem>>, vector<16xf32>,
      %get3A_179 = arith.index_cast %add3A_150 : i32 to index
      %get3A_180 = arith.constant 48 : index
      %get3A_181 = tpu.vector_load %arg7[%get3A_179, %get3A_180] {strides = array<i32>} : memref<200x64xf32, #tpu.memory_space<vmem>>, vector<16xf32>,
      %parallel_loop3A_182 = arith.constant 0 : i32
      %parallel_loop3A_183 = arith.constant 128 : i32
      %parallel_loop3A_184 = arith.constant 1 : i32
      scf.for %parallel_loop3A_249 = %parallel_loop3A_182 to %parallel_loop3A_183 step %parallel_loop3A_184  : i32 {
        %parallel_loop3A_250 = arith.index_cast %parallel_loop3A_249 : i32 to index
        %parallel_loop3A_251 = arith.constant 0 : index
        %parallel_loop3A_252 = tpu.vector_load %arg11[%parallel_loop3A_250, %parallel_loop3A_251] {strides = array<i32>} : memref<128x64xf32, #tpu.memory_space<vmem>>, vector<16xf32>,
        %parallel_loop3A_253 = arith.addf %parallel_loop3A_252, %get3A_172 : vector<16xf32>
        %parallel_loop3A_254 = arith.index_cast %parallel_loop3A_249 : i32 to index
        %parallel_loop3A_255 = arith.constant 0 : index
        %parallel_loop3A_256 = tpu.vector_load %arg8[%parallel_loop3A_254, %parallel_loop3A_255] {strides = array<i32>} : memref<128x65xf32, #tpu.memory_space<vmem>>, vector<16xf32>,
        tpu.vector_store %arg8[%parallel_loop3A_254, %parallel_loop3A_255], %parallel_loop3A_253 {strides = array<i32>} : memref<128x65xf32, #tpu.memory_space<vmem>>, vector<16xf32>,
        %parallel_loop3A_257 = arith.index_cast %parallel_loop3A_249 : i32 to index
        %parallel_loop3A_258 = arith.constant 16 : index
        %parallel_loop3A_259 = tpu.vector_load %arg11[%parallel_loop3A_257, %parallel_loop3A_258] {strides = array<i32>} : memref<128x64xf32, #tpu.memory_space<vmem>>, vector<16xf32>,
        %parallel_loop3A_260 = arith.addf %parallel_loop3A_259, %get3A_175 : vector<16xf32>
        %parallel_loop3A_261 = arith.index_cast %parallel_loop3A_249 : i32 to index
        %parallel_loop3A_262 = arith.constant 16 : index
        %parallel_loop3A_263 = tpu.vector_load %arg8[%parallel_loop3A_261, %parallel_loop3A_262] {strides = array<i32>} : memref<128x65xf32, #tpu.memory_space<vmem>>, vector<16xf32>,
        tpu.vector_store %arg8[%parallel_loop3A_261, %parallel_loop3A_262], %parallel_loop3A_260 {strides = array<i32>} : memref<128x65xf32, #tpu.memory_space<vmem>>, vector<16xf32>,
        %parallel_loop3A_264 = arith.index_cast %parallel_loop3A_249 : i32 to index
        %parallel_loop3A_265 = arith.constant 32 : index
        %parallel_loop3A_266 = tpu.vector_load %arg11[%parallel_loop3A_264, %parallel_loop3A_265] {strides = array<i32>} : memref<128x64xf32, #tpu.memory_space<vmem>>, vector<16xf32>,
        %parallel_loop3A_267 = arith.addf %parallel_loop3A_266, %get3A_178 : vector<16xf32>
        %parallel_loop3A_268 = arith.index_cast %parallel_loop3A_249 : i32 to index
        %parallel_loop3A_269 = arith.constant 32 : index
        %parallel_loop3A_270 = tpu.vector_load %arg8[%parallel_loop3A_268, %parallel_loop3A_269] {strides = array<i32>} : memref<128x65xf32, #tpu.memory_space<vmem>>, vector<16xf32>,
        tpu.vector_store %arg8[%parallel_loop3A_268, %parallel_loop3A_269], %parallel_loop3A_267 {strides = array<i32>} : memref<128x65xf32, #tpu.memory_space<vmem>>, vector<16xf32>,
        %parallel_loop3A_271 = arith.index_cast %parallel_loop3A_249 : i32 to index
        %parallel_loop3A_272 = arith.constant 48 : index
        %parallel_loop3A_273 = tpu.vector_load %arg11[%parallel_loop3A_271, %parallel_loop3A_272] {strides = array<i32>} : memref<128x64xf32, #tpu.memory_space<vmem>>, vector<16xf32>,
        %parallel_loop3A_274 = arith.addf %parallel_loop3A_273, %get3A_181 : vector<16xf32>
        %parallel_loop3A_275 = arith.index_cast %parallel_loop3A_249 : i32 to index
        %parallel_loop3A_276 = arith.constant 48 : index
        %parallel_loop3A_277 = tpu.vector_load %arg8[%parallel_loop3A_275, %parallel_loop3A_276] {strides = array<i32>} : memref<128x65xf32, #tpu.memory_space<vmem>>, vector<16xf32>,
        tpu.vector_store %arg8[%parallel_loop3A_275, %parallel_loop3A_276], %parallel_loop3A_274 {strides = array<i32>} : memref<128x65xf32, #tpu.memory_space<vmem>>, vector<16xf32>,
      } {sc.loop_unroll_factor = 2 : i64, sc.parallel_access}
      %parallel_loop3A_185 = arith.constant 0 : i32
      %parallel_loop3A_186 = arith.constant 64 : i32
      %parallel_loop3A_187 = arith.constant 1 : i32
      scf.for %parallel_loop3A_249 = %parallel_loop3A_185 to %parallel_loop3A_186 step %parallel_loop3A_187  : i32 {
        %parallel_loop3A_250 = arith.constant 0 : i32
        %parallel_loop3A_251 = vector.broadcast %parallel_loop3A_250 : i32 to vector<16xi32>
        %parallel_loop3A_252 = vector.broadcast %parallel_loop3A_249 : i32 to vector<16xi32>
        %parallel_loop3A_253 = arith.addi %parallel_loop3A_251, %parallel_loop3A_252 : vector<16xi32>
        %parallel_loop3A_254 = arith.constant 0 : i32
        %parallel_loop3A_255 = vector.broadcast %parallel_loop3A_254 : i32 to vector<16xi32>
        %parallel_loop3A_256 = arith.addi %parallel_loop3A_255, %iota3A : vector<16xi32>
        %parallel_loop3A_257 = tpu.vector_load_idx %arg8[%parallel_loop3A_256, %parallel_loop3A_253] : memref<128x65xf32, #tpu.memory_space<vmem>>[vector<16xi32>, vector<16xi32>], vector<16xf32>,
        %parallel_loop3A_258 = arith.constant 8 : i32
        %parallel_loop3A_259 = arith.divsi %parallel_loop3A_249, %parallel_loop3A_258 : i32
        %parallel_loop3A_260 = arith.constant 0 : i32
        %parallel_loop3A_261 = arith.cmpi sgt, %parallel_loop3A_249, %parallel_loop3A_260 : i32
        %parallel_loop3A_262 = arith.extui %parallel_loop3A_261 : i1 to i32
        %parallel_loop3A_263 = arith.constant 0 : i32
        %parallel_loop3A_264 = arith.cmpi slt, %parallel_loop3A_249, %parallel_loop3A_263 : i32
        %parallel_loop3A_265 = arith.extui %parallel_loop3A_264 : i1 to i32
        %parallel_loop3A_266 = arith.subi %parallel_loop3A_262, %parallel_loop3A_265 : i32
        %parallel_loop3A_267 = arith.constant 0 : i32
        %parallel_loop3A_268 = arith.cmpi sgt, %parallel_loop3A_258, %parallel_loop3A_267 : i32
        %parallel_loop3A_269 = arith.extui %parallel_loop3A_268 : i1 to i32
        %parallel_loop3A_270 = arith.constant 0 : i32
        %parallel_loop3A_271 = arith.cmpi slt, %parallel_loop3A_258, %parallel_loop3A_270 : i32
        %parallel_loop3A_272 = arith.extui %parallel_loop3A_271 : i1 to i32
        %parallel_loop3A_273 = arith.subi %parallel_loop3A_269, %parallel_loop3A_272 : i32
        %parallel_loop3A_274 = arith.cmpi ne, %parallel_loop3A_266, %parallel_loop3A_273 : i32
        %parallel_loop3A_275 = arith.remsi %parallel_loop3A_249, %parallel_loop3A_258 : i32
        %parallel_loop3A_276 = arith.constant 0 : i32
        %parallel_loop3A_277 = arith.cmpi ne, %parallel_loop3A_275, %parallel_loop3A_276 : i32
        %parallel_loop3A_278 = arith.andi %parallel_loop3A_274, %parallel_loop3A_277 : i1
        %parallel_loop3A_279 = arith.constant 1 : i32
        %parallel_loop3A_280 = arith.subi %parallel_loop3A_259, %parallel_loop3A_279 : i32
        %parallel_loop3A_281 = arith.select %parallel_loop3A_278, %parallel_loop3A_280, %parallel_loop3A_259 : i32
        %parallel_loop3A_282 = arith.constant 8 : i32
        %parallel_loop3A_283 = arith.constant 0 : i32
        %parallel_loop3A_284 = arith.cmpi eq, %parallel_loop3A_282, %parallel_loop3A_283 : i32
        %parallel_loop3A_285 = arith.constant 1 : i32
        %parallel_loop3A_286 = arith.select %parallel_loop3A_284, %parallel_loop3A_285, %parallel_loop3A_282 : i32
        %parallel_loop3A_287 = arith.remsi %parallel_loop3A_249, %parallel_loop3A_286 : i32
        %parallel_loop3A_288 = arith.constant 0 : i32
        %parallel_loop3A_289 = arith.cmpi ne, %parallel_loop3A_287, %parallel_loop3A_288 : i32
        %parallel_loop3A_290 = arith.constant 0 : i32
        %parallel_loop3A_291 = arith.cmpi slt, %parallel_loop3A_287, %parallel_loop3A_290 : i32
        %parallel_loop3A_292 = arith.constant 0 : i32
        %parallel_loop3A_293 = arith.cmpi slt, %parallel_loop3A_286, %parallel_loop3A_292 : i32
        %parallel_loop3A_294 = arith.xori %parallel_loop3A_291, %parallel_loop3A_293 : i1
        %parallel_loop3A_295 = arith.andi %parallel_loop3A_294, %parallel_loop3A_289 : i1
        %parallel_loop3A_296 = arith.addi %parallel_loop3A_287, %parallel_loop3A_286 : i32
        %parallel_loop3A_297 = arith.select %parallel_loop3A_295, %parallel_loop3A_296, %parallel_loop3A_287 : i32
        %parallel_loop3A_298 = arith.index_cast %parallel_loop3A_281 : i32 to index
        %parallel_loop3A_299 = arith.index_cast %parallel_loop3A_297 : i32 to index
        %parallel_loop3A_300 = arith.constant 0 : index
        %parallel_loop3A_301 = tpu.vector_load %arg13[%parallel_loop3A_298, %parallel_loop3A_299, %parallel_loop3A_300] {strides = array<i32>} : memref<8x8x128xf32, #tpu.memory_space<vmem>>, vector<16xf32>,
        tpu.vector_store %arg13[%parallel_loop3A_298, %parallel_loop3A_299, %parallel_loop3A_300], %parallel_loop3A_257 {strides = array<i32>} : memref<8x8x128xf32, #tpu.memory_space<vmem>>, vector<16xf32>,
        %parallel_loop3A_302 = arith.constant 16 : i32
        %parallel_loop3A_303 = vector.broadcast %parallel_loop3A_302 : i32 to vector<16xi32>
        %parallel_loop3A_304 = arith.addi %parallel_loop3A_303, %iota3A : vector<16xi32>
        %parallel_loop3A_305 = tpu.vector_load_idx %arg8[%parallel_loop3A_304, %parallel_loop3A_253] : memref<128x65xf32, #tpu.memory_space<vmem>>[vector<16xi32>, vector<16xi32>], vector<16xf32>,
        %parallel_loop3A_306 = arith.constant 8 : i32
        %parallel_loop3A_307 = arith.divsi %parallel_loop3A_249, %parallel_loop3A_306 : i32
        %parallel_loop3A_308 = arith.constant 0 : i32
        %parallel_loop3A_309 = arith.cmpi sgt, %parallel_loop3A_249, %parallel_loop3A_308 : i32
        %parallel_loop3A_310 = arith.extui %parallel_loop3A_309 : i1 to i32
        %parallel_loop3A_311 = arith.constant 0 : i32
        %parallel_loop3A_312 = arith.cmpi slt, %parallel_loop3A_249, %parallel_loop3A_311 : i32
        %parallel_loop3A_313 = arith.extui %parallel_loop3A_312 : i1 to i32
        %parallel_loop3A_314 = arith.subi %parallel_loop3A_310, %parallel_loop3A_313 : i32
        %parallel_loop3A_315 = arith.constant 0 : i32
        %parallel_loop3A_316 = arith.cmpi sgt, %parallel_loop3A_306, %parallel_loop3A_315 : i32
        %parallel_loop3A_317 = arith.extui %parallel_loop3A_316 : i1 to i32
        %parallel_loop3A_318 = arith.constant 0 : i32
        %parallel_loop3A_319 = arith.cmpi slt, %parallel_loop3A_306, %parallel_loop3A_318 : i32
        %parallel_loop3A_320 = arith.extui %parallel_loop3A_319 : i1 to i32
        %parallel_loop3A_321 = arith.subi %parallel_loop3A_317, %parallel_loop3A_320 : i32
        %parallel_loop3A_322 = arith.cmpi ne, %parallel_loop3A_314, %parallel_loop3A_321 : i32
        %parallel_loop3A_323 = arith.remsi %parallel_loop3A_249, %parallel_loop3A_306 : i32
        %parallel_loop3A_324 = arith.constant 0 : i32
        %parallel_loop3A_325 = arith.cmpi ne, %parallel_loop3A_323, %parallel_loop3A_324 : i32
        %parallel_loop3A_326 = arith.andi %parallel_loop3A_322, %parallel_loop3A_325 : i1
        %parallel_loop3A_327 = arith.constant 1 : i32
        %parallel_loop3A_328 = arith.subi %parallel_loop3A_307, %parallel_loop3A_327 : i32
        %parallel_loop3A_329 = arith.select %parallel_loop3A_326, %parallel_loop3A_328, %parallel_loop3A_307 : i32
        %parallel_loop3A_330 = arith.constant 8 : i32
        %parallel_loop3A_331 = arith.constant 0 : i32
        %parallel_loop3A_332 = arith.cmpi eq, %parallel_loop3A_330, %parallel_loop3A_331 : i32
        %parallel_loop3A_333 = arith.constant 1 : i32
        %parallel_loop3A_334 = arith.select %parallel_loop3A_332, %parallel_loop3A_333, %parallel_loop3A_330 : i32
        %parallel_loop3A_335 = arith.remsi %parallel_loop3A_249, %parallel_loop3A_334 : i32
        %parallel_loop3A_336 = arith.constant 0 : i32
        %parallel_loop3A_337 = arith.cmpi ne, %parallel_loop3A_335, %parallel_loop3A_336 : i32
        %parallel_loop3A_338 = arith.constant 0 : i32
        %parallel_loop3A_339 = arith.cmpi slt, %parallel_loop3A_335, %parallel_loop3A_338 : i32
        %parallel_loop3A_340 = arith.constant 0 : i32
        %parallel_loop3A_341 = arith.cmpi slt, %parallel_loop3A_334, %parallel_loop3A_340 : i32
        %parallel_loop3A_342 = arith.xori %parallel_loop3A_339, %parallel_loop3A_341 : i1
        %parallel_loop3A_343 = arith.andi %parallel_loop3A_342, %parallel_loop3A_337 : i1
        %parallel_loop3A_344 = arith.addi %parallel_loop3A_335, %parallel_loop3A_334 : i32
        %parallel_loop3A_345 = arith.select %parallel_loop3A_343, %parallel_loop3A_344, %parallel_loop3A_335 : i32
        %parallel_loop3A_346 = arith.index_cast %parallel_loop3A_329 : i32 to index
        %parallel_loop3A_347 = arith.index_cast %parallel_loop3A_345 : i32 to index
        %parallel_loop3A_348 = arith.constant 16 : index
        %parallel_loop3A_349 = tpu.vector_load %arg13[%parallel_loop3A_346, %parallel_loop3A_347, %parallel_loop3A_348] {strides = array<i32>} : memref<8x8x128xf32, #tpu.memory_space<vmem>>, vector<16xf32>,
        tpu.vector_store %arg13[%parallel_loop3A_346, %parallel_loop3A_347, %parallel_loop3A_348], %parallel_loop3A_305 {strides = array<i32>} : memref<8x8x128xf32, #tpu.memory_space<vmem>>, vector<16xf32>,
        %parallel_loop3A_350 = arith.constant 32 : i32
        %parallel_loop3A_351 = vector.broadcast %parallel_loop3A_350 : i32 to vector<16xi32>
        %parallel_loop3A_352 = arith.addi %parallel_loop3A_351, %iota3A : vector<16xi32>
        %parallel_loop3A_353 = tpu.vector_load_idx %arg8[%parallel_loop3A_352, %parallel_loop3A_253] : memref<128x65xf32, #tpu.memory_space<vmem>>[vector<16xi32>, vector<16xi32>], vector<16xf32>,
        %parallel_loop3A_354 = arith.constant 8 : i32
        %parallel_loop3A_355 = arith.divsi %parallel_loop3A_249, %parallel_loop3A_354 : i32
        %parallel_loop3A_356 = arith.constant 0 : i32
        %parallel_loop3A_357 = arith.cmpi sgt, %parallel_loop3A_249, %parallel_loop3A_356 : i32
        %parallel_loop3A_358 = arith.extui %parallel_loop3A_357 : i1 to i32
        %parallel_loop3A_359 = arith.constant 0 : i32
        %parallel_loop3A_360 = arith.cmpi slt, %parallel_loop3A_249, %parallel_loop3A_359 : i32
        %parallel_loop3A_361 = arith.extui %parallel_loop3A_360 : i1 to i32
        %parallel_loop3A_362 = arith.subi %parallel_loop3A_358, %parallel_loop3A_361 : i32
        %parallel_loop3A_363 = arith.constant 0 : i32
        %parallel_loop3A_364 = arith.cmpi sgt, %parallel_loop3A_354, %parallel_loop3A_363 : i32
        %parallel_loop3A_365 = arith.extui %parallel_loop3A_364 : i1 to i32
        %parallel_loop3A_366 = arith.constant 0 : i32
        %parallel_loop3A_367 = arith.cmpi slt, %parallel_loop3A_354, %parallel_loop3A_366 : i32
        %parallel_loop3A_368 = arith.extui %parallel_loop3A_367 : i1 to i32
        %parallel_loop3A_369 = arith.subi %parallel_loop3A_365, %parallel_loop3A_368 : i32
        %parallel_loop3A_370 = arith.cmpi ne, %parallel_loop3A_362, %parallel_loop3A_369 : i32
        %parallel_loop3A_371 = arith.remsi %parallel_loop3A_249, %parallel_loop3A_354 : i32
        %parallel_loop3A_372 = arith.constant 0 : i32
        %parallel_loop3A_373 = arith.cmpi ne, %parallel_loop3A_371, %parallel_loop3A_372 : i32
        %parallel_loop3A_374 = arith.andi %parallel_loop3A_370, %parallel_loop3A_373 : i1
        %parallel_loop3A_375 = arith.constant 1 : i32
        %parallel_loop3A_376 = arith.subi %parallel_loop3A_355, %parallel_loop3A_375 : i32
        %parallel_loop3A_377 = arith.select %parallel_loop3A_374, %parallel_loop3A_376, %parallel_loop3A_355 : i32
        %parallel_loop3A_378 = arith.constant 8 : i32
        %parallel_loop3A_379 = arith.constant 0 : i32
        %parallel_loop3A_380 = arith.cmpi eq, %parallel_loop3A_378, %parallel_loop3A_379 : i32
        %parallel_loop3A_381 = arith.constant 1 : i32
        %parallel_loop3A_382 = arith.select %parallel_loop3A_380, %parallel_loop3A_381, %parallel_loop3A_378 : i32
        %parallel_loop3A_383 = arith.remsi %parallel_loop3A_249, %parallel_loop3A_382 : i32
        %parallel_loop3A_384 = arith.constant 0 : i32
        %parallel_loop3A_385 = arith.cmpi ne, %parallel_loop3A_383, %parallel_loop3A_384 : i32
        %parallel_loop3A_386 = arith.constant 0 : i32
        %parallel_loop3A_387 = arith.cmpi slt, %parallel_loop3A_383, %parallel_loop3A_386 : i32
        %parallel_loop3A_388 = arith.constant 0 : i32
        %parallel_loop3A_389 = arith.cmpi slt, %parallel_loop3A_382, %parallel_loop3A_388 : i32
        %parallel_loop3A_390 = arith.xori %parallel_loop3A_387, %parallel_loop3A_389 : i1
        %parallel_loop3A_391 = arith.andi %parallel_loop3A_390, %parallel_loop3A_385 : i1
        %parallel_loop3A_392 = arith.addi %parallel_loop3A_383, %parallel_loop3A_382 : i32
        %parallel_loop3A_393 = arith.select %parallel_loop3A_391, %parallel_loop3A_392, %parallel_loop3A_383 : i32
        %parallel_loop3A_394 = arith.index_cast %parallel_loop3A_377 : i32 to index
        %parallel_loop3A_395 = arith.index_cast %parallel_loop3A_393 : i32 to index
        %parallel_loop3A_396 = arith.constant 32 : index
        %parallel_loop3A_397 = tpu.vector_load %arg13[%parallel_loop3A_394, %parallel_loop3A_395, %parallel_loop3A_396] {strides = array<i32>} : memref<8x8x128xf32, #tpu.memory_space<vmem>>, vector<16xf32>,
        tpu.vector_store %arg13[%parallel_loop3A_394, %parallel_loop3A_395, %parallel_loop3A_396], %parallel_loop3A_353 {strides = array<i32>} : memref<8x8x128xf32, #tpu.memory_space<vmem>>, vector<16xf32>,
        %parallel_loop3A_398 = arith.constant 48 : i32
        %parallel_loop3A_399 = vector.broadcast %parallel_loop3A_398 : i32 to vector<16xi32>
        %parallel_loop3A_400 = arith.addi %parallel_loop3A_399, %iota3A : vector<16xi32>
        %parallel_loop3A_401 = tpu.vector_load_idx %arg8[%parallel_loop3A_400, %parallel_loop3A_253] : memref<128x65xf32, #tpu.memory_space<vmem>>[vector<16xi32>, vector<16xi32>], vector<16xf32>,
        %parallel_loop3A_402 = arith.constant 8 : i32
        %parallel_loop3A_403 = arith.divsi %parallel_loop3A_249, %parallel_loop3A_402 : i32
        %parallel_loop3A_404 = arith.constant 0 : i32
        %parallel_loop3A_405 = arith.cmpi sgt, %parallel_loop3A_249, %parallel_loop3A_404 : i32
        %parallel_loop3A_406 = arith.extui %parallel_loop3A_405 : i1 to i32
        %parallel_loop3A_407 = arith.constant 0 : i32
        %parallel_loop3A_408 = arith.cmpi slt, %parallel_loop3A_249, %parallel_loop3A_407 : i32
        %parallel_loop3A_409 = arith.extui %parallel_loop3A_408 : i1 to i32
        %parallel_loop3A_410 = arith.subi %parallel_loop3A_406, %parallel_loop3A_409 : i32
        %parallel_loop3A_411 = arith.constant 0 : i32
        %parallel_loop3A_412 = arith.cmpi sgt, %parallel_loop3A_402, %parallel_loop3A_411 : i32
        %parallel_loop3A_413 = arith.extui %parallel_loop3A_412 : i1 to i32
        %parallel_loop3A_414 = arith.constant 0 : i32
        %parallel_loop3A_415 = arith.cmpi slt, %parallel_loop3A_402, %parallel_loop3A_414 : i32
        %parallel_loop3A_416 = arith.extui %parallel_loop3A_415 : i1 to i32
        %parallel_loop3A_417 = arith.subi %parallel_loop3A_413, %parallel_loop3A_416 : i32
        %parallel_loop3A_418 = arith.cmpi ne, %parallel_loop3A_410, %parallel_loop3A_417 : i32
        %parallel_loop3A_419 = arith.remsi %parallel_loop3A_249, %parallel_loop3A_402 : i32
        %parallel_loop3A_420 = arith.constant 0 : i32
        %parallel_loop3A_421 = arith.cmpi ne, %parallel_loop3A_419, %parallel_loop3A_420 : i32
        %parallel_loop3A_422 = arith.andi %parallel_loop3A_418, %parallel_loop3A_421 : i1
        %parallel_loop3A_423 = arith.constant 1 : i32
        %parallel_loop3A_424 = arith.subi %parallel_loop3A_403, %parallel_loop3A_423 : i32
        %parallel_loop3A_425 = arith.select %parallel_loop3A_422, %parallel_loop3A_424, %parallel_loop3A_403 : i32
        %parallel_loop3A_426 = arith.constant 8 : i32
        %parallel_loop3A_427 = arith.constant 0 : i32
        %parallel_loop3A_428 = arith.cmpi eq, %parallel_loop3A_426, %parallel_loop3A_427 : i32
        %parallel_loop3A_429 = arith.constant 1 : i32
        %parallel_loop3A_430 = arith.select %parallel_loop3A_428, %parallel_loop3A_429, %parallel_loop3A_426 : i32
        %parallel_loop3A_431 = arith.remsi %parallel_loop3A_249, %parallel_loop3A_430 : i32
        %parallel_loop3A_432 = arith.constant 0 : i32
        %parallel_loop3A_433 = arith.cmpi ne, %parallel_loop3A_431, %parallel_loop3A_432 : i32
        %parallel_loop3A_434 = arith.constant 0 : i32
        %parallel_loop3A_435 = arith.cmpi slt, %parallel_loop3A_431, %parallel_loop3A_434 : i32
        %parallel_loop3A_436 = arith.constant 0 : i32
        %parallel_loop3A_437 = arith.cmpi slt, %parallel_loop3A_430, %parallel_loop3A_436 : i32
        %parallel_loop3A_438 = arith.xori %parallel_loop3A_435, %parallel_loop3A_437 : i1
        %parallel_loop3A_439 = arith.andi %parallel_loop3A_438, %parallel_loop3A_433 : i1
        %parallel_loop3A_440 = arith.addi %parallel_loop3A_431, %parallel_loop3A_430 : i32
        %parallel_loop3A_441 = arith.select %parallel_loop3A_439, %parallel_loop3A_440, %parallel_loop3A_431 : i32
        %parallel_loop3A_442 = arith.index_cast %parallel_loop3A_425 : i32 to index
        %parallel_loop3A_443 = arith.index_cast %parallel_loop3A_441 : i32 to index
        %parallel_loop3A_444 = arith.constant 48 : index
        %parallel_loop3A_445 = tpu.vector_load %arg13[%parallel_loop3A_442, %parallel_loop3A_443, %parallel_loop3A_444] {strides = array<i32>} : memref<8x8x128xf32, #tpu.memory_space<vmem>>, vector<16xf32>,
        tpu.vector_store %arg13[%parallel_loop3A_442, %parallel_loop3A_443, %parallel_loop3A_444], %parallel_loop3A_401 {strides = array<i32>} : memref<8x8x128xf32, #tpu.memory_space<vmem>>, vector<16xf32>,
        %parallel_loop3A_446 = arith.constant 64 : i32
        %parallel_loop3A_447 = vector.broadcast %parallel_loop3A_446 : i32 to vector<16xi32>
        %parallel_loop3A_448 = arith.addi %parallel_loop3A_447, %iota3A : vector<16xi32>
        %parallel_loop3A_449 = tpu.vector_load_idx %arg8[%parallel_loop3A_448, %parallel_loop3A_253] : memref<128x65xf32, #tpu.memory_space<vmem>>[vector<16xi32>, vector<16xi32>], vector<16xf32>,
        %parallel_loop3A_450 = arith.constant 8 : i32
        %parallel_loop3A_451 = arith.divsi %parallel_loop3A_249, %parallel_loop3A_450 : i32
        %parallel_loop3A_452 = arith.constant 0 : i32
        %parallel_loop3A_453 = arith.cmpi sgt, %parallel_loop3A_249, %parallel_loop3A_452 : i32
        %parallel_loop3A_454 = arith.extui %parallel_loop3A_453 : i1 to i32
        %parallel_loop3A_455 = arith.constant 0 : i32
        %parallel_loop3A_456 = arith.cmpi slt, %parallel_loop3A_249, %parallel_loop3A_455 : i32
        %parallel_loop3A_457 = arith.extui %parallel_loop3A_456 : i1 to i32
        %parallel_loop3A_458 = arith.subi %parallel_loop3A_454, %parallel_loop3A_457 : i32
        %parallel_loop3A_459 = arith.constant 0 : i32
        %parallel_loop3A_460 = arith.cmpi sgt, %parallel_loop3A_450, %parallel_loop3A_459 : i32
        %parallel_loop3A_461 = arith.extui %parallel_loop3A_460 : i1 to i32
        %parallel_loop3A_462 = arith.constant 0 : i32
        %parallel_loop3A_463 = arith.cmpi slt, %parallel_loop3A_450, %parallel_loop3A_462 : i32
        %parallel_loop3A_464 = arith.extui %parallel_loop3A_463 : i1 to i32
        %parallel_loop3A_465 = arith.subi %parallel_loop3A_461, %parallel_loop3A_464 : i32
        %parallel_loop3A_466 = arith.cmpi ne, %parallel_loop3A_458, %parallel_loop3A_465 : i32
        %parallel_loop3A_467 = arith.remsi %parallel_loop3A_249, %parallel_loop3A_450 : i32
        %parallel_loop3A_468 = arith.constant 0 : i32
        %parallel_loop3A_469 = arith.cmpi ne, %parallel_loop3A_467, %parallel_loop3A_468 : i32
        %parallel_loop3A_470 = arith.andi %parallel_loop3A_466, %parallel_loop3A_469 : i1
        %parallel_loop3A_471 = arith.constant 1 : i32
        %parallel_loop3A_472 = arith.subi %parallel_loop3A_451, %parallel_loop3A_471 : i32
        %parallel_loop3A_473 = arith.select %parallel_loop3A_470, %parallel_loop3A_472, %parallel_loop3A_451 : i32
        %parallel_loop3A_474 = arith.constant 8 : i32
        %parallel_loop3A_475 = arith.constant 0 : i32
        %parallel_loop3A_476 = arith.cmpi eq, %parallel_loop3A_474, %parallel_loop3A_475 : i32
        %parallel_loop3A_477 = arith.constant 1 : i32
        %parallel_loop3A_478 = arith.select %parallel_loop3A_476, %parallel_loop3A_477, %parallel_loop3A_474 : i32
        %parallel_loop3A_479 = arith.remsi %parallel_loop3A_249, %parallel_loop3A_478 : i32
        %parallel_loop3A_480 = arith.constant 0 : i32
        %parallel_loop3A_481 = arith.cmpi ne, %parallel_loop3A_479, %parallel_loop3A_480 : i32
        %parallel_loop3A_482 = arith.constant 0 : i32
        %parallel_loop3A_483 = arith.cmpi slt, %parallel_loop3A_479, %parallel_loop3A_482 : i32
        %parallel_loop3A_484 = arith.constant 0 : i32
        %parallel_loop3A_485 = arith.cmpi slt, %parallel_loop3A_478, %parallel_loop3A_484 : i32
        %parallel_loop3A_486 = arith.xori %parallel_loop3A_483, %parallel_loop3A_485 : i1
        %parallel_loop3A_487 = arith.andi %parallel_loop3A_486, %parallel_loop3A_481 : i1
        %parallel_loop3A_488 = arith.addi %parallel_loop3A_479, %parallel_loop3A_478 : i32
        %parallel_loop3A_489 = arith.select %parallel_loop3A_487, %parallel_loop3A_488, %parallel_loop3A_479 : i32
        %parallel_loop3A_490 = arith.index_cast %parallel_loop3A_473 : i32 to index
        %parallel_loop3A_491 = arith.index_cast %parallel_loop3A_489 : i32 to index
        %parallel_loop3A_492 = arith.constant 64 : index
        %parallel_loop3A_493 = tpu.vector_load %arg13[%parallel_loop3A_490, %parallel_loop3A_491, %parallel_loop3A_492] {strides = array<i32>} : memref<8x8x128xf32, #tpu.memory_space<vmem>>, vector<16xf32>,
        tpu.vector_store %arg13[%parallel_loop3A_490, %parallel_loop3A_491, %parallel_loop3A_492], %parallel_loop3A_449 {strides = array<i32>} : memref<8x8x128xf32, #tpu.memory_space<vmem>>, vector<16xf32>,
        %parallel_loop3A_494 = arith.constant 80 : i32
        %parallel_loop3A_495 = vector.broadcast %parallel_loop3A_494 : i32 to vector<16xi32>
        %parallel_loop3A_496 = arith.addi %parallel_loop3A_495, %iota3A : vector<16xi32>
        %parallel_loop3A_497 = tpu.vector_load_idx %arg8[%parallel_loop3A_496, %parallel_loop3A_253] : memref<128x65xf32, #tpu.memory_space<vmem>>[vector<16xi32>, vector<16xi32>], vector<16xf32>,
        %parallel_loop3A_498 = arith.constant 8 : i32
        %parallel_loop3A_499 = arith.divsi %parallel_loop3A_249, %parallel_loop3A_498 : i32
        %parallel_loop3A_500 = arith.constant 0 : i32
        %parallel_loop3A_501 = arith.cmpi sgt, %parallel_loop3A_249, %parallel_loop3A_500 : i32
        %parallel_loop3A_502 = arith.extui %parallel_loop3A_501 : i1 to i32
        %parallel_loop3A_503 = arith.constant 0 : i32
        %parallel_loop3A_504 = arith.cmpi slt, %parallel_loop3A_249, %parallel_loop3A_503 : i32
        %parallel_loop3A_505 = arith.extui %parallel_loop3A_504 : i1 to i32
        %parallel_loop3A_506 = arith.subi %parallel_loop3A_502, %parallel_loop3A_505 : i32
        %parallel_loop3A_507 = arith.constant 0 : i32
        %parallel_loop3A_508 = arith.cmpi sgt, %parallel_loop3A_498, %parallel_loop3A_507 : i32
        %parallel_loop3A_509 = arith.extui %parallel_loop3A_508 : i1 to i32
        %parallel_loop3A_510 = arith.constant 0 : i32
        %parallel_loop3A_511 = arith.cmpi slt, %parallel_loop3A_498, %parallel_loop3A_510 : i32
        %parallel_loop3A_512 = arith.extui %parallel_loop3A_511 : i1 to i32
        %parallel_loop3A_513 = arith.subi %parallel_loop3A_509, %parallel_loop3A_512 : i32
        %parallel_loop3A_514 = arith.cmpi ne, %parallel_loop3A_506, %parallel_loop3A_513 : i32
        %parallel_loop3A_515 = arith.remsi %parallel_loop3A_249, %parallel_loop3A_498 : i32
        %parallel_loop3A_516 = arith.constant 0 : i32
        %parallel_loop3A_517 = arith.cmpi ne, %parallel_loop3A_515, %parallel_loop3A_516 : i32
        %parallel_loop3A_518 = arith.andi %parallel_loop3A_514, %parallel_loop3A_517 : i1
        %parallel_loop3A_519 = arith.constant 1 : i32
        %parallel_loop3A_520 = arith.subi %parallel_loop3A_499, %parallel_loop3A_519 : i32
        %parallel_loop3A_521 = arith.select %parallel_loop3A_518, %parallel_loop3A_520, %parallel_loop3A_499 : i32
        %parallel_loop3A_522 = arith.constant 8 : i32
        %parallel_loop3A_523 = arith.constant 0 : i32
        %parallel_loop3A_524 = arith.cmpi eq, %parallel_loop3A_522, %parallel_loop3A_523 : i32
        %parallel_loop3A_525 = arith.constant 1 : i32
        %parallel_loop3A_526 = arith.select %parallel_loop3A_524, %parallel_loop3A_525, %parallel_loop3A_522 : i32
        %parallel_loop3A_527 = arith.remsi %parallel_loop3A_249, %parallel_loop3A_526 : i32
        %parallel_loop3A_528 = arith.constant 0 : i32
        %parallel_loop3A_529 = arith.cmpi ne, %parallel_loop3A_527, %parallel_loop3A_528 : i32
        %parallel_loop3A_530 = arith.constant 0 : i32
        %parallel_loop3A_531 = arith.cmpi slt, %parallel_loop3A_527, %parallel_loop3A_530 : i32
        %parallel_loop3A_532 = arith.constant 0 : i32
        %parallel_loop3A_533 = arith.cmpi slt, %parallel_loop3A_526, %parallel_loop3A_532 : i32
        %parallel_loop3A_534 = arith.xori %parallel_loop3A_531, %parallel_loop3A_533 : i1
        %parallel_loop3A_535 = arith.andi %parallel_loop3A_534, %parallel_loop3A_529 : i1
        %parallel_loop3A_536 = arith.addi %parallel_loop3A_527, %parallel_loop3A_526 : i32
        %parallel_loop3A_537 = arith.select %parallel_loop3A_535, %parallel_loop3A_536, %parallel_loop3A_527 : i32
        %parallel_loop3A_538 = arith.index_cast %parallel_loop3A_521 : i32 to index
        %parallel_loop3A_539 = arith.index_cast %parallel_loop3A_537 : i32 to index
        %parallel_loop3A_540 = arith.constant 80 : index
        %parallel_loop3A_541 = tpu.vector_load %arg13[%parallel_loop3A_538, %parallel_loop3A_539, %parallel_loop3A_540] {strides = array<i32>} : memref<8x8x128xf32, #tpu.memory_space<vmem>>, vector<16xf32>,
        tpu.vector_store %arg13[%parallel_loop3A_538, %parallel_loop3A_539, %parallel_loop3A_540], %parallel_loop3A_497 {strides = array<i32>} : memref<8x8x128xf32, #tpu.memory_space<vmem>>, vector<16xf32>,
        %parallel_loop3A_542 = arith.constant 96 : i32
        %parallel_loop3A_543 = vector.broadcast %parallel_loop3A_542 : i32 to vector<16xi32>
        %parallel_loop3A_544 = arith.addi %parallel_loop3A_543, %iota3A : vector<16xi32>
        %parallel_loop3A_545 = tpu.vector_load_idx %arg8[%parallel_loop3A_544, %parallel_loop3A_253] : memref<128x65xf32, #tpu.memory_space<vmem>>[vector<16xi32>, vector<16xi32>], vector<16xf32>,
        %parallel_loop3A_546 = arith.constant 8 : i32
        %parallel_loop3A_547 = arith.divsi %parallel_loop3A_249, %parallel_loop3A_546 : i32
        %parallel_loop3A_548 = arith.constant 0 : i32
        %parallel_loop3A_549 = arith.cmpi sgt, %parallel_loop3A_249, %parallel_loop3A_548 : i32
        %parallel_loop3A_550 = arith.extui %parallel_loop3A_549 : i1 to i32
        %parallel_loop3A_551 = arith.constant 0 : i32
        %parallel_loop3A_552 = arith.cmpi slt, %parallel_loop3A_249, %parallel_loop3A_551 : i32
        %parallel_loop3A_553 = arith.extui %parallel_loop3A_552 : i1 to i32
        %parallel_loop3A_554 = arith.subi %parallel_loop3A_550, %parallel_loop3A_553 : i32
        %parallel_loop3A_555 = arith.constant 0 : i32
        %parallel_loop3A_556 = arith.cmpi sgt, %parallel_loop3A_546, %parallel_loop3A_555 : i32
        %parallel_loop3A_557 = arith.extui %parallel_loop3A_556 : i1 to i32
        %parallel_loop3A_558 = arith.constant 0 : i32
        %parallel_loop3A_559 = arith.cmpi slt, %parallel_loop3A_546, %parallel_loop3A_558 : i32
        %parallel_loop3A_560 = arith.extui %parallel_loop3A_559 : i1 to i32
        %parallel_loop3A_561 = arith.subi %parallel_loop3A_557, %parallel_loop3A_560 : i32
        %parallel_loop3A_562 = arith.cmpi ne, %parallel_loop3A_554, %parallel_loop3A_561 : i32
        %parallel_loop3A_563 = arith.remsi %parallel_loop3A_249, %parallel_loop3A_546 : i32
        %parallel_loop3A_564 = arith.constant 0 : i32
        %parallel_loop3A_565 = arith.cmpi ne, %parallel_loop3A_563, %parallel_loop3A_564 : i32
        %parallel_loop3A_566 = arith.andi %parallel_loop3A_562, %parallel_loop3A_565 : i1
        %parallel_loop3A_567 = arith.constant 1 : i32
        %parallel_loop3A_568 = arith.subi %parallel_loop3A_547, %parallel_loop3A_567 : i32
        %parallel_loop3A_569 = arith.select %parallel_loop3A_566, %parallel_loop3A_568, %parallel_loop3A_547 : i32
        %parallel_loop3A_570 = arith.constant 8 : i32
        %parallel_loop3A_571 = arith.constant 0 : i32
        %parallel_loop3A_572 = arith.cmpi eq, %parallel_loop3A_570, %parallel_loop3A_571 : i32
        %parallel_loop3A_573 = arith.constant 1 : i32
        %parallel_loop3A_574 = arith.select %parallel_loop3A_572, %parallel_loop3A_573, %parallel_loop3A_570 : i32
        %parallel_loop3A_575 = arith.remsi %parallel_loop3A_249, %parallel_loop3A_574 : i32
        %parallel_loop3A_576 = arith.constant 0 : i32
        %parallel_loop3A_577 = arith.cmpi ne, %parallel_loop3A_575, %parallel_loop3A_576 : i32
        %parallel_loop3A_578 = arith.constant 0 : i32
        %parallel_loop3A_579 = arith.cmpi slt, %parallel_loop3A_575, %parallel_loop3A_578 : i32
        %parallel_loop3A_580 = arith.constant 0 : i32
        %parallel_loop3A_581 = arith.cmpi slt, %parallel_loop3A_574, %parallel_loop3A_580 : i32
        %parallel_loop3A_582 = arith.xori %parallel_loop3A_579, %parallel_loop3A_581 : i1
        %parallel_loop3A_583 = arith.andi %parallel_loop3A_582, %parallel_loop3A_577 : i1
        %parallel_loop3A_584 = arith.addi %parallel_loop3A_575, %parallel_loop3A_574 : i32
        %parallel_loop3A_585 = arith.select %parallel_loop3A_583, %parallel_loop3A_584, %parallel_loop3A_575 : i32
        %parallel_loop3A_586 = arith.index_cast %parallel_loop3A_569 : i32 to index
        %parallel_loop3A_587 = arith.index_cast %parallel_loop3A_585 : i32 to index
        %parallel_loop3A_588 = arith.constant 96 : index
        %parallel_loop3A_589 = tpu.vector_load %arg13[%parallel_loop3A_586, %parallel_loop3A_587, %parallel_loop3A_588] {strides = array<i32>} : memref<8x8x128xf32, #tpu.memory_space<vmem>>, vector<16xf32>,
        tpu.vector_store %arg13[%parallel_loop3A_586, %parallel_loop3A_587, %parallel_loop3A_588], %parallel_loop3A_545 {strides = array<i32>} : memref<8x8x128xf32, #tpu.memory_space<vmem>>, vector<16xf32>,
        %parallel_loop3A_590 = arith.constant 112 : i32
        %parallel_loop3A_591 = vector.broadcast %parallel_loop3A_590 : i32 to vector<16xi32>
        %parallel_loop3A_592 = arith.addi %parallel_loop3A_591, %iota3A : vector<16xi32>
        %parallel_loop3A_593 = tpu.vector_load_idx %arg8[%parallel_loop3A_592, %parallel_loop3A_253] : memref<128x65xf32, #tpu.memory_space<vmem>>[vector<16xi32>, vector<16xi32>], vector<16xf32>,
        %parallel_loop3A_594 = arith.constant 8 : i32
        %parallel_loop3A_595 = arith.divsi %parallel_loop3A_249, %parallel_loop3A_594 : i32
        %parallel_loop3A_596 = arith.constant 0 : i32
        %parallel_loop3A_597 = arith.cmpi sgt, %parallel_loop3A_249, %parallel_loop3A_596 : i32
        %parallel_loop3A_598 = arith.extui %parallel_loop3A_597 : i1 to i32
        %parallel_loop3A_599 = arith.constant 0 : i32
        %parallel_loop3A_600 = arith.cmpi slt, %parallel_loop3A_249, %parallel_loop3A_599 : i32
        %parallel_loop3A_601 = arith.extui %parallel_loop3A_600 : i1 to i32
        %parallel_loop3A_602 = arith.subi %parallel_loop3A_598, %parallel_loop3A_601 : i32
        %parallel_loop3A_603 = arith.constant 0 : i32
        %parallel_loop3A_604 = arith.cmpi sgt, %parallel_loop3A_594, %parallel_loop3A_603 : i32
        %parallel_loop3A_605 = arith.extui %parallel_loop3A_604 : i1 to i32
        %parallel_loop3A_606 = arith.constant 0 : i32
        %parallel_loop3A_607 = arith.cmpi slt, %parallel_loop3A_594, %parallel_loop3A_606 : i32
        %parallel_loop3A_608 = arith.extui %parallel_loop3A_607 : i1 to i32
        %parallel_loop3A_609 = arith.subi %parallel_loop3A_605, %parallel_loop3A_608 : i32
        %parallel_loop3A_610 = arith.cmpi ne, %parallel_loop3A_602, %parallel_loop3A_609 : i32
        %parallel_loop3A_611 = arith.remsi %parallel_loop3A_249, %parallel_loop3A_594 : i32
        %parallel_loop3A_612 = arith.constant 0 : i32
        %parallel_loop3A_613 = arith.cmpi ne, %parallel_loop3A_611, %parallel_loop3A_612 : i32
        %parallel_loop3A_614 = arith.andi %parallel_loop3A_610, %parallel_loop3A_613 : i1
        %parallel_loop3A_615 = arith.constant 1 : i32
        %parallel_loop3A_616 = arith.subi %parallel_loop3A_595, %parallel_loop3A_615 : i32
        %parallel_loop3A_617 = arith.select %parallel_loop3A_614, %parallel_loop3A_616, %parallel_loop3A_595 : i32
        %parallel_loop3A_618 = arith.constant 8 : i32
        %parallel_loop3A_619 = arith.constant 0 : i32
        %parallel_loop3A_620 = arith.cmpi eq, %parallel_loop3A_618, %parallel_loop3A_619 : i32
        %parallel_loop3A_621 = arith.constant 1 : i32
        %parallel_loop3A_622 = arith.select %parallel_loop3A_620, %parallel_loop3A_621, %parallel_loop3A_618 : i32
        %parallel_loop3A_623 = arith.remsi %parallel_loop3A_249, %parallel_loop3A_622 : i32
        %parallel_loop3A_624 = arith.constant 0 : i32
        %parallel_loop3A_625 = arith.cmpi ne, %parallel_loop3A_623, %parallel_loop3A_624 : i32
        %parallel_loop3A_626 = arith.constant 0 : i32
        %parallel_loop3A_627 = arith.cmpi slt, %parallel_loop3A_623, %parallel_loop3A_626 : i32
        %parallel_loop3A_628 = arith.constant 0 : i32
        %parallel_loop3A_629 = arith.cmpi slt, %parallel_loop3A_622, %parallel_loop3A_628 : i32
        %parallel_loop3A_630 = arith.xori %parallel_loop3A_627, %parallel_loop3A_629 : i1
        %parallel_loop3A_631 = arith.andi %parallel_loop3A_630, %parallel_loop3A_625 : i1
        %parallel_loop3A_632 = arith.addi %parallel_loop3A_623, %parallel_loop3A_622 : i32
        %parallel_loop3A_633 = arith.select %parallel_loop3A_631, %parallel_loop3A_632, %parallel_loop3A_623 : i32
        %parallel_loop3A_634 = arith.index_cast %parallel_loop3A_617 : i32 to index
        %parallel_loop3A_635 = arith.index_cast %parallel_loop3A_633 : i32 to index
        %parallel_loop3A_636 = arith.constant 112 : index
        %parallel_loop3A_637 = tpu.vector_load %arg13[%parallel_loop3A_634, %parallel_loop3A_635, %parallel_loop3A_636] {strides = array<i32>} : memref<8x8x128xf32, #tpu.memory_space<vmem>>, vector<16xf32>,
        tpu.vector_store %arg13[%parallel_loop3A_634, %parallel_loop3A_635, %parallel_loop3A_636], %parallel_loop3A_593 {strides = array<i32>} : memref<8x8x128xf32, #tpu.memory_space<vmem>>, vector<16xf32>,
      } {sc.loop_unroll_factor = 2 : i64, sc.parallel_access}
      %dma_start3A_188 = arith.constant 0 : i32
      %dma_start3A_189 = arith.constant 0 : i32
      %dma_start3A_190 = arith.constant 0 : i32
      %dma_start3A_191 = tpu.memref_slice %arg5[%add3A_150, %dma_start3A_188, %add3A, %dma_start3A_189, %dma_start3A_190] : memref<200x8x32x8x128xf32, #tpu.memory_space<hbm>> -> memref<1x8x1x8x128xf32, #tpu.memory_space<hbm>>
      %dma_start3A_192 = tpu.memref_squeeze %dma_start3A_191 : memref<1x8x1x8x128xf32, #tpu.memory_space<hbm>> -> memref<8x8x128xf32, #tpu.memory_space<hbm>>
      %dma_start3A_193 = arith.constant 0 : i32
      %dma_start3A_194 = arith.constant 0 : i32
      %dma_start3A_195 = arith.constant 0 : i32
      %dma_start3A_196 = tpu.memref_slice %arg5[%add3A_150, %dma_start3A_193, %add3A, %dma_start3A_194, %dma_start3A_195] : memref<200x8x32x8x128xf32, #tpu.memory_space<hbm>> -> memref<1x8x1x8x128xf32, #tpu.memory_space<hbm>>
      %dma_start3A_197 = tpu.memref_squeeze %dma_start3A_196 : memref<1x8x1x8x128xf32, #tpu.memory_space<hbm>> -> memref<8x8x128xf32, #tpu.memory_space<hbm>>
      tpu.enqueue_dma source(%arg13 : memref<8x8x128xf32, #tpu.memory_space<vmem>>) target(%dma_start3A_197 : memref<8x8x128xf32, #tpu.memory_space<hbm>>) target_semaphore(%arg19 : memref<!tpu.dma_semaphore, #tpu.memory_space<semaphore_mem>>)
      %mul3A_198 = arith.constant 4 : i32
      %mul3A_199 = arith.muli %mul3A_198, %scan3A_50 : i32
      %add3A_200 = arith.constant 3 : i32
      %add3A_201 = arith.addi %mul3A_199, %add3A_200 : i32
      %add3A_202 = arith.constant 3 : i32
      %add3A_203 = arith.addi %add3A_201, %add3A_202 : i32
      %lt3A_204 = arith.constant 200 : i32
      %lt3A_205 = arith.cmpi slt, %add3A_203, %lt3A_204 : i32
      %convert_element_type3A_206 = arith.extui %lt3A_205 : i1 to i32
      %cond3A_207 = arith.constant 0 : i32
      %cond3A_208 = arith.cmpi ne, %convert_element_type3A_206, %cond3A_207 : i32
      scf.if %cond3A_208 {
        %add3A_249 = arith.constant 3 : i32
        %add3A_250 = arith.addi %add3A_201, %add3A_249 : i32
        %dma_start3A_251 = arith.constant 0 : i32
        %dma_start3A_252 = tpu.memref_slice %arg6[%add3A_250, %dma_start3A_251] : memref<200x128xi32, #tpu.memory_space<vmem>> -> memref<1x128xi32, #tpu.memory_space<vmem>>
        %dma_start3A_253 = tpu.memref_squeeze %dma_start3A_252 : memref<1x128xi32, #tpu.memory_space<vmem>> -> memref<128xi32, #tpu.memory_space<vmem>>
        %dma_start3A_254 = arith.constant 0 : i32
        %dma_start3A_255 = arith.constant 0 : i32
        %dma_start3A_256 = tpu.memref_slice %arg3[%dma_start3A_254, %dma_start3A_255] : memref<100000x64xf32, #tpu.memory_space<hbm>> -> memref<100000x64xf32, #tpu.memory_space<hbm>>
        tpu.enqueue_indirect_dma source(%dma_start3A_256 : memref<100000x64xf32, #tpu.memory_space<hbm>>) target(%arg11 : memref<128x64xf32, #tpu.memory_space<vmem>>) offsets(%dma_start3A_253 : memref<128xi32, #tpu.memory_space<vmem>>) semaphore(%arg17 : memref<!tpu.dma_semaphore, #tpu.memory_space<semaphore_mem>>)
      } else {
      }
      %dma_wait3A_209 = arith.constant 0 : i32
      %dma_wait3A_210 = arith.constant 0 : i32
      %dma_wait3A_211 = tpu.memref_slice %arg6[%dma_wait3A_209, %dma_wait3A_210] : memref<200x128xi32, #tpu.memory_space<vmem>> -> memref<1x128xi32, #tpu.memory_space<vmem>>
      %dma_wait3A_212 = tpu.memref_squeeze %dma_wait3A_211 : memref<1x128xi32, #tpu.memory_space<vmem>> -> memref<128xi32, #tpu.memory_space<vmem>>
      %dma_wait3A_213 = arith.constant 0 : i32
      %dma_wait3A_214 = arith.constant 0 : i32
      %dma_wait3A_215 = tpu.memref_slice %arg3[%dma_wait3A_213, %dma_wait3A_214] : memref<100000x64xf32, #tpu.memory_space<hbm>> -> memref<100000x64xf32, #tpu.memory_space<hbm>>
      tpu.wait_indirect_dma semaphore(%arg18 : memref<!tpu.dma_semaphore, #tpu.memory_space<semaphore_mem>>) src(%dma_wait3A_215 : memref<100000x64xf32, #tpu.memory_space<hbm>>) dst(%arg12 : memref<128x64xf32, #tpu.memory_space<vmem>>)
      %ge3A_216 = arith.constant 2 : i32
      %ge3A_217 = arith.cmpi sge, %add3A_201, %ge3A_216 : i32
      %convert_element_type3A_218 = arith.extui %ge3A_217 : i1 to i32
      %cond3A_219 = arith.constant 0 : i32
      %cond3A_220 = arith.cmpi ne, %convert_element_type3A_218, %cond3A_219 : i32
      scf.if %cond3A_220 {
        %dma_wait3A_249 = arith.constant 0 : i32
        %dma_wait3A_250 = arith.constant 0 : i32
        %dma_wait3A_251 = arith.constant 0 : i32
        %dma_wait3A_252 = arith.constant 0 : i32
        %dma_wait3A_253 = arith.constant 0 : i32
        %dma_wait3A_254 = tpu.memref_slice %arg5[%dma_wait3A_249, %dma_wait3A_251, %dma_wait3A_250, %dma_wait3A_252, %dma_wait3A_253] : memref<200x8x32x8x128xf32, #tpu.memory_space<hbm>> -> memref<1x8x1x8x128xf32, #tpu.memory_space<hbm>>
        %dma_wait3A_255 = tpu.memref_squeeze %dma_wait3A_254 : memref<1x8x1x8x128xf32, #tpu.memory_space<hbm>> -> memref<8x8x128xf32, #tpu.memory_space<hbm>>
        %dma_wait3A_256 = arith.constant 0 : i32
        %dma_wait3A_257 = arith.constant 0 : i32
        %dma_wait3A_258 = arith.constant 0 : i32
        %dma_wait3A_259 = tpu.memref_slice %arg5[%dma_wait3A_249, %dma_wait3A_256, %dma_wait3A_250, %dma_wait3A_257, %dma_wait3A_258] : memref<200x8x32x8x128xf32, #tpu.memory_space<hbm>> -> memref<1x8x1x8x128xf32, #tpu.memory_space<hbm>>
        %dma_wait3A_260 = tpu.memref_squeeze %dma_wait3A_259 : memref<1x8x1x8x128xf32, #tpu.memory_space<hbm>> -> memref<8x8x128xf32, #tpu.memory_space<hbm>>
        tpu.wait_dma2 semaphore(%arg20 : memref<!tpu.dma_semaphore, #tpu.memory_space<semaphore_mem>>) src(%arg14 : memref<8x8x128xf32, #tpu.memory_space<vmem>>) dst(%dma_wait3A_260 : memref<8x8x128xf32, #tpu.memory_space<hbm>>)
      } else {
      }
      %get3A_221 = arith.index_cast %add3A_201 : i32 to index
      %get3A_222 = arith.constant 0 : index
      %get3A_223 = tpu.vector_load %arg7[%get3A_221, %get3A_222] {strides = array<i32>} : memref<200x64xf32, #tpu.memory_space<vmem>>, vector<16xf32>,
      %get3A_224 = arith.index_cast %add3A_201 : i32 to index
      %get3A_225 = arith.constant 16 : index
      %get3A_226 = tpu.vector_load %arg7[%get3A_224, %get3A_225] {strides = array<i32>} : memref<200x64xf32, #tpu.memory_space<vmem>>, vector<16xf32>,
      %get3A_227 = arith.index_cast %add3A_201 : i32 to index
      %get3A_228 = arith.constant 32 : index
      %get3A_229 = tpu.vector_load %arg7[%get3A_227, %get3A_228] {strides = array<i32>} : memref<200x64xf32, #tpu.memory_space<vmem>>, vector<16xf32>,
      %get3A_230 = arith.index_cast %add3A_201 : i32 to index
      %get3A_231 = arith.constant 48 : index
      %get3A_232 = tpu.vector_load %arg7[%get3A_230, %get3A_231] {strides = array<i32>} : memref<200x64xf32, #tpu.memory_space<vmem>>, vector<16xf32>,
      %parallel_loop3A_233 = arith.constant 0 : i32
      %parallel_loop3A_234 = arith.constant 128 : i32
      %parallel_loop3A_235 = arith.constant 1 : i32
      scf.for %parallel_loop3A_249 = %parallel_loop3A_233 to %parallel_loop3A_234 step %parallel_loop3A_235  : i32 {
        %parallel_loop3A_250 = arith.index_cast %parallel_loop3A_249 : i32 to index
        %parallel_loop3A_251 = arith.constant 0 : index
        %parallel_loop3A_252 = tpu.vector_load %arg12[%parallel_loop3A_250, %parallel_loop3A_251] {strides = array<i32>} : memref<128x64xf32, #tpu.memory_space<vmem>>, vector<16xf32>,
        %parallel_loop3A_253 = arith.addf %parallel_loop3A_252, %get3A_223 : vector<16xf32>
        %parallel_loop3A_254 = arith.index_cast %parallel_loop3A_249 : i32 to index
        %parallel_loop3A_255 = arith.constant 0 : index
        %parallel_loop3A_256 = tpu.vector_load %arg8[%parallel_loop3A_254, %parallel_loop3A_255] {strides = array<i32>} : memref<128x65xf32, #tpu.memory_space<vmem>>, vector<16xf32>,
        tpu.vector_store %arg8[%parallel_loop3A_254, %parallel_loop3A_255], %parallel_loop3A_253 {strides = array<i32>} : memref<128x65xf32, #tpu.memory_space<vmem>>, vector<16xf32>,
        %parallel_loop3A_257 = arith.index_cast %parallel_loop3A_249 : i32 to index
        %parallel_loop3A_258 = arith.constant 16 : index
        %parallel_loop3A_259 = tpu.vector_load %arg12[%parallel_loop3A_257, %parallel_loop3A_258] {strides = array<i32>} : memref<128x64xf32, #tpu.memory_space<vmem>>, vector<16xf32>,
        %parallel_loop3A_260 = arith.addf %parallel_loop3A_259, %get3A_226 : vector<16xf32>
        %parallel_loop3A_261 = arith.index_cast %parallel_loop3A_249 : i32 to index
        %parallel_loop3A_262 = arith.constant 16 : index
        %parallel_loop3A_263 = tpu.vector_load %arg8[%parallel_loop3A_261, %parallel_loop3A_262] {strides = array<i32>} : memref<128x65xf32, #tpu.memory_space<vmem>>, vector<16xf32>,
        tpu.vector_store %arg8[%parallel_loop3A_261, %parallel_loop3A_262], %parallel_loop3A_260 {strides = array<i32>} : memref<128x65xf32, #tpu.memory_space<vmem>>, vector<16xf32>,
        %parallel_loop3A_264 = arith.index_cast %parallel_loop3A_249 : i32 to index
        %parallel_loop3A_265 = arith.constant 32 : index
        %parallel_loop3A_266 = tpu.vector_load %arg12[%parallel_loop3A_264, %parallel_loop3A_265] {strides = array<i32>} : memref<128x64xf32, #tpu.memory_space<vmem>>, vector<16xf32>,
        %parallel_loop3A_267 = arith.addf %parallel_loop3A_266, %get3A_229 : vector<16xf32>
        %parallel_loop3A_268 = arith.index_cast %parallel_loop3A_249 : i32 to index
        %parallel_loop3A_269 = arith.constant 32 : index
        %parallel_loop3A_270 = tpu.vector_load %arg8[%parallel_loop3A_268, %parallel_loop3A_269] {strides = array<i32>} : memref<128x65xf32, #tpu.memory_space<vmem>>, vector<16xf32>,
        tpu.vector_store %arg8[%parallel_loop3A_268, %parallel_loop3A_269], %parallel_loop3A_267 {strides = array<i32>} : memref<128x65xf32, #tpu.memory_space<vmem>>, vector<16xf32>,
        %parallel_loop3A_271 = arith.index_cast %parallel_loop3A_249 : i32 to index
        %parallel_loop3A_272 = arith.constant 48 : index
        %parallel_loop3A_273 = tpu.vector_load %arg12[%parallel_loop3A_271, %parallel_loop3A_272] {strides = array<i32>} : memref<128x64xf32, #tpu.memory_space<vmem>>, vector<16xf32>,
        %parallel_loop3A_274 = arith.addf %parallel_loop3A_273, %get3A_232 : vector<16xf32>
        %parallel_loop3A_275 = arith.index_cast %parallel_loop3A_249 : i32 to index
        %parallel_loop3A_276 = arith.constant 48 : index
        %parallel_loop3A_277 = tpu.vector_load %arg8[%parallel_loop3A_275, %parallel_loop3A_276] {strides = array<i32>} : memref<128x65xf32, #tpu.memory_space<vmem>>, vector<16xf32>,
        tpu.vector_store %arg8[%parallel_loop3A_275, %parallel_loop3A_276], %parallel_loop3A_274 {strides = array<i32>} : memref<128x65xf32, #tpu.memory_space<vmem>>, vector<16xf32>,
      } {sc.loop_unroll_factor = 2 : i64, sc.parallel_access}
      %parallel_loop3A_236 = arith.constant 0 : i32
      %parallel_loop3A_237 = arith.constant 64 : i32
      %parallel_loop3A_238 = arith.constant 1 : i32
      scf.for %parallel_loop3A_249 = %parallel_loop3A_236 to %parallel_loop3A_237 step %parallel_loop3A_238  : i32 {
        %parallel_loop3A_250 = arith.constant 0 : i32
        %parallel_loop3A_251 = vector.broadcast %parallel_loop3A_250 : i32 to vector<16xi32>
        %parallel_loop3A_252 = vector.broadcast %parallel_loop3A_249 : i32 to vector<16xi32>
        %parallel_loop3A_253 = arith.addi %parallel_loop3A_251, %parallel_loop3A_252 : vector<16xi32>
        %parallel_loop3A_254 = arith.constant 0 : i32
        %parallel_loop3A_255 = vector.broadcast %parallel_loop3A_254 : i32 to vector<16xi32>
        %parallel_loop3A_256 = arith.addi %parallel_loop3A_255, %iota3A : vector<16xi32>
        %parallel_loop3A_257 = tpu.vector_load_idx %arg8[%parallel_loop3A_256, %parallel_loop3A_253] : memref<128x65xf32, #tpu.memory_space<vmem>>[vector<16xi32>, vector<16xi32>], vector<16xf32>,
        %parallel_loop3A_258 = arith.constant 8 : i32
        %parallel_loop3A_259 = arith.divsi %parallel_loop3A_249, %parallel_loop3A_258 : i32
        %parallel_loop3A_260 = arith.constant 0 : i32
        %parallel_loop3A_261 = arith.cmpi sgt, %parallel_loop3A_249, %parallel_loop3A_260 : i32
        %parallel_loop3A_262 = arith.extui %parallel_loop3A_261 : i1 to i32
        %parallel_loop3A_263 = arith.constant 0 : i32
        %parallel_loop3A_264 = arith.cmpi slt, %parallel_loop3A_249, %parallel_loop3A_263 : i32
        %parallel_loop3A_265 = arith.extui %parallel_loop3A_264 : i1 to i32
        %parallel_loop3A_266 = arith.subi %parallel_loop3A_262, %parallel_loop3A_265 : i32
        %parallel_loop3A_267 = arith.constant 0 : i32
        %parallel_loop3A_268 = arith.cmpi sgt, %parallel_loop3A_258, %parallel_loop3A_267 : i32
        %parallel_loop3A_269 = arith.extui %parallel_loop3A_268 : i1 to i32
        %parallel_loop3A_270 = arith.constant 0 : i32
        %parallel_loop3A_271 = arith.cmpi slt, %parallel_loop3A_258, %parallel_loop3A_270 : i32
        %parallel_loop3A_272 = arith.extui %parallel_loop3A_271 : i1 to i32
        %parallel_loop3A_273 = arith.subi %parallel_loop3A_269, %parallel_loop3A_272 : i32
        %parallel_loop3A_274 = arith.cmpi ne, %parallel_loop3A_266, %parallel_loop3A_273 : i32
        %parallel_loop3A_275 = arith.remsi %parallel_loop3A_249, %parallel_loop3A_258 : i32
        %parallel_loop3A_276 = arith.constant 0 : i32
        %parallel_loop3A_277 = arith.cmpi ne, %parallel_loop3A_275, %parallel_loop3A_276 : i32
        %parallel_loop3A_278 = arith.andi %parallel_loop3A_274, %parallel_loop3A_277 : i1
        %parallel_loop3A_279 = arith.constant 1 : i32
        %parallel_loop3A_280 = arith.subi %parallel_loop3A_259, %parallel_loop3A_279 : i32
        %parallel_loop3A_281 = arith.select %parallel_loop3A_278, %parallel_loop3A_280, %parallel_loop3A_259 : i32
        %parallel_loop3A_282 = arith.constant 8 : i32
        %parallel_loop3A_283 = arith.constant 0 : i32
        %parallel_loop3A_284 = arith.cmpi eq, %parallel_loop3A_282, %parallel_loop3A_283 : i32
        %parallel_loop3A_285 = arith.constant 1 : i32
        %parallel_loop3A_286 = arith.select %parallel_loop3A_284, %parallel_loop3A_285, %parallel_loop3A_282 : i32
        %parallel_loop3A_287 = arith.remsi %parallel_loop3A_249, %parallel_loop3A_286 : i32
        %parallel_loop3A_288 = arith.constant 0 : i32
        %parallel_loop3A_289 = arith.cmpi ne, %parallel_loop3A_287, %parallel_loop3A_288 : i32
        %parallel_loop3A_290 = arith.constant 0 : i32
        %parallel_loop3A_291 = arith.cmpi slt, %parallel_loop3A_287, %parallel_loop3A_290 : i32
        %parallel_loop3A_292 = arith.constant 0 : i32
        %parallel_loop3A_293 = arith.cmpi slt, %parallel_loop3A_286, %parallel_loop3A_292 : i32
        %parallel_loop3A_294 = arith.xori %parallel_loop3A_291, %parallel_loop3A_293 : i1
        %parallel_loop3A_295 = arith.andi %parallel_loop3A_294, %parallel_loop3A_289 : i1
        %parallel_loop3A_296 = arith.addi %parallel_loop3A_287, %parallel_loop3A_286 : i32
        %parallel_loop3A_297 = arith.select %parallel_loop3A_295, %parallel_loop3A_296, %parallel_loop3A_287 : i32
        %parallel_loop3A_298 = arith.index_cast %parallel_loop3A_281 : i32 to index
        %parallel_loop3A_299 = arith.index_cast %parallel_loop3A_297 : i32 to index
        %parallel_loop3A_300 = arith.constant 0 : index
        %parallel_loop3A_301 = tpu.vector_load %arg14[%parallel_loop3A_298, %parallel_loop3A_299, %parallel_loop3A_300] {strides = array<i32>} : memref<8x8x128xf32, #tpu.memory_space<vmem>>, vector<16xf32>,
        tpu.vector_store %arg14[%parallel_loop3A_298, %parallel_loop3A_299, %parallel_loop3A_300], %parallel_loop3A_257 {strides = array<i32>} : memref<8x8x128xf32, #tpu.memory_space<vmem>>, vector<16xf32>,
        %parallel_loop3A_302 = arith.constant 16 : i32
        %parallel_loop3A_303 = vector.broadcast %parallel_loop3A_302 : i32 to vector<16xi32>
        %parallel_loop3A_304 = arith.addi %parallel_loop3A_303, %iota3A : vector<16xi32>
        %parallel_loop3A_305 = tpu.vector_load_idx %arg8[%parallel_loop3A_304, %parallel_loop3A_253] : memref<128x65xf32, #tpu.memory_space<vmem>>[vector<16xi32>, vector<16xi32>], vector<16xf32>,
        %parallel_loop3A_306 = arith.constant 8 : i32
        %parallel_loop3A_307 = arith.divsi %parallel_loop3A_249, %parallel_loop3A_306 : i32
        %parallel_loop3A_308 = arith.constant 0 : i32
        %parallel_loop3A_309 = arith.cmpi sgt, %parallel_loop3A_249, %parallel_loop3A_308 : i32
        %parallel_loop3A_310 = arith.extui %parallel_loop3A_309 : i1 to i32
        %parallel_loop3A_311 = arith.constant 0 : i32
        %parallel_loop3A_312 = arith.cmpi slt, %parallel_loop3A_249, %parallel_loop3A_311 : i32
        %parallel_loop3A_313 = arith.extui %parallel_loop3A_312 : i1 to i32
        %parallel_loop3A_314 = arith.subi %parallel_loop3A_310, %parallel_loop3A_313 : i32
        %parallel_loop3A_315 = arith.constant 0 : i32
        %parallel_loop3A_316 = arith.cmpi sgt, %parallel_loop3A_306, %parallel_loop3A_315 : i32
        %parallel_loop3A_317 = arith.extui %parallel_loop3A_316 : i1 to i32
        %parallel_loop3A_318 = arith.constant 0 : i32
        %parallel_loop3A_319 = arith.cmpi slt, %parallel_loop3A_306, %parallel_loop3A_318 : i32
        %parallel_loop3A_320 = arith.extui %parallel_loop3A_319 : i1 to i32
        %parallel_loop3A_321 = arith.subi %parallel_loop3A_317, %parallel_loop3A_320 : i32
        %parallel_loop3A_322 = arith.cmpi ne, %parallel_loop3A_314, %parallel_loop3A_321 : i32
        %parallel_loop3A_323 = arith.remsi %parallel_loop3A_249, %parallel_loop3A_306 : i32
        %parallel_loop3A_324 = arith.constant 0 : i32
        %parallel_loop3A_325 = arith.cmpi ne, %parallel_loop3A_323, %parallel_loop3A_324 : i32
        %parallel_loop3A_326 = arith.andi %parallel_loop3A_322, %parallel_loop3A_325 : i1
        %parallel_loop3A_327 = arith.constant 1 : i32
        %parallel_loop3A_328 = arith.subi %parallel_loop3A_307, %parallel_loop3A_327 : i32
        %parallel_loop3A_329 = arith.select %parallel_loop3A_326, %parallel_loop3A_328, %parallel_loop3A_307 : i32
        %parallel_loop3A_330 = arith.constant 8 : i32
        %parallel_loop3A_331 = arith.constant 0 : i32
        %parallel_loop3A_332 = arith.cmpi eq, %parallel_loop3A_330, %parallel_loop3A_331 : i32
        %parallel_loop3A_333 = arith.constant 1 : i32
        %parallel_loop3A_334 = arith.select %parallel_loop3A_332, %parallel_loop3A_333, %parallel_loop3A_330 : i32
        %parallel_loop3A_335 = arith.remsi %parallel_loop3A_249, %parallel_loop3A_334 : i32
        %parallel_loop3A_336 = arith.constant 0 : i32
        %parallel_loop3A_337 = arith.cmpi ne, %parallel_loop3A_335, %parallel_loop3A_336 : i32
        %parallel_loop3A_338 = arith.constant 0 : i32
        %parallel_loop3A_339 = arith.cmpi slt, %parallel_loop3A_335, %parallel_loop3A_338 : i32
        %parallel_loop3A_340 = arith.constant 0 : i32
        %parallel_loop3A_341 = arith.cmpi slt, %parallel_loop3A_334, %parallel_loop3A_340 : i32
        %parallel_loop3A_342 = arith.xori %parallel_loop3A_339, %parallel_loop3A_341 : i1
        %parallel_loop3A_343 = arith.andi %parallel_loop3A_342, %parallel_loop3A_337 : i1
        %parallel_loop3A_344 = arith.addi %parallel_loop3A_335, %parallel_loop3A_334 : i32
        %parallel_loop3A_345 = arith.select %parallel_loop3A_343, %parallel_loop3A_344, %parallel_loop3A_335 : i32
        %parallel_loop3A_346 = arith.index_cast %parallel_loop3A_329 : i32 to index
        %parallel_loop3A_347 = arith.index_cast %parallel_loop3A_345 : i32 to index
        %parallel_loop3A_348 = arith.constant 16 : index
        %parallel_loop3A_349 = tpu.vector_load %arg14[%parallel_loop3A_346, %parallel_loop3A_347, %parallel_loop3A_348] {strides = array<i32>} : memref<8x8x128xf32, #tpu.memory_space<vmem>>, vector<16xf32>,
        tpu.vector_store %arg14[%parallel_loop3A_346, %parallel_loop3A_347, %parallel_loop3A_348], %parallel_loop3A_305 {strides = array<i32>} : memref<8x8x128xf32, #tpu.memory_space<vmem>>, vector<16xf32>,
        %parallel_loop3A_350 = arith.constant 32 : i32
        %parallel_loop3A_351 = vector.broadcast %parallel_loop3A_350 : i32 to vector<16xi32>
        %parallel_loop3A_352 = arith.addi %parallel_loop3A_351, %iota3A : vector<16xi32>
        %parallel_loop3A_353 = tpu.vector_load_idx %arg8[%parallel_loop3A_352, %parallel_loop3A_253] : memref<128x65xf32, #tpu.memory_space<vmem>>[vector<16xi32>, vector<16xi32>], vector<16xf32>,
        %parallel_loop3A_354 = arith.constant 8 : i32
        %parallel_loop3A_355 = arith.divsi %parallel_loop3A_249, %parallel_loop3A_354 : i32
        %parallel_loop3A_356 = arith.constant 0 : i32
        %parallel_loop3A_357 = arith.cmpi sgt, %parallel_loop3A_249, %parallel_loop3A_356 : i32
        %parallel_loop3A_358 = arith.extui %parallel_loop3A_357 : i1 to i32
        %parallel_loop3A_359 = arith.constant 0 : i32
        %parallel_loop3A_360 = arith.cmpi slt, %parallel_loop3A_249, %parallel_loop3A_359 : i32
        %parallel_loop3A_361 = arith.extui %parallel_loop3A_360 : i1 to i32
        %parallel_loop3A_362 = arith.subi %parallel_loop3A_358, %parallel_loop3A_361 : i32
        %parallel_loop3A_363 = arith.constant 0 : i32
        %parallel_loop3A_364 = arith.cmpi sgt, %parallel_loop3A_354, %parallel_loop3A_363 : i32
        %parallel_loop3A_365 = arith.extui %parallel_loop3A_364 : i1 to i32
        %parallel_loop3A_366 = arith.constant 0 : i32
        %parallel_loop3A_367 = arith.cmpi slt, %parallel_loop3A_354, %parallel_loop3A_366 : i32
        %parallel_loop3A_368 = arith.extui %parallel_loop3A_367 : i1 to i32
        %parallel_loop3A_369 = arith.subi %parallel_loop3A_365, %parallel_loop3A_368 : i32
        %parallel_loop3A_370 = arith.cmpi ne, %parallel_loop3A_362, %parallel_loop3A_369 : i32
        %parallel_loop3A_371 = arith.remsi %parallel_loop3A_249, %parallel_loop3A_354 : i32
        %parallel_loop3A_372 = arith.constant 0 : i32
        %parallel_loop3A_373 = arith.cmpi ne, %parallel_loop3A_371, %parallel_loop3A_372 : i32
        %parallel_loop3A_374 = arith.andi %parallel_loop3A_370, %parallel_loop3A_373 : i1
        %parallel_loop3A_375 = arith.constant 1 : i32
        %parallel_loop3A_376 = arith.subi %parallel_loop3A_355, %parallel_loop3A_375 : i32
        %parallel_loop3A_377 = arith.select %parallel_loop3A_374, %parallel_loop3A_376, %parallel_loop3A_355 : i32
        %parallel_loop3A_378 = arith.constant 8 : i32
        %parallel_loop3A_379 = arith.constant 0 : i32
        %parallel_loop3A_380 = arith.cmpi eq, %parallel_loop3A_378, %parallel_loop3A_379 : i32
        %parallel_loop3A_381 = arith.constant 1 : i32
        %parallel_loop3A_382 = arith.select %parallel_loop3A_380, %parallel_loop3A_381, %parallel_loop3A_378 : i32
        %parallel_loop3A_383 = arith.remsi %parallel_loop3A_249, %parallel_loop3A_382 : i32
        %parallel_loop3A_384 = arith.constant 0 : i32
        %parallel_loop3A_385 = arith.cmpi ne, %parallel_loop3A_383, %parallel_loop3A_384 : i32
        %parallel_loop3A_386 = arith.constant 0 : i32
        %parallel_loop3A_387 = arith.cmpi slt, %parallel_loop3A_383, %parallel_loop3A_386 : i32
        %parallel_loop3A_388 = arith.constant 0 : i32
        %parallel_loop3A_389 = arith.cmpi slt, %parallel_loop3A_382, %parallel_loop3A_388 : i32
        %parallel_loop3A_390 = arith.xori %parallel_loop3A_387, %parallel_loop3A_389 : i1
        %parallel_loop3A_391 = arith.andi %parallel_loop3A_390, %parallel_loop3A_385 : i1
        %parallel_loop3A_392 = arith.addi %parallel_loop3A_383, %parallel_loop3A_382 : i32
        %parallel_loop3A_393 = arith.select %parallel_loop3A_391, %parallel_loop3A_392, %parallel_loop3A_383 : i32
        %parallel_loop3A_394 = arith.index_cast %parallel_loop3A_377 : i32 to index
        %parallel_loop3A_395 = arith.index_cast %parallel_loop3A_393 : i32 to index
        %parallel_loop3A_396 = arith.constant 32 : index
        %parallel_loop3A_397 = tpu.vector_load %arg14[%parallel_loop3A_394, %parallel_loop3A_395, %parallel_loop3A_396] {strides = array<i32>} : memref<8x8x128xf32, #tpu.memory_space<vmem>>, vector<16xf32>,
        tpu.vector_store %arg14[%parallel_loop3A_394, %parallel_loop3A_395, %parallel_loop3A_396], %parallel_loop3A_353 {strides = array<i32>} : memref<8x8x128xf32, #tpu.memory_space<vmem>>, vector<16xf32>,
        %parallel_loop3A_398 = arith.constant 48 : i32
        %parallel_loop3A_399 = vector.broadcast %parallel_loop3A_398 : i32 to vector<16xi32>
        %parallel_loop3A_400 = arith.addi %parallel_loop3A_399, %iota3A : vector<16xi32>
        %parallel_loop3A_401 = tpu.vector_load_idx %arg8[%parallel_loop3A_400, %parallel_loop3A_253] : memref<128x65xf32, #tpu.memory_space<vmem>>[vector<16xi32>, vector<16xi32>], vector<16xf32>,
        %parallel_loop3A_402 = arith.constant 8 : i32
        %parallel_loop3A_403 = arith.divsi %parallel_loop3A_249, %parallel_loop3A_402 : i32
        %parallel_loop3A_404 = arith.constant 0 : i32
        %parallel_loop3A_405 = arith.cmpi sgt, %parallel_loop3A_249, %parallel_loop3A_404 : i32
        %parallel_loop3A_406 = arith.extui %parallel_loop3A_405 : i1 to i32
        %parallel_loop3A_407 = arith.constant 0 : i32
        %parallel_loop3A_408 = arith.cmpi slt, %parallel_loop3A_249, %parallel_loop3A_407 : i32
        %parallel_loop3A_409 = arith.extui %parallel_loop3A_408 : i1 to i32
        %parallel_loop3A_410 = arith.subi %parallel_loop3A_406, %parallel_loop3A_409 : i32
        %parallel_loop3A_411 = arith.constant 0 : i32
        %parallel_loop3A_412 = arith.cmpi sgt, %parallel_loop3A_402, %parallel_loop3A_411 : i32
        %parallel_loop3A_413 = arith.extui %parallel_loop3A_412 : i1 to i32
        %parallel_loop3A_414 = arith.constant 0 : i32
        %parallel_loop3A_415 = arith.cmpi slt, %parallel_loop3A_402, %parallel_loop3A_414 : i32
        %parallel_loop3A_416 = arith.extui %parallel_loop3A_415 : i1 to i32
        %parallel_loop3A_417 = arith.subi %parallel_loop3A_413, %parallel_loop3A_416 : i32
        %parallel_loop3A_418 = arith.cmpi ne, %parallel_loop3A_410, %parallel_loop3A_417 : i32
        %parallel_loop3A_419 = arith.remsi %parallel_loop3A_249, %parallel_loop3A_402 : i32
        %parallel_loop3A_420 = arith.constant 0 : i32
        %parallel_loop3A_421 = arith.cmpi ne, %parallel_loop3A_419, %parallel_loop3A_420 : i32
        %parallel_loop3A_422 = arith.andi %parallel_loop3A_418, %parallel_loop3A_421 : i1
        %parallel_loop3A_423 = arith.constant 1 : i32
        %parallel_loop3A_424 = arith.subi %parallel_loop3A_403, %parallel_loop3A_423 : i32
        %parallel_loop3A_425 = arith.select %parallel_loop3A_422, %parallel_loop3A_424, %parallel_loop3A_403 : i32
        %parallel_loop3A_426 = arith.constant 8 : i32
        %parallel_loop3A_427 = arith.constant 0 : i32
        %parallel_loop3A_428 = arith.cmpi eq, %parallel_loop3A_426, %parallel_loop3A_427 : i32
        %parallel_loop3A_429 = arith.constant 1 : i32
        %parallel_loop3A_430 = arith.select %parallel_loop3A_428, %parallel_loop3A_429, %parallel_loop3A_426 : i32
        %parallel_loop3A_431 = arith.remsi %parallel_loop3A_249, %parallel_loop3A_430 : i32
        %parallel_loop3A_432 = arith.constant 0 : i32
        %parallel_loop3A_433 = arith.cmpi ne, %parallel_loop3A_431, %parallel_loop3A_432 : i32
        %parallel_loop3A_434 = arith.constant 0 : i32
        %parallel_loop3A_435 = arith.cmpi slt, %parallel_loop3A_431, %parallel_loop3A_434 : i32
        %parallel_loop3A_436 = arith.constant 0 : i32
        %parallel_loop3A_437 = arith.cmpi slt, %parallel_loop3A_430, %parallel_loop3A_436 : i32
        %parallel_loop3A_438 = arith.xori %parallel_loop3A_435, %parallel_loop3A_437 : i1
        %parallel_loop3A_439 = arith.andi %parallel_loop3A_438, %parallel_loop3A_433 : i1
        %parallel_loop3A_440 = arith.addi %parallel_loop3A_431, %parallel_loop3A_430 : i32
        %parallel_loop3A_441 = arith.select %parallel_loop3A_439, %parallel_loop3A_440, %parallel_loop3A_431 : i32
        %parallel_loop3A_442 = arith.index_cast %parallel_loop3A_425 : i32 to index
        %parallel_loop3A_443 = arith.index_cast %parallel_loop3A_441 : i32 to index
        %parallel_loop3A_444 = arith.constant 48 : index
        %parallel_loop3A_445 = tpu.vector_load %arg14[%parallel_loop3A_442, %parallel_loop3A_443, %parallel_loop3A_444] {strides = array<i32>} : memref<8x8x128xf32, #tpu.memory_space<vmem>>, vector<16xf32>,
        tpu.vector_store %arg14[%parallel_loop3A_442, %parallel_loop3A_443, %parallel_loop3A_444], %parallel_loop3A_401 {strides = array<i32>} : memref<8x8x128xf32, #tpu.memory_space<vmem>>, vector<16xf32>,
        %parallel_loop3A_446 = arith.constant 64 : i32
        %parallel_loop3A_447 = vector.broadcast %parallel_loop3A_446 : i32 to vector<16xi32>
        %parallel_loop3A_448 = arith.addi %parallel_loop3A_447, %iota3A : vector<16xi32>
        %parallel_loop3A_449 = tpu.vector_load_idx %arg8[%parallel_loop3A_448, %parallel_loop3A_253] : memref<128x65xf32, #tpu.memory_space<vmem>>[vector<16xi32>, vector<16xi32>], vector<16xf32>,
        %parallel_loop3A_450 = arith.constant 8 : i32
        %parallel_loop3A_451 = arith.divsi %parallel_loop3A_249, %parallel_loop3A_450 : i32
        %parallel_loop3A_452 = arith.constant 0 : i32
        %parallel_loop3A_453 = arith.cmpi sgt, %parallel_loop3A_249, %parallel_loop3A_452 : i32
        %parallel_loop3A_454 = arith.extui %parallel_loop3A_453 : i1 to i32
        %parallel_loop3A_455 = arith.constant 0 : i32
        %parallel_loop3A_456 = arith.cmpi slt, %parallel_loop3A_249, %parallel_loop3A_455 : i32
        %parallel_loop3A_457 = arith.extui %parallel_loop3A_456 : i1 to i32
        %parallel_loop3A_458 = arith.subi %parallel_loop3A_454, %parallel_loop3A_457 : i32
        %parallel_loop3A_459 = arith.constant 0 : i32
        %parallel_loop3A_460 = arith.cmpi sgt, %parallel_loop3A_450, %parallel_loop3A_459 : i32
        %parallel_loop3A_461 = arith.extui %parallel_loop3A_460 : i1 to i32
        %parallel_loop3A_462 = arith.constant 0 : i32
        %parallel_loop3A_463 = arith.cmpi slt, %parallel_loop3A_450, %parallel_loop3A_462 : i32
        %parallel_loop3A_464 = arith.extui %parallel_loop3A_463 : i1 to i32
        %parallel_loop3A_465 = arith.subi %parallel_loop3A_461, %parallel_loop3A_464 : i32
        %parallel_loop3A_466 = arith.cmpi ne, %parallel_loop3A_458, %parallel_loop3A_465 : i32
        %parallel_loop3A_467 = arith.remsi %parallel_loop3A_249, %parallel_loop3A_450 : i32
        %parallel_loop3A_468 = arith.constant 0 : i32
        %parallel_loop3A_469 = arith.cmpi ne, %parallel_loop3A_467, %parallel_loop3A_468 : i32
        %parallel_loop3A_470 = arith.andi %parallel_loop3A_466, %parallel_loop3A_469 : i1
        %parallel_loop3A_471 = arith.constant 1 : i32
        %parallel_loop3A_472 = arith.subi %parallel_loop3A_451, %parallel_loop3A_471 : i32
        %parallel_loop3A_473 = arith.select %parallel_loop3A_470, %parallel_loop3A_472, %parallel_loop3A_451 : i32
        %parallel_loop3A_474 = arith.constant 8 : i32
        %parallel_loop3A_475 = arith.constant 0 : i32
        %parallel_loop3A_476 = arith.cmpi eq, %parallel_loop3A_474, %parallel_loop3A_475 : i32
        %parallel_loop3A_477 = arith.constant 1 : i32
        %parallel_loop3A_478 = arith.select %parallel_loop3A_476, %parallel_loop3A_477, %parallel_loop3A_474 : i32
        %parallel_loop3A_479 = arith.remsi %parallel_loop3A_249, %parallel_loop3A_478 : i32
        %parallel_loop3A_480 = arith.constant 0 : i32
        %parallel_loop3A_481 = arith.cmpi ne, %parallel_loop3A_479, %parallel_loop3A_480 : i32
        %parallel_loop3A_482 = arith.constant 0 : i32
        %parallel_loop3A_483 = arith.cmpi slt, %parallel_loop3A_479, %parallel_loop3A_482 : i32
        %parallel_loop3A_484 = arith.constant 0 : i32
        %parallel_loop3A_485 = arith.cmpi slt, %parallel_loop3A_478, %parallel_loop3A_484 : i32
        %parallel_loop3A_486 = arith.xori %parallel_loop3A_483, %parallel_loop3A_485 : i1
        %parallel_loop3A_487 = arith.andi %parallel_loop3A_486, %parallel_loop3A_481 : i1
        %parallel_loop3A_488 = arith.addi %parallel_loop3A_479, %parallel_loop3A_478 : i32
        %parallel_loop3A_489 = arith.select %parallel_loop3A_487, %parallel_loop3A_488, %parallel_loop3A_479 : i32
        %parallel_loop3A_490 = arith.index_cast %parallel_loop3A_473 : i32 to index
        %parallel_loop3A_491 = arith.index_cast %parallel_loop3A_489 : i32 to index
        %parallel_loop3A_492 = arith.constant 64 : index
        %parallel_loop3A_493 = tpu.vector_load %arg14[%parallel_loop3A_490, %parallel_loop3A_491, %parallel_loop3A_492] {strides = array<i32>} : memref<8x8x128xf32, #tpu.memory_space<vmem>>, vector<16xf32>,
        tpu.vector_store %arg14[%parallel_loop3A_490, %parallel_loop3A_491, %parallel_loop3A_492], %parallel_loop3A_449 {strides = array<i32>} : memref<8x8x128xf32, #tpu.memory_space<vmem>>, vector<16xf32>,
        %parallel_loop3A_494 = arith.constant 80 : i32
        %parallel_loop3A_495 = vector.broadcast %parallel_loop3A_494 : i32 to vector<16xi32>
        %parallel_loop3A_496 = arith.addi %parallel_loop3A_495, %iota3A : vector<16xi32>
        %parallel_loop3A_497 = tpu.vector_load_idx %arg8[%parallel_loop3A_496, %parallel_loop3A_253] : memref<128x65xf32, #tpu.memory_space<vmem>>[vector<16xi32>, vector<16xi32>], vector<16xf32>,
        %parallel_loop3A_498 = arith.constant 8 : i32
        %parallel_loop3A_499 = arith.divsi %parallel_loop3A_249, %parallel_loop3A_498 : i32
        %parallel_loop3A_500 = arith.constant 0 : i32
        %parallel_loop3A_501 = arith.cmpi sgt, %parallel_loop3A_249, %parallel_loop3A_500 : i32
        %parallel_loop3A_502 = arith.extui %parallel_loop3A_501 : i1 to i32
        %parallel_loop3A_503 = arith.constant 0 : i32
        %parallel_loop3A_504 = arith.cmpi slt, %parallel_loop3A_249, %parallel_loop3A_503 : i32
        %parallel_loop3A_505 = arith.extui %parallel_loop3A_504 : i1 to i32
        %parallel_loop3A_506 = arith.subi %parallel_loop3A_502, %parallel_loop3A_505 : i32
        %parallel_loop3A_507 = arith.constant 0 : i32
        %parallel_loop3A_508 = arith.cmpi sgt, %parallel_loop3A_498, %parallel_loop3A_507 : i32
        %parallel_loop3A_509 = arith.extui %parallel_loop3A_508 : i1 to i32
        %parallel_loop3A_510 = arith.constant 0 : i32
        %parallel_loop3A_511 = arith.cmpi slt, %parallel_loop3A_498, %parallel_loop3A_510 : i32
        %parallel_loop3A_512 = arith.extui %parallel_loop3A_511 : i1 to i32
        %parallel_loop3A_513 = arith.subi %parallel_loop3A_509, %parallel_loop3A_512 : i32
        %parallel_loop3A_514 = arith.cmpi ne, %parallel_loop3A_506, %parallel_loop3A_513 : i32
        %parallel_loop3A_515 = arith.remsi %parallel_loop3A_249, %parallel_loop3A_498 : i32
        %parallel_loop3A_516 = arith.constant 0 : i32
        %parallel_loop3A_517 = arith.cmpi ne, %parallel_loop3A_515, %parallel_loop3A_516 : i32
        %parallel_loop3A_518 = arith.andi %parallel_loop3A_514, %parallel_loop3A_517 : i1
        %parallel_loop3A_519 = arith.constant 1 : i32
        %parallel_loop3A_520 = arith.subi %parallel_loop3A_499, %parallel_loop3A_519 : i32
        %parallel_loop3A_521 = arith.select %parallel_loop3A_518, %parallel_loop3A_520, %parallel_loop3A_499 : i32
        %parallel_loop3A_522 = arith.constant 8 : i32
        %parallel_loop3A_523 = arith.constant 0 : i32
        %parallel_loop3A_524 = arith.cmpi eq, %parallel_loop3A_522, %parallel_loop3A_523 : i32
        %parallel_loop3A_525 = arith.constant 1 : i32
        %parallel_loop3A_526 = arith.select %parallel_loop3A_524, %parallel_loop3A_525, %parallel_loop3A_522 : i32
        %parallel_loop3A_527 = arith.remsi %parallel_loop3A_249, %parallel_loop3A_526 : i32
        %parallel_loop3A_528 = arith.constant 0 : i32
        %parallel_loop3A_529 = arith.cmpi ne, %parallel_loop3A_527, %parallel_loop3A_528 : i32
        %parallel_loop3A_530 = arith.constant 0 : i32
        %parallel_loop3A_531 = arith.cmpi slt, %parallel_loop3A_527, %parallel_loop3A_530 : i32
        %parallel_loop3A_532 = arith.constant 0 : i32
        %parallel_loop3A_533 = arith.cmpi slt, %parallel_loop3A_526, %parallel_loop3A_532 : i32
        %parallel_loop3A_534 = arith.xori %parallel_loop3A_531, %parallel_loop3A_533 : i1
        %parallel_loop3A_535 = arith.andi %parallel_loop3A_534, %parallel_loop3A_529 : i1
        %parallel_loop3A_536 = arith.addi %parallel_loop3A_527, %parallel_loop3A_526 : i32
        %parallel_loop3A_537 = arith.select %parallel_loop3A_535, %parallel_loop3A_536, %parallel_loop3A_527 : i32
        %parallel_loop3A_538 = arith.index_cast %parallel_loop3A_521 : i32 to index
        %parallel_loop3A_539 = arith.index_cast %parallel_loop3A_537 : i32 to index
        %parallel_loop3A_540 = arith.constant 80 : index
        %parallel_loop3A_541 = tpu.vector_load %arg14[%parallel_loop3A_538, %parallel_loop3A_539, %parallel_loop3A_540] {strides = array<i32>} : memref<8x8x128xf32, #tpu.memory_space<vmem>>, vector<16xf32>,
        tpu.vector_store %arg14[%parallel_loop3A_538, %parallel_loop3A_539, %parallel_loop3A_540], %parallel_loop3A_497 {strides = array<i32>} : memref<8x8x128xf32, #tpu.memory_space<vmem>>, vector<16xf32>,
        %parallel_loop3A_542 = arith.constant 96 : i32
        %parallel_loop3A_543 = vector.broadcast %parallel_loop3A_542 : i32 to vector<16xi32>
        %parallel_loop3A_544 = arith.addi %parallel_loop3A_543, %iota3A : vector<16xi32>
        %parallel_loop3A_545 = tpu.vector_load_idx %arg8[%parallel_loop3A_544, %parallel_loop3A_253] : memref<128x65xf32, #tpu.memory_space<vmem>>[vector<16xi32>, vector<16xi32>], vector<16xf32>,
        %parallel_loop3A_546 = arith.constant 8 : i32
        %parallel_loop3A_547 = arith.divsi %parallel_loop3A_249, %parallel_loop3A_546 : i32
        %parallel_loop3A_548 = arith.constant 0 : i32
        %parallel_loop3A_549 = arith.cmpi sgt, %parallel_loop3A_249, %parallel_loop3A_548 : i32
        %parallel_loop3A_550 = arith.extui %parallel_loop3A_549 : i1 to i32
        %parallel_loop3A_551 = arith.constant 0 : i32
        %parallel_loop3A_552 = arith.cmpi slt, %parallel_loop3A_249, %parallel_loop3A_551 : i32
        %parallel_loop3A_553 = arith.extui %parallel_loop3A_552 : i1 to i32
        %parallel_loop3A_554 = arith.subi %parallel_loop3A_550, %parallel_loop3A_553 : i32
        %parallel_loop3A_555 = arith.constant 0 : i32
        %parallel_loop3A_556 = arith.cmpi sgt, %parallel_loop3A_546, %parallel_loop3A_555 : i32
        %parallel_loop3A_557 = arith.extui %parallel_loop3A_556 : i1 to i32
        %parallel_loop3A_558 = arith.constant 0 : i32
        %parallel_loop3A_559 = arith.cmpi slt, %parallel_loop3A_546, %parallel_loop3A_558 : i32
        %parallel_loop3A_560 = arith.extui %parallel_loop3A_559 : i1 to i32
        %parallel_loop3A_561 = arith.subi %parallel_loop3A_557, %parallel_loop3A_560 : i32
        %parallel_loop3A_562 = arith.cmpi ne, %parallel_loop3A_554, %parallel_loop3A_561 : i32
        %parallel_loop3A_563 = arith.remsi %parallel_loop3A_249, %parallel_loop3A_546 : i32
        %parallel_loop3A_564 = arith.constant 0 : i32
        %parallel_loop3A_565 = arith.cmpi ne, %parallel_loop3A_563, %parallel_loop3A_564 : i32
        %parallel_loop3A_566 = arith.andi %parallel_loop3A_562, %parallel_loop3A_565 : i1
        %parallel_loop3A_567 = arith.constant 1 : i32
        %parallel_loop3A_568 = arith.subi %parallel_loop3A_547, %parallel_loop3A_567 : i32
        %parallel_loop3A_569 = arith.select %parallel_loop3A_566, %parallel_loop3A_568, %parallel_loop3A_547 : i32
        %parallel_loop3A_570 = arith.constant 8 : i32
        %parallel_loop3A_571 = arith.constant 0 : i32
        %parallel_loop3A_572 = arith.cmpi eq, %parallel_loop3A_570, %parallel_loop3A_571 : i32
        %parallel_loop3A_573 = arith.constant 1 : i32
        %parallel_loop3A_574 = arith.select %parallel_loop3A_572, %parallel_loop3A_573, %parallel_loop3A_570 : i32
        %parallel_loop3A_575 = arith.remsi %parallel_loop3A_249, %parallel_loop3A_574 : i32
        %parallel_loop3A_576 = arith.constant 0 : i32
        %parallel_loop3A_577 = arith.cmpi ne, %parallel_loop3A_575, %parallel_loop3A_576 : i32
        %parallel_loop3A_578 = arith.constant 0 : i32
        %parallel_loop3A_579 = arith.cmpi slt, %parallel_loop3A_575, %parallel_loop3A_578 : i32
        %parallel_loop3A_580 = arith.constant 0 : i32
        %parallel_loop3A_581 = arith.cmpi slt, %parallel_loop3A_574, %parallel_loop3A_580 : i32
        %parallel_loop3A_582 = arith.xori %parallel_loop3A_579, %parallel_loop3A_581 : i1
        %parallel_loop3A_583 = arith.andi %parallel_loop3A_582, %parallel_loop3A_577 : i1
        %parallel_loop3A_584 = arith.addi %parallel_loop3A_575, %parallel_loop3A_574 : i32
        %parallel_loop3A_585 = arith.select %parallel_loop3A_583, %parallel_loop3A_584, %parallel_loop3A_575 : i32
        %parallel_loop3A_586 = arith.index_cast %parallel_loop3A_569 : i32 to index
        %parallel_loop3A_587 = arith.index_cast %parallel_loop3A_585 : i32 to index
        %parallel_loop3A_588 = arith.constant 96 : index
        %parallel_loop3A_589 = tpu.vector_load %arg14[%parallel_loop3A_586, %parallel_loop3A_587, %parallel_loop3A_588] {strides = array<i32>} : memref<8x8x128xf32, #tpu.memory_space<vmem>>, vector<16xf32>,
        tpu.vector_store %arg14[%parallel_loop3A_586, %parallel_loop3A_587, %parallel_loop3A_588], %parallel_loop3A_545 {strides = array<i32>} : memref<8x8x128xf32, #tpu.memory_space<vmem>>, vector<16xf32>,
        %parallel_loop3A_590 = arith.constant 112 : i32
        %parallel_loop3A_591 = vector.broadcast %parallel_loop3A_590 : i32 to vector<16xi32>
        %parallel_loop3A_592 = arith.addi %parallel_loop3A_591, %iota3A : vector<16xi32>
        %parallel_loop3A_593 = tpu.vector_load_idx %arg8[%parallel_loop3A_592, %parallel_loop3A_253] : memref<128x65xf32, #tpu.memory_space<vmem>>[vector<16xi32>, vector<16xi32>], vector<16xf32>,
        %parallel_loop3A_594 = arith.constant 8 : i32
        %parallel_loop3A_595 = arith.divsi %parallel_loop3A_249, %parallel_loop3A_594 : i32
        %parallel_loop3A_596 = arith.constant 0 : i32
        %parallel_loop3A_597 = arith.cmpi sgt, %parallel_loop3A_249, %parallel_loop3A_596 : i32
        %parallel_loop3A_598 = arith.extui %parallel_loop3A_597 : i1 to i32
        %parallel_loop3A_599 = arith.constant 0 : i32
        %parallel_loop3A_600 = arith.cmpi slt, %parallel_loop3A_249, %parallel_loop3A_599 : i32
        %parallel_loop3A_601 = arith.extui %parallel_loop3A_600 : i1 to i32
        %parallel_loop3A_602 = arith.subi %parallel_loop3A_598, %parallel_loop3A_601 : i32
        %parallel_loop3A_603 = arith.constant 0 : i32
        %parallel_loop3A_604 = arith.cmpi sgt, %parallel_loop3A_594, %parallel_loop3A_603 : i32
        %parallel_loop3A_605 = arith.extui %parallel_loop3A_604 : i1 to i32
        %parallel_loop3A_606 = arith.constant 0 : i32
        %parallel_loop3A_607 = arith.cmpi slt, %parallel_loop3A_594, %parallel_loop3A_606 : i32
        %parallel_loop3A_608 = arith.extui %parallel_loop3A_607 : i1 to i32
        %parallel_loop3A_609 = arith.subi %parallel_loop3A_605, %parallel_loop3A_608 : i32
        %parallel_loop3A_610 = arith.cmpi ne, %parallel_loop3A_602, %parallel_loop3A_609 : i32
        %parallel_loop3A_611 = arith.remsi %parallel_loop3A_249, %parallel_loop3A_594 : i32
        %parallel_loop3A_612 = arith.constant 0 : i32
        %parallel_loop3A_613 = arith.cmpi ne, %parallel_loop3A_611, %parallel_loop3A_612 : i32
        %parallel_loop3A_614 = arith.andi %parallel_loop3A_610, %parallel_loop3A_613 : i1
        %parallel_loop3A_615 = arith.constant 1 : i32
        %parallel_loop3A_616 = arith.subi %parallel_loop3A_595, %parallel_loop3A_615 : i32
        %parallel_loop3A_617 = arith.select %parallel_loop3A_614, %parallel_loop3A_616, %parallel_loop3A_595 : i32
        %parallel_loop3A_618 = arith.constant 8 : i32
        %parallel_loop3A_619 = arith.constant 0 : i32
        %parallel_loop3A_620 = arith.cmpi eq, %parallel_loop3A_618, %parallel_loop3A_619 : i32
        %parallel_loop3A_621 = arith.constant 1 : i32
        %parallel_loop3A_622 = arith.select %parallel_loop3A_620, %parallel_loop3A_621, %parallel_loop3A_618 : i32
        %parallel_loop3A_623 = arith.remsi %parallel_loop3A_249, %parallel_loop3A_622 : i32
        %parallel_loop3A_624 = arith.constant 0 : i32
        %parallel_loop3A_625 = arith.cmpi ne, %parallel_loop3A_623, %parallel_loop3A_624 : i32
        %parallel_loop3A_626 = arith.constant 0 : i32
        %parallel_loop3A_627 = arith.cmpi slt, %parallel_loop3A_623, %parallel_loop3A_626 : i32
        %parallel_loop3A_628 = arith.constant 0 : i32
        %parallel_loop3A_629 = arith.cmpi slt, %parallel_loop3A_622, %parallel_loop3A_628 : i32
        %parallel_loop3A_630 = arith.xori %parallel_loop3A_627, %parallel_loop3A_629 : i1
        %parallel_loop3A_631 = arith.andi %parallel_loop3A_630, %parallel_loop3A_625 : i1
        %parallel_loop3A_632 = arith.addi %parallel_loop3A_623, %parallel_loop3A_622 : i32
        %parallel_loop3A_633 = arith.select %parallel_loop3A_631, %parallel_loop3A_632, %parallel_loop3A_623 : i32
        %parallel_loop3A_634 = arith.index_cast %parallel_loop3A_617 : i32 to index
        %parallel_loop3A_635 = arith.index_cast %parallel_loop3A_633 : i32 to index
        %parallel_loop3A_636 = arith.constant 112 : index
        %parallel_loop3A_637 = tpu.vector_load %arg14[%parallel_loop3A_634, %parallel_loop3A_635, %parallel_loop3A_636] {strides = array<i32>} : memref<8x8x128xf32, #tpu.memory_space<vmem>>, vector<16xf32>,
        tpu.vector_store %arg14[%parallel_loop3A_634, %parallel_loop3A_635, %parallel_loop3A_636], %parallel_loop3A_593 {strides = array<i32>} : memref<8x8x128xf32, #tpu.memory_space<vmem>>, vector<16xf32>,
      } {sc.loop_unroll_factor = 2 : i64, sc.parallel_access}
      %dma_start3A_239 = arith.constant 0 : i32
      %dma_start3A_240 = arith.constant 0 : i32
      %dma_start3A_241 = arith.constant 0 : i32
      %dma_start3A_242 = tpu.memref_slice %arg5[%add3A_201, %dma_start3A_239, %add3A, %dma_start3A_240, %dma_start3A_241] : memref<200x8x32x8x128xf32, #tpu.memory_space<hbm>> -> memref<1x8x1x8x128xf32, #tpu.memory_space<hbm>>
      %dma_start3A_243 = tpu.memref_squeeze %dma_start3A_242 : memref<1x8x1x8x128xf32, #tpu.memory_space<hbm>> -> memref<8x8x128xf32, #tpu.memory_space<hbm>>
      %dma_start3A_244 = arith.constant 0 : i32
      %dma_start3A_245 = arith.constant 0 : i32
      %dma_start3A_246 = arith.constant 0 : i32
      %dma_start3A_247 = tpu.memref_slice %arg5[%add3A_201, %dma_start3A_244, %add3A, %dma_start3A_245, %dma_start3A_246] : memref<200x8x32x8x128xf32, #tpu.memory_space<hbm>> -> memref<1x8x1x8x128xf32, #tpu.memory_space<hbm>>
      %dma_start3A_248 = tpu.memref_squeeze %dma_start3A_247 : memref<1x8x1x8x128xf32, #tpu.memory_space<hbm>> -> memref<8x8x128xf32, #tpu.memory_space<hbm>>
      tpu.enqueue_dma source(%arg14 : memref<8x8x128xf32, #tpu.memory_space<vmem>>) target(%dma_start3A_248 : memref<8x8x128xf32, #tpu.memory_space<hbm>>) target_semaphore(%arg20 : memref<!tpu.dma_semaphore, #tpu.memory_space<semaphore_mem>>)
    }
    %scan3A_26 = arith.constant 50 : i32
    %dma_wait3A = arith.constant 0 : i32
    %dma_wait3A_27 = arith.constant 0 : i32
    %dma_wait3A_28 = arith.constant 0 : i32
    %dma_wait3A_29 = arith.constant 0 : i32
    %dma_wait3A_30 = arith.constant 0 : i32
    %dma_wait3A_31 = tpu.memref_slice %arg5[%dma_wait3A, %dma_wait3A_28, %dma_wait3A_27, %dma_wait3A_29, %dma_wait3A_30] : memref<200x8x32x8x128xf32, #tpu.memory_space<hbm>> -> memref<1x8x1x8x128xf32, #tpu.memory_space<hbm>>
    %dma_wait3A_32 = tpu.memref_squeeze %dma_wait3A_31 : memref<1x8x1x8x128xf32, #tpu.memory_space<hbm>> -> memref<8x8x128xf32, #tpu.memory_space<hbm>>
    %dma_wait3A_33 = arith.constant 0 : i32
    %dma_wait3A_34 = arith.constant 0 : i32
    %dma_wait3A_35 = arith.constant 0 : i32
    %dma_wait3A_36 = tpu.memref_slice %arg5[%dma_wait3A, %dma_wait3A_33, %dma_wait3A_27, %dma_wait3A_34, %dma_wait3A_35] : memref<200x8x32x8x128xf32, #tpu.memory_space<hbm>> -> memref<1x8x1x8x128xf32, #tpu.memory_space<hbm>>
    %dma_wait3A_37 = tpu.memref_squeeze %dma_wait3A_36 : memref<1x8x1x8x128xf32, #tpu.memory_space<hbm>> -> memref<8x8x128xf32, #tpu.memory_space<hbm>>
    tpu.wait_dma2 semaphore(%arg19 : memref<!tpu.dma_semaphore, #tpu.memory_space<semaphore_mem>>) src(%arg13 : memref<8x8x128xf32, #tpu.memory_space<vmem>>) dst(%dma_wait3A_37 : memref<8x8x128xf32, #tpu.memory_space<hbm>>)
    %dma_wait3A_38 = arith.constant 0 : i32
    %dma_wait3A_39 = arith.constant 0 : i32
    %dma_wait3A_40 = arith.constant 0 : i32
    %dma_wait3A_41 = arith.constant 0 : i32
    %dma_wait3A_42 = arith.constant 0 : i32
    %dma_wait3A_43 = tpu.memref_slice %arg5[%dma_wait3A_38, %dma_wait3A_40, %dma_wait3A_39, %dma_wait3A_41, %dma_wait3A_42] : memref<200x8x32x8x128xf32, #tpu.memory_space<hbm>> -> memref<1x8x1x8x128xf32, #tpu.memory_space<hbm>>
    %dma_wait3A_44 = tpu.memref_squeeze %dma_wait3A_43 : memref<1x8x1x8x128xf32, #tpu.memory_space<hbm>> -> memref<8x8x128xf32, #tpu.memory_space<hbm>>
    %dma_wait3A_45 = arith.constant 0 : i32
    %dma_wait3A_46 = arith.constant 0 : i32
    %dma_wait3A_47 = arith.constant 0 : i32
    %dma_wait3A_48 = tpu.memref_slice %arg5[%dma_wait3A_38, %dma_wait3A_45, %dma_wait3A_39, %dma_wait3A_46, %dma_wait3A_47] : memref<200x8x32x8x128xf32, #tpu.memory_space<hbm>> -> memref<1x8x1x8x128xf32, #tpu.memory_space<hbm>>
    %dma_wait3A_49 = tpu.memref_squeeze %dma_wait3A_48 : memref<1x8x1x8x128xf32, #tpu.memory_space<hbm>> -> memref<8x8x128xf32, #tpu.memory_space<hbm>>
    tpu.wait_dma2 semaphore(%arg20 : memref<!tpu.dma_semaphore, #tpu.memory_space<semaphore_mem>>) src(%arg14 : memref<8x8x128xf32, #tpu.memory_space<vmem>>) dst(%dma_wait3A_49 : memref<8x8x128xf32, #tpu.memory_space<hbm>>)
    return
  }
}

</mosaic_0001>

<sc_bundles>
// kernel: kernel.3.cloned.1.call-start
scs
__scs_entry_jumppad:
0x0: {  	(pc) =	sbr.rel $0x88, $3  }
0x1: {  	(tag) =	ssettag $0x0;
	lr =	simm.s32 $0x1  }
0x2: {  	[smem:$0x3F9E] =	sst lr;
	_ =	strace $0xD0000000  }
0x3: {  	_ = 	snop  }
0x4: {  	_ = 	snop  }
0x5: {  	_ = 	snop  }
0x6: {  	_ = 	snop  }
0x7: {  	_ = 	snop  }
__scs_overlays_trampoline_lowered:
0x8: {  	[smem:$0x3FAD] =	sst s0  }
0x9: {  	[smem:$0x3FAE] =	sst s1  }
0xa: {  	[smem:$0x3FAF] =	sst s2  }
0xb: {  	[smem:$0x3FB0] =	sst s3  }
0xc: {  	[smem:$0x3FB1] =	sst s4  }
0xd: {  	[smem:$0x3FB2] =	sst s5  }
0xe: {  	[smem:$0x3FB3] =	sst s6  }
0xf: {  	[smem:$0x3FB4] =	sst s7  }
0x10: {  	[smem:$0x3FB5] =	sst s8  }
0x11: {  	[smem:$0x3FB6] =	sst s9;
	s0 =	simm.s32 @!p0 $0x0  }
0x12: {  	s1 =	sld [smem:$0x3F9C];
	s0 =	simm.s32 @p0 $0x1  }
0x13: {  	[smem:$0x3FB7] =	sst s0;
	s0 =	simm.s32 @!p1 $0x0  }
0x14: {  	s2 =	sld [smem:$0x3F9B];
	s0 =	simm.s32 @p1 $0x1  }
0x15: {  	[smem:$0x3FB8] =	sst s0;
	s0 =	simm.s32 @!p2 $0x0  }
0x16: {  	s3 =	sld [smem:$0x3FDB];
	s0 =	simm.s32 @p2 $0x1  }
0x17: {  	s4 =	simm.s32 $0x1BF5;
	[smem:$0x3FBA] =	sst s0  }
0x18: {  	s0 =	sld [smem:$0x3F9D];
	_ =	swait.ge [sflag:s4], $0x0  }
0x19: {  	s7 =	sld [smem:$0x3F9E]  }
0x1a: {  	s8 =	sadd.s32 $0xFFFFE003, lr  }
0x1b: {  	s9 =	sadd.s32 $0xFFFFFEF7, lr;
	s5 =	simm.s32 $0xFFFFFFFF;
	p2 =	slt.u32 s8, $0xFFFFF086  }
0x1c: {  	p1 =	slt.u32 s9, $0xF7A;
	s5 =	simm.s32 @!p2 $0x0  }
0x1d: {  	s5 =	simm.s32 @p1 $0x1;
	p0 =	seq.s32 s7, s2  }
0x1e: {  	s7 =	smul.u32 @!p0 $0xF7A, s2;
	p2 =	seq.s32 @!p0 s5, $0x0  }
0x1f: {  	s9 =	smul.u32 $0xF7A, s1;
	s8 =	simm.s32 @!p0 $0x1BF5;
	p2 =	por !p2, p0  }
0x20: {  	[sflag:s8] =	ssyncset.s32 @!p0 $0xFFFFF086;
	s6 =	sadd.s32 @!p0 s3, s7;
	s7 =	simm.s32 @!p0 $0x108  }
0x21: {  	s3 =	sadd.s32 s3, s9;
	s6 =	sadd.s32 @!p0 $0x88, s6;
	s7 =	simm.s32 @p2 $0x1082  }
0x22: {  	[simem:s7], [sflag:s8] =	dma.local @!p0 [hbm:s6], $0xF7A  }
0x23: {  	s9 =	sor.u32 $0xD0000000, s2;
	s6 =	simm.s32 $0x108;
	_ =	swait.ge @!p0 [sflag:s8], $0x0  }
0x24: {  	s3 =	sadd.s32 $0x88, s3;
	s6 =	simm.s32 @!p1 $0x1082;
	[sflag:s4] =	ssyncset.s32 $0xFFFFF086  }
0x25: {  	[simem:s6], [sflag:s4] =	dma.local [hbm:s3], $0xF7A  }
0x26: {  	[smem:$0x3F9E] =	sst s1;
	(tag) =	ssettag s2;
	_ =	strace s9  }
0x27: {  	s1 =	sld [smem:$0x3FAE]  }
0x28: {  	s2 =	sld [smem:$0x3FAF]  }
0x29: {  	s4 =	sld [smem:$0x3FB1]  }
0x2a: {  	p0 =	seq.s32 s5, $0x0;
	s5 =	sld [smem:$0x3FB2]  }
0x2b: {  	s6 =	sld [smem:$0x3FB3]  }
0x2c: {  	s7 =	sld [smem:$0x3FB4]  }
0x2d: {  	s3 =	simm.s32 $0x108;
	s8 =	sld [smem:$0x3FB5]  }
0x2e: {  	s3 =	simm.s32 @!p0 $0x1082;
	s9 =	sld [smem:$0x3FB6]  }
0x2f: {  	lr =	sadd.s32 s0, s3;
	s0 =	sld [smem:$0x3FAD]  }
0x30: {  	s3 =	sld [smem:$0x3FB0]  }
0x31: {  	[smem:$0x3FB9] =	sst s10  }
0x32: {  	s10 =	sld [smem:$0x3FB7];
	_ =	sdelay $0x3  }
0x33: {  	p0 =	seq.s32 s10, $0x1;
	s10 =	sld [smem:$0x3FB9];
	_ =	sdelay $0x3  }
0x34: {  	[smem:$0x3FB9] =	sst s10  }
0x35: {  	s10 =	sld [smem:$0x3FB8];
	_ =	sdelay $0x3  }
0x36: {  	p1 =	seq.s32 s10, $0x1;
	s10 =	sld [smem:$0x3FB9];
	_ =	sdelay $0x3  }
0x37: {  	[smem:$0x3FB9] =	sst s10  }
0x38: {  	s10 =	sld [smem:$0x3FBA]  }
0x39: {  	_ = 	snop;
	(pc) =	sbr.ind lr, $3  }
0x3a: {  	_ = 	snop  }
0x3b: {  	_ = 	snop  }
0x3c: {  	p2 =	seq.s32 s10, $0x1;
	s10 =	sld [smem:$0x3FB9]  }
0x3d: {  	_ =	shalt  }
0x3e: {  	_ =	shalt  }
0x3f: {  	_ =	shalt  }
0x40: {  	_ =	shalt  }
0x41: {  	_ =	shalt  }
0x42: {  	_ =	shalt  }
0x43: {  	_ =	shalt  }
0x44: {  	_ =	shalt  }
0x45: {  	_ =	shalt  }
0x46: {  	_ =	shalt  }
0x47: {  	_ =	shalt  }
0x48: {  	_ =	shalt  }
0x49: {  	_ =	shalt  }
0x4a: {  	_ =	shalt  }
0x4b: {  	_ =	shalt  }
0x4c: {  	_ =	shalt  }
0x4d: {  	_ =	shalt  }
0x4e: {  	_ =	shalt  }
0x4f: {  	_ =	shalt  }
0x50: {  	_ =	shalt  }
0x51: {  	_ =	shalt  }
0x52: {  	_ =	shalt  }
0x53: {  	_ =	shalt  }
0x54: {  	_ =	shalt  }
0x55: {  	_ =	shalt  }
0x56: {  	_ =	shalt  }
0x57: {  	_ =	shalt  }
0x58: {  	_ =	shalt  }
0x59: {  	_ =	shalt  }
0x5a: {  	_ =	shalt  }
0x5b: {  	_ =	shalt  }
0x5c: {  	_ =	shalt  }
0x5d: {  	_ =	shalt  }
0x5e: {  	_ =	shalt  }
0x5f: {  	_ =	shalt  }
0x60: {  	_ =	shalt  }
0x61: {  	_ =	shalt  }
0x62: {  	_ =	shalt  }
0x63: {  	_ =	shalt  }
0x64: {  	_ =	shalt  }
0x65: {  	_ =	shalt  }
0x66: {  	_ =	shalt  }
0x67: {  	_ =	shalt  }
0x68: {  	_ =	shalt  }
0x69: {  	_ =	shalt  }
0x6a: {  	_ =	shalt  }
0x6b: {  	_ =	shalt  }
0x6c: {  	_ =	shalt  }
0x6d: {  	_ =	shalt  }
0x6e: {  	_ =	shalt  }
0x6f: {  	_ =	shalt  }
0x70: {  	_ =	shalt  }
0x71: {  	_ =	shalt  }
0x72: {  	_ =	shalt  }
0x73: {  	_ =	shalt  }
0x74: {  	_ =	shalt  }
0x75: {  	_ =	shalt  }
0x76: {  	_ =	shalt  }
0x77: {  	_ =	shalt  }
0x78: {  	_ =	shalt  }
0x79: {  	_ =	shalt  }
0x7a: {  	_ =	shalt  }
0x7b: {  	_ =	shalt  }
0x7c: {  	_ =	shalt  }
0x7d: {  	_ =	shalt  }
0x7e: {  	_ =	shalt  }
0x7f: {  	_ =	shalt  }
0x80: {  	_ =	shalt  }
0x81: {  	_ =	shalt  }
0x82: {  	_ =	shalt  }
0x83: {  	_ =	shalt  }
0x84: {  	_ =	shalt  }
0x85: {  	_ =	shalt  }
0x86: {  	_ =	shalt  }
0x87: {  	_ =	shalt  }
.Lfunc_end0:
.L_simem_size_0:
called_computation_lowered:
.L_overlay_start_0:
0x88: {  	s2 =	sld [smem:$0x3FD9]  }
0x89: {  	s3 =	sld [smem:$0x3FFE];
	_ =	sdelay $0x1  }
0x8a: {  	s1 =	srdreg.scid  }
0x8b: {  	s0 =	sand.u32 $0x1, s1  }
0x8c: {  	s17 =	sshll.u32 s0, $0xA;
	s2 =	sadd.s32 s3, s2  }
0x8d: {  	s2 =	sadd.s32 s2, s17  }
0x8e: {  	[smem:$0x3FC5] =	sst s2  }
0x8f: {  	_ = 	snop  }
0x90: {  	s2 =	sld [smem:$0x3FD0];
	(tm) =	ssettm $0x1  }
0x91: {  	s18 =	sld [smem:$0x3FFB];
	_ =	sdelay $0x3  }
0x92: {  	_ =	strace s18  }
0x93: {  	s3 =	sld [smem:$0x3FFC];
	_ =	sdelay $0x3  }
0x94: {  	_ =	strace s3  }
0x95: {  	s3 =	sld [smem:$0x3FFD];
	_ =	sdelay $0x3  }
0x96: {  	_ =	strace s3  }
0x97: {  	_ =	strace $0x8FFFFFFF  }
0x98: {  	s19 =	sld [smem:$0x3FDB];
	_ =	sdelay $0x1  }
0x99: {  	s4 =	simm.s32 $_scs_section_size  }
0x9a: {  	s5 =	simm.s32 $_size__tile_overlayer_lowered;
	s6 =	simm.s32 $_tile_overlayer_lowered  }
0x9b: {  	s22 =	simm.s32 $0x1BFF;
	s21 =	sshll.u32 s6, $0x1;
	s3 =	sadd.s32 s4, s19  }
0x9c: {  	s7 =	simm.s32 $0x0;
	s20 =	sshll.u32 s5, $0x1;
	s5 =	sadd.s32 s21, s3  }
0x9d: {  	[timem:s7], [sflag:s22] =	dma.local [hbm:s5], s20  }
0x9e: {  	_ =	swait.ge [sflag:s22], s20  }
0x9f: {  	s4 =	ssub.s32 $0x0, s20;
	[sflag:s22] =	ssyncset.done $0x0  }
0xa0: {  	[sflag:s22] =	ssyncadd.s32 s4;
	_ =	sdelay $0x1  }
0xa1: {  	s23 =	simm.s32 $0x1B8B  }
0xa2: {  	_ =	swait.ge [sflag:s23], $0x1  }
0xa3: {  	[sflag:s23] =	ssyncset.done $0x0  }
0xa4: {  	s25 =	simm.s32 $0x1B8E;
	s24 =	sld [smem:$0x3FFE];
	[sflag:s23] =	ssyncadd.s32 $0xFFFFFFFF  }
0xa5: {  	s26 =	simm.s32 $execute0_lowered;
	[smem:$0x3FD2] =	sst s25  }
0xa6: {  	s5 =	sshll.u32 s26, $0x1;
	_ =	strace $0x80000046;
	[dreg:$0x1] =	wrdreg $0xFFFFFFFF  }
0xa7: {  	s28 =	simm.s32 $_size_execute0_lowered;
	s3 =	sadd.s32 s3, s5;
	[dreg:$0x0] =	wrdreg $0x0  }
0xa8: {  	s5 =	sshll.u32 s28, $0x1;
	[dreg:$0x2] =	wrdreg s3  }
0xa9: {  	[dreg:$0x3] =	wrdreg s5  }
0xaa: {  	[dreg:$0x4] =	wrdreg $0xC0  }
0xab: {  	_ =	task [dreg:s7], $0x5FFFF  }
0xac: {  	[dreg:$0x1] =	wrdreg $0xFFFFFFFF  }
0xad: {  	[dreg:$0x0] =	wrdreg $0x60  }
0xae: {  	[dreg:$0x2] =	wrdreg s24  }
0xaf: {  	[dreg:$0x3] =	wrdreg s2  }
0xb0: {  	[dreg:$0x4] =	wrdreg $0x9  }
0xb1: {  	_ =	task.clear_ibuf [dreg:s7], $0x5FFFF;
	_ =	strace $0x90000046  }
0xb2: {  	s29 =	simm.s32 $0x9;
	_ =	strace $0x80000048  }
0xb3: {  	_ =	swait.ge [sflag:s29], $0x1  }
0xb4: {  	[sflag:s29] =	ssyncadd.s32 $0xFFFFFFFF  }
0xb5: {  	_ =	strace $0x90000048  }
0xb6: {  	_ =	sfence  }
0xb7: {  	s30 =	sld [smem:$0x0];
	_ =	sdelay $0x2  }
0xb8: {  	s31 =	sshll.u32 s1, $0xD;
	s1 =	sshrl.u32 s1, $0x2  }
0xb9: {  	s3 =	sand.u32 $0x4000, s31;
	s1 =	sadd.s32 s1, s30  }
0xba: {  	s0 =	sor.u32 s3, s0;
	s1 =	sshll.u32 s1, $0x11  }
0xbb: {  	s0 =	sor.u32 s1, s0  }
0xbc: {  	s0 =	sadd.s32 $0x8F2B, s0  }
0xbd: {  	[sflag:s0] =	ssyncadd.remote.s32 $0x1  }
0xbe: {  	_ =	sfence.sel $0xFFFF  }
0xbf: {  	[dreg:$0x0] =	wrdreg $0xFFFFFFFF;
	(pc) =	sbr.abs _section_cstart, $3  }
0xc0: {  	[dreg:$0x1] =	wrdreg $0xFFFFFFFF  }
0xc1: {  	_ =	task.clear_ibuf [dreg:s7], $0x2FFFF;
	_ =	strace $0x9FFFFFFF  }
0xc2: {  	(tm) =	ssettm $0x7FFFFFFF  }
0xc3: {  	_ =	shalt  }
tec
execute0_lowered:
.L_overlay_start_1:
0x0: {  	(tag) =	ssettag $0x1  }
0x1: {  	s0 =	rddreg [dreg:$0x0]  }
0x2: {  	s1 =	srdreg.scid;
	s3 =	stileid.u32  }
0x3: {  	s2 =	rddreg [dreg:$0x1];
	s4 =	simm.s32 $0x0;
	s9 =	simm.s32 $0x80  }
0x4: {  	s18 =	simm.s32 $0x1;
	s19 =	simm.s32 $0x9600;
	s20 =	simm.s32 $0x400  }
0x5: {  	s21 =	simm.s32 $0x8000;
	s22 =	simm.s32 $0x13A00;
	s23 =	simm.s32 $0x2  }
0x6: {  	s24 =	simm.s32 $0x6;
	s25 =	simm.s32 $0x15A00;
	s28 =	simm.s32 $0x5  }
0x7: {  	s29 =	simm.s32 $0x4;
	s1 =	sand.u32 $0x1, s1;
	s3 =	sshll.u32 s3, $0x1  }
0x8: {  	v0 =	vlaneseq.u32;
	[smem:$0x7FF] =	sst s4;
	s4 =	sadd.s32 $0x19C00, s0;
	s3 =	sor.u32 s1, s3  }
0x9: {  	v0 =	vmul.u32 $0x48, v0;
	s1 =	ssub.s32 $0x2, s1;
	_ =	strace $0x80000047;
	s26 =	sshll.u32 s3, $0x4  }
0xa: {  	s6 =	sshrl.u32 s1, $0x1;
	s5 =	sadd.s32 s26, s0;
	s0 =	sadd.s32 $0x400, s0  }
0xb: {  	v1 =	vadd.s32 $0x480, v0;
	s30 =	ssub.s32 s1, s6;
	[dreg:$0x3] =	wrdreg s0;
	s31 =	sadd.s32 $0xC00, s5  }
0xc: {  	s7 =	sshll.u32 s3, $0xA;
	v2 =	vadd.s32 $0x900, v0;
	v3 =	vadd.s32 $0xD80, v0;
	v4 =	vadd.s32 $0x1200, v0;
	s0 =	smax.u32 s30, $0x1;
	[dreg:$0x4] =	wrdreg s31  }
0xd: {  	v5 =	vadd.s32 $0x1680, v0;
	v6 =	vadd.s32 $0x1B00, v0;
	v7 =	vadd.s32 $0x1F80, v0;
	s26 =	simm.s32 $0x3;
	s1 =	simm.s32 $0x0;
	[dreg:$0x5] =	wrdreg s0  }
.LBB2_1:
0xe: {  	[dreg:$0x6] =	wrdreg s1;
	s0 =	simm.s32 $0x0  }
0xf: {  	s12 =	rddreg [dreg:$0x4];
	s3 =	simm.s32 $0x1000;
	s13 =	simm.s32 $0x7  }
0x10: {  	[tilespmem:s0], [sflag:$0x7] =	stream.strided.gather [hbm4b:s12+s9], $0x6400, s3, s9, $0x38;
	[tilespmem:$0x17A00] =	vst v63  }
0x11: {  	_ =	swait.ge [sflag:s13], $0x6400  }
0x12: {  	[sflag:s13] =	ssyncset.done $0x0  }
0x13: {  	s5 =	simm.s32 $0x6400;
	s14 =	rddreg [dreg:$0x3];
	[sflag:s13] =	ssyncadd.s32 $0xFFFF9C00  }
0x14: {  	[tilespmem:s5], [sflag:$0x7] =	stream.linear.gather [hbm4b:s14+s0], $0x3200, $0x38;
	[tilespmem:$0x17A00] =	vst v63  }
0x15: {  	_ =	swait.ge [sflag:s13], $0x3200  }
0x16: {  	[sflag:s13] =	ssyncset.done $0x0  }
0x17: {  	s15 =	simm.s32 $0xBA00;
	[sflag:s13] =	ssyncadd.s32 $0xFFFFCE00  }
0x18: {  	[tilespmem:s15], [sflag:$0x1] =	stream.indirect.gather [hbm4b:s4+s9], $0x40, s0, s9, $0xb8;
	[tilespmem:$0x17A00] =	vst v63  }
0x19: {  	s16 =	simm.s32 $0xDA00  }
0x1a: {  	[tilespmem:s16], [sflag:$0x2] =	stream.indirect.gather [hbm4b:s4+s9], $0x40, s9, s9, $0xb8;
	[tilespmem:$0x17A00] =	vst v63  }
0x1b: {  	s17 =	simm.s32 $0x100;
	s30 =	simm.s32 $0xFA00;
	s31 =	simm.s32 $0x0  }
0x1c: {  	[tilespmem:s30], [sflag:$0x3] =	stream.indirect.gather [hbm4b:s4+s9], $0x40, s17, s9, $0xb8;
	[tilespmem:$0x17A00] =	vst v63  }
.LBB2_2:
0x1d: {  	s1 =	sshllo.u32 s31, $0x2  }
0x1e: {  	s0 =	sshll.u32 s1, $0x7  }
0x1f: {  	s3 =	simm.s32 $0x11A00;
	s0 =	sand.u32 $0x3FFFFF80, s0  }
0x20: {  	[tilespmem:s3], [sflag:$0x4] =	stream.indirect.gather [hbm4b:s4+s9], $0x40, s0, s9, $0xb8;
	[tilespmem:$0x17A00] =	vst v63  }
0x21: {  	_ =	swait.ge [sflag:s18], $0x2000  }
0x22: {  	p0 =	seq.s32 s31, $0x0;
	[sflag:s18] =	ssyncset.done $0x0  }
0x23: {  	s0 =	simm.s32 @!p0 $0x5;
	[sflag:s18] =	ssyncadd.s32 $0xFFFFE000  }
0x24: {  	_ =	swait.ge @!p0 [sflag:s0], $0x2000  }
0x25: {  	s16 =	sshll.u32 s31, $0x8;
	[sflag:s0] =	ssyncset.done @!p0 $0x0  }
0x26: {  	s17 =	sand.u32 $0x3FFFFF00, s16;
	[sflag:s0] =	ssyncadd.s32 @!p0 $0xFFFFE000  }
0x27: {  	s10 =	simm.s32 $0xBA40;
	v11 =	vld [tilespmem:s17+$0x6400]  }
0x28: {  	v8 =	vld [tilespmem:s10+$0x0];
	_ =	sdelay $0x2  }
0x29: {  	v10 =	vld [tilespmem:s17+$0x6410]  }
0x2a: {  	v12 =	vld [tilespmem:s10+$0xFFFFFFC0]  }
0x2b: {  	v9 =	vld [tilespmem:s17+$0x6420];
	v13 =	vadd.f32 v8, v11  }
0x2c: {  	s5 =	simm.s32 $0x9648;
	s12 =	simm.s32 $0xBAC0;
	v8 =	vld [tilespmem:s17+$0x6430]  }
0x2d: {  	[tilespmem:s5+$0x0] =	vst v13;
	v13 =	vld [tilespmem:s12+$0x0]  }
0x2e: {  	v14 =	vld [tilespmem:s10+$0x10]  }
0x2f: {  	v12 =	vadd.f32 v12, v11;
	_ =	sdelay $0x1  }
0x30: {  	[tilespmem:s5+$0xFFFFFFB8] =	vst v12;
	v12 =	vld [tilespmem:s12+$0xFFFFFFC0]  }
0x31: {  	v15 =	vld [tilespmem:s10+$0xFFFFFFD0];
	v13 =	vadd.f32 v13, v11  }
0x32: {  	s6 =	simm.s32 $0x96D8;
	s8 =	simm.s32 $0xBB40;
	v14 =	vadd.f32 v14, v10  }
0x33: {  	[tilespmem:s6+$0x0] =	vst v13;
	v13 =	vld [tilespmem:s8+$0x0]  }
0x34: {  	[tilespmem:s5+$0x10] =	vst v14;
	v14 =	vld [tilespmem:s12+$0x10]  }
0x35: {  	v12 =	vadd.f32 v12, v11;
	v16 =	vld [tilespmem:s10+$0x20]  }
0x36: {  	v15 =	vadd.f32 v15, v10  }
0x37: {  	[tilespmem:s6+$0xFFFFFFB8] =	vst v12;
	v12 =	vld [tilespmem:s8+$0xFFFFFFC0]  }
0x38: {  	[tilespmem:s5+$0xFFFFFFC8] =	vst v15;
	v15 =	vld [tilespmem:s12+$0xFFFFFFD0];
	v13 =	vadd.f32 v13, v11  }
0x39: {  	s14 =	simm.s32 $0x9768;
	s15 =	simm.s32 $0xBBC0;
	v17 =	vld [tilespmem:s10+$0xFFFFFFE0];
	v14 =	vadd.f32 v14, v10  }
0x3a: {  	[tilespmem:s14+$0x0] =	vst v13;
	v13 =	vadd.f32 v16, v9;
	v16 =	vld [tilespmem:s15+$0x0]  }
0x3b: {  	[tilespmem:s6+$0x10] =	vst v14;
	v18 =	vld [tilespmem:s8+$0x10]  }
0x3c: {  	v14 =	vadd.f32 v12, v11;
	[tilespmem:s5+$0x20] =	vst v13;
	v13 =	vld [tilespmem:s12+$0x20]  }
0x3d: {  	v19 =	vadd.f32 v15, v10;
	v12 =	vld [tilespmem:s10+$0x30]  }
0x3e: {  	v15 =	vld [tilespmem:s15+$0xFFFFFFC0];
	[tilespmem:s14+$0xFFFFFFB8] =	vst v14;
	v14 =	vadd.f32 v17, v9  }
0x3f: {  	[tilespmem:s6+$0xFFFFFFC8] =	vst v19;
	v17 =	vadd.f32 v16, v11;
	v16 =	vld [tilespmem:s8+$0xFFFFFFD0]  }
0x40: {  	s11 =	simm.s32 $0x6;
	s3 =	simm.s32 $0x97F8;
	[tilespmem:s5+$0xFFFFFFD8] =	vst v14;
	v14 =	vld [tilespmem:s12+$0xFFFFFFE0];
	v18 =	vadd.f32 v18, v10  }
0x41: {  	s30 =	simm.s32 $0xBC40;
	s16 =	simm.s32 $0x97F8;
	s0 =	sshll.u32 s31, $0x2;
	[tilespmem:s3+$0x0] =	vst v17;
	v17 =	vadd.f32 v13, v9;
	v13 =	vld [tilespmem:s10+$0xFFFFFFF0]  }
.LBB2_3:
0x42: {  	v19 =	vld [tilespmem:s30+$0x0];
	[tilespmem:s14+$0x10] =	vst v18;
	v12 =	vadd.f32 v12, v8;
	s13 =	smov.u32 s12;
	s12 =	smov.u32 s8;
	s8 =	smov.u32 s15  }
0x43: {  	s15 =	smov.u32 s30;
	s11 =	sadd.s32 $0x2, s11;
	v15 =	vadd.f32 v15, v11;
	v18 =	vld [tilespmem:s8+$0x10];
	[tilespmem:s6+$0x20] =	vst v17  }
0x44: {  	s10 =	simm.s32 $0x13A40;
	p1 =	slt.u32 s11, $0x7E;
	v16 =	vadd.f32 v16, v10;
	v17 =	vld [tilespmem:s12+$0x20];
	[tilespmem:s5+$0x30] =	vst v12  }
.Ltmp0:
0x45: {  	[tilespmem:s3+$0xFFFFFFB8] =	vst v15;
	v14 =	vadd.f32 v14, v9;
	v12 =	vld [tilespmem:s13+$0x30];
	(pc) =	sbr.rel @p1 .LBB2_3-.Ltmp0, $4  }
0x46: {  	v15 =	vld [tilespmem:s30+$0xFFFFFFC0];
	[tilespmem:s14+$0xFFFFFFC8] =	vst v16;
	v13 =	vadd.f32 v13, v8  }
0x47: {  	v19 =	vadd.f32 v19, v11;
	v16 =	vld [tilespmem:s8+$0xFFFFFFD0];
	[tilespmem:s6+$0xFFFFFFD8] =	vst v14  }
0x48: {  	s3 =	sadd.s32 $0x90, s3;
	v18 =	vadd.f32 v18, v10;
	v14 =	vld [tilespmem:s12+$0xFFFFFFE0];
	[tilespmem:s5+$0xFFFFFFE8] =	vst v13;
	s5 =	smov.u32 s6;
	s6 =	smov.u32 s14  }
0x49: {  	s30 =	sadd.s32 $0x80, s30;
	s14 =	smov.u32 s16;
	s16 =	smov.u32 s3;
	[tilespmem:s3+$0x0] =	vst v19;
	v17 =	vadd.f32 v17, v9;
	v13 =	vld [tilespmem:s13+$0xFFFFFFF0]  }
0x4a: {  	_ = 	snop  }
0x4b: {  	v11 =	vadd.f32 v15, v11;
	_ =	sdelay $0x1  }
0x4c: {  	v15 =	vld [tilespmem:s15+$0x10];
	[tilespmem:s3+$0xFFFFFFB8] =	vst v11  }
0x4d: {  	v11 =	vld [tilespmem:s15+$0xFFFFFFD0];
	_ =	sdelay $0x2  }
0x4e: {  	v16 =	vadd.f32 v16, v10  }
0x4f: {  	[tilespmem:s14+$0x10] =	vst v18;
	v15 =	vadd.f32 v15, v10  }
0x50: {  	v18 =	vld [tilespmem:s8+$0x20];
	[tilespmem:s14+$0xFFFFFFC8] =	vst v16;
	v10 =	vadd.f32 v11, v10  }
0x51: {  	[tilespmem:s16+$0x10] =	vst v15;
	v11 =	vld [tilespmem:s8+$0xFFFFFFE0]  }
0x52: {  	v15 =	vld [tilespmem:s15+$0x20];
	[tilespmem:s16+$0xFFFFFFC8] =	vst v10  }
0x53: {  	v10 =	vld [tilespmem:s15+$0xFFFFFFE0]  }
0x54: {  	v14 =	vadd.f32 v14, v9  }
0x55: {  	[tilespmem:s6+$0x20] =	vst v17;
	v16 =	vadd.f32 v18, v9  }
0x56: {  	v17 =	vld [tilespmem:s12+$0x30];
	[tilespmem:s6+$0xFFFFFFD8] =	vst v14;
	v11 =	vadd.f32 v11, v9  }
0x57: {  	v14 =	vld [tilespmem:s12+$0xFFFFFFF0];
	[tilespmem:s14+$0x20] =	vst v16;
	v15 =	vadd.f32 v15, v9  }
0x58: {  	v16 =	vld [tilespmem:s8+$0x30];
	[tilespmem:s14+$0xFFFFFFD8] =	vst v11;
	v9 =	vadd.f32 v10, v9  }
0x59: {  	[tilespmem:s16+$0x20] =	vst v15;
	v10 =	vadd.f32 v12, v8;
	v11 =	vld [tilespmem:s8+$0xFFFFFFF0]  }
0x5a: {  	v12 =	vadd.f32 v13, v8;
	v13 =	vld [tilespmem:s15+$0x30];
	[tilespmem:s16+$0xFFFFFFD8] =	vst v9  }
0x5b: {  	s12 =	simm.s32 $0x0;
	[tilespmem:s5+$0x30] =	vst v10;
	v9 =	vadd.f32 v17, v8;
	v10 =	vld [tilespmem:s15+$0xFFFFFFF0]  }
0x5c: {  	v14 =	vadd.f32 v14, v8;
	[tilespmem:s5+$0xFFFFFFE8] =	vst v12;
	v12 =	vmov s12  }
0x5d: {  	v12 =	vand.u32 $0x3E, v12;
	[tilespmem:s6+$0x30] =	vst v9;
	v9 =	vadd.f32 v16, v8  }
0x5e: {  	s13 =	simm.s32 $0x1;
	[tilespmem:s6+$0xFFFFFFE8] =	vst v14;
	v14 =	vadd.s32 v0, v12;
	v11 =	vadd.f32 v11, v8  }
0x5f: {  	[tilespmem:s14+$0x30] =	vst v9;
	v9 =	vadd.f32 v13, v8;
	v13 =	vmov s13  }
0x60: {  	[tilespmem:s14+$0xFFFFFFE8] =	vst v11;
	v11 =	vand.u32 $0x3F, v13;
	v8 =	vadd.f32 v10, v8  }
0x61: {  	[tilespmem:s16+$0x30] =	vst v9;
	v9 =	vadd.s32 v0, v11  }
0x62: {  	[tilespmem:s16+$0xFFFFFFE8] =	vst v8  }
0x63: {  	v10 =	vld.idx.msk [tilespmem:v14+s19+$0x0], $0xffff  }
0x64: {  	v13 =	vadd.s32 v1, v12  }
0x65: {  	s15 =	simm.s32 $0x2  }
0x66: {  	v8 =	vmov s15;
	v9 =	vld.idx.msk [tilespmem:v9+s19+$0x0], $0xffff  }
0x67: {  	v8 =	vand.u32 $0x3E, v8;
	v14 =	vadd.s32 v1, v11  }
0x68: {  	s17 =	simm.s32 $0x0;
	s16 =	simm.s32 $0x80;
	[tilespmem:s10+$0xFFFFFFC0] =	vst v10;
	v10 =	vadd.s32 v0, v8  }
0x69: {  	s5 =	sand.u32 $0x1C00, s17;
	s3 =	sand.u32 $0x380, s16;
	v13 =	vld.idx.msk [tilespmem:v13+s19+$0x0], $0xffff  }
0x6a: {  	v15 =	vadd.s32 v2, v12;
	s3 =	sor.u32 s3, s5  }
0x6b: {  	[tilespmem:s3+$0x13A00] =	vst v9  }
0x6c: {  	s30 =	simm.s32 $0x3;
	v14 =	vld.idx.msk [tilespmem:v14+s19+$0x0], $0xffff  }
0x6d: {  	v17 =	vadd.s32 v2, v11;
	v9 =	vmov s30;
	v16 =	vld.idx.msk [tilespmem:v10+s19+$0x0], $0xffff  }
0x6e: {  	v9 =	vand.u32 $0x3F, v9;
	[tilespmem:s10+$0xFFFFFFD0] =	vst v13;
	v13 =	vadd.s32 v1, v8  }
0x6f: {  	s6 =	simm.s32 $0x4;
	v18 =	vadd.s32 v0, v9;
	v15 =	vld.idx.msk [tilespmem:v15+s19+$0x0], $0xffff  }
0x70: {  	v19 =	vadd.s32 v3, v12;
	s14 =	sadd.s32 $0x13A00, s3;
	v10 =	vmov s6  }
0x71: {  	s12 =	simm.s32 $0x13B40;
	v10 =	vand.u32 $0x3E, v10;
	[tilespmem:s14+$0x10] =	vst v14  }
0x72: {  	v14 =	vadd.s32 v0, v10;
	[tilespmem:s12+$0xFFFFFFC0] =	vst v16;
	v16 =	vld.idx.msk [tilespmem:v17+s19+$0x0], $0xffff  }
0x73: {  	v17 =	vadd.s32 v3, v11;
	v13 =	vld.idx.msk [tilespmem:v13+s19+$0x0], $0xffff  }
0x74: {  	v18 =	vld.idx.msk [tilespmem:v18+s19+$0x0], $0xffff;
	[tilespmem:s10+$0xFFFFFFE0] =	vst v15;
	v15 =	vadd.s32 v2, v8  }
0x75: {  	v20 =	vadd.s32 v1, v9;
	v19 =	vld.idx.msk [tilespmem:v19+s19+$0x0], $0xffff  }
0x76: {  	s11 =	simm.s32 $0x100;
	s8 =	simm.s32 $0x180;
	v21 =	vadd.s32 v4, v12  }
0x77: {  	s5 =	sand.u32 $0x1C00, s11;
	s3 =	sand.u32 $0x380, s8;
	v14 =	vld.idx.msk [tilespmem:v14+s19+$0x0], $0xffff;
	[tilespmem:s14+$0x20] =	vst v16  }
0x78: {  	s3 =	sor.u32 s3, s5;
	[tilespmem:s12+$0xFFFFFFD0] =	vst v13;
	v13 =	vadd.s32 v1, v10;
	v16 =	vld.idx.msk [tilespmem:v17+s19+$0x0], $0xffff  }
0x79: {  	[tilespmem:s3+$0x13A00] =	vst v18;
	v15 =	vld.idx.msk [tilespmem:v15+s19+$0x0], $0xffff  }
0x7a: {  	s13 =	simm.s32 $0x5;
	v17 =	vadd.s32 v4, v11;
	[tilespmem:s10+$0xFFFFFFF0] =	vst v19;
	v19 =	vld.idx.msk [tilespmem:v20+s19+$0x0], $0xffff  }
0x7b: {  	s15 =	simm.s32 $0x13C40;
	v18 =	vadd.s32 v3, v8;
	v20 =	vld.idx.msk [tilespmem:v21+s19+$0x0], $0xffff;
	v21 =	vmov s13  }
0x7c: {  	v22 =	vadd.s32 v2, v9;
	[tilespmem:s15+$0xFFFFFFC0] =	vst v14;
	v14 =	vand.u32 $0x3F, v21  }
0x7d: {  	s16 =	simm.s32 $0x6;
	v24 =	vld.idx.msk [tilespmem:v13+s19+$0x0], $0xffff;
	v25 =	vadd.s32 v0, v14  }
0x7e: {  	v23 =	vadd.s32 v5, v12;
	v21 =	vmov s16;
	[tilespmem:s14+$0x30] =	vst v16  }
0x7f: {  	s16 =	sadd.s32 $0x13A00, s3;
	v13 =	vand.u32 $0x3E, v21;
	[tilespmem:s12+$0xFFFFFFE0] =	vst v15;
	v15 =	vld.idx.msk [tilespmem:v17+s19+$0x0], $0xffff  }
0x80: {  	v16 =	vadd.s32 v0, v13;
	v17 =	vld.idx.msk [tilespmem:v18+s19+$0x0], $0xffff;
	[tilespmem:s16+$0x10] =	vst v19  }
0x81: {  	v18 =	vadd.s32 v5, v11;
	[tilespmem:s10+$0x0] =	vst v20;
	v19 =	vld.idx.msk [tilespmem:v22+s19+$0x0], $0xffff  }
0x82: {  	[tilespmem:s15+$0xFFFFFFD0] =	vst v24;
	v24 =	vld.idx.msk [tilespmem:v25+s19+$0x0], $0xffff;
	v25 =	vadd.s32 v4, v8  }
0x83: {  	v21 =	vadd.s32 v2, v10;
	v22 =	vld.idx.msk [tilespmem:v23+s19+$0x0], $0xffff  }
0x84: {  	v23 =	vadd.s32 v3, v9  }
0x85: {  	v27 =	vadd.s32 v6, v12;
	v16 =	vld.idx.msk [tilespmem:v16+s19+$0x0], $0xffff;
	[tilespmem:s14+$0x40] =	vst v15  }
0x86: {  	v26 =	vadd.s32 v1, v14;
	[tilespmem:s12+$0xFFFFFFF0] =	vst v17;
	v20 =	vld.idx.msk [tilespmem:v18+s19+$0x0], $0xffff  }
0x87: {  	s17 =	simm.s32 $0x200;
	s6 =	simm.s32 $0x280;
	[tilespmem:s16+$0x20] =	vst v19;
	v17 =	vld.idx.msk [tilespmem:v25+s19+$0x0], $0xffff;
	v25 =	vadd.s32 v1, v13  }
0x88: {  	s30 =	sand.u32 $0x380, s6;
	s3 =	sand.u32 $0x1C00, s17;
	v21 =	vld.idx.msk [tilespmem:v21+s19+$0x0], $0xffff;
	[tilespmem:s10+$0x10] =	vst v22;
	v22 =	vadd.s32 v6, v11  }
0x89: {  	s8 =	sor.u32 s30, s3;
	v18 =	vadd.s32 v3, v10;
	v15 =	vld.idx.msk [tilespmem:v23+s19+$0x0], $0xffff  }
0x8a: {  	s5 =	simm.s32 $0x13D40;
	v19 =	vadd.s32 v4, v9;
	[tilespmem:s8+$0x13A00] =	vst v24;
	v23 =	vld.idx.msk [tilespmem:v27+s19+$0x0], $0xffff  }
0x8b: {  	s11 =	simm.s32 $0x7;
	s3 =	simm.s32 $0x8;
	v24 =	vld.idx.msk [tilespmem:v26+s19+$0x0], $0xffff;
	[tilespmem:s5+$0xFFFFFFC0] =	vst v16;
	v16 =	vadd.s32 v5, v8  }
.LBB2_5:
0x8c: {  	p1 =	slt.u32 s3, $0x3E;
	v25 =	vld.idx.msk [tilespmem:v25+s19+$0x0], $0xffff;
	v26 =	vmov s11;
	v27 =	vadd.s32 v2, v14;
	[tilespmem:s14+$0x50] =	vst v20  }
0x8d: {  	v20 =	vand.u32 $0x3F, v26;
	[tilespmem:s15+$0xFFFFFFE0] =	vst v21;
	v21 =	vadd.s32 v7, v12;
	v22 =	vld.idx.msk [tilespmem:v22+s19+$0x0], $0xffff;
	v12 =	vmovc v8;
	v8 =	vmov v10  }
0x8e: {  	v26 =	vmov s3;
	v10 =	vmov v13;
	v28 =	vadd.s32 v0, v20;
	v18 =	vld.idx.msk [tilespmem:v18+s19+$0x0], $0xffff;
	[tilespmem:s16+$0x30] =	vst v15  }
0x8f: {  	s11 =	sadd.s32 $0x13A00, s8;
	v13 =	vand.u32 $0x3E, v26;
	[tilespmem:s12+$0x0] =	vst v17;
	v15 =	vld.idx.msk [tilespmem:v19+s19+$0x0], $0xffff;
	v17 =	vadd.s32 v7, v11;
	v11 =	vmovc v9;
	v9 =	vmov v14  }
0x90: {  	v19 =	vadd.s32 v0, v13;
	v14 =	vmov v20;
	[tilespmem:s11+$0x10] =	vst v24;
	v16 =	vld.idx.msk [tilespmem:v16+s19+$0x0], $0xffff  }
0x91: {  	v20 =	vadd.s32 v5, v11;
	v24 =	vld.idx.msk [tilespmem:v27+s19+$0x0], $0xffff;
	[tilespmem:s10+$0x20] =	vst v23  }
0x92: {  	v23 =	vadd.s32 v2, v10;
	[tilespmem:s5+$0xFFFFFFD0] =	vst v25;
	v26 =	vld.idx.msk [tilespmem:v21+s19+$0x0], $0xffff  }
0x93: {  	v27 =	vld.idx.msk [tilespmem:v28+s19+$0x0], $0xffff;
	v28 =	vadd.s32 v3, v9;
	[tilespmem:s14+$0x60] =	vst v22  }
0x94: {  	v29 =	vadd.s32 v4, v8;
	[tilespmem:s15+$0xFFFFFFF0] =	vst v18;
	v30 =	vld.idx.msk [tilespmem:v17+s19+$0x0], $0xffff  }
0x95: {  	s6 =	sadd.s32 $0x100, s6;
	v31 =	vld.idx.msk [tilespmem:v19+s19+$0x0], $0xffff;
	v19 =	vadd.s32 v1, v14;
	[tilespmem:s16+$0x40] =	vst v15  }
0x96: {  	s8 =	sadd.s32 $0xFFFFFF80, s6;
	v32 =	vadd.s32 v6, v12;
	[tilespmem:s12+$0x10] =	vst v16;
	v20 =	vld.idx.msk [tilespmem:v20+s19+$0x0], $0xffff  }
.Ltmp1:
0x97: {  	s13 =	sand.u32 $0x380, s6;
	s8 =	sand.u32 $0x1C00, s8;
	v25 =	vadd.s32 v1, v13;
	v21 =	vld.idx.msk [tilespmem:v23+s19+$0x0], $0xffff;
	[tilespmem:s11+$0x20] =	vst v24;
	(pc) =	sbr.rel @p1 .LBB2_5-.Ltmp1, $4  }
0x98: {  	s8 =	sor.u32 s13, s8;
	v22 =	vadd.s32 v6, v11;
	v15 =	vld.idx.msk [tilespmem:v28+s19+$0x0], $0xffff;
	[tilespmem:s10+$0x30] =	vst v26;
	s10 =	smov.u32 s12;
	s12 =	smov.u32 s15  }
0x99: {  	v18 =	vadd.s32 v3, v10;
	s15 =	smov.u32 s5;
	[tilespmem:s8+$0x13A00] =	vst v27;
	v17 =	vld.idx.msk [tilespmem:v29+s19+$0x0], $0xffff  }
0x9a: {  	s5 =	sadd.s32 $0x100, s5;
	v24 =	vld.idx.msk [tilespmem:v19+s19+$0x0], $0xffff;
	v19 =	vadd.s32 v4, v9;
	[tilespmem:s14+$0x70] =	vst v30;
	s14 =	smov.u32 s16;
	s16 =	smov.u32 s11  }
0x9b: {  	v16 =	vadd.s32 v5, v8;
	s11 =	sadd.s32 $0x1, s3;
	s3 =	sadd.s32 $0x2, s3;
	[tilespmem:s5+$0xFFFFFFC0] =	vst v31;
	v23 =	vld.idx.msk [tilespmem:v32+s19+$0x0], $0xffff  }
0x9c: {  	v26 =	vmov s11  }
0x9d: {  	v26 =	vand.u32 $0x3F, v26  }
0x9e: {  	v27 =	vadd.s32 v0, v26;
	_ =	sdelay $0x4  }
0x9f: {  	v27 =	vld.idx.msk [tilespmem:v27+s19+$0x0], $0xffff  }
0xa0: {  	s3 =	sadd.s32 $0x100, s6;
	v28 =	vadd.s32 v1, v26  }
0xa1: {  	s6 =	sadd.s32 $0xFFFFFF80, s3  }
0xa2: {  	s3 =	sand.u32 $0x380, s3;
	s6 =	sand.u32 $0x1C00, s6  }
0xa3: {  	s3 =	sor.u32 s3, s6  }
0xa4: {  	v25 =	vld.idx.msk [tilespmem:v25+s19+$0x0], $0xffff;
	v29 =	vadd.s32 v2, v14;
	[tilespmem:s3+$0x13A00] =	vst v27  }
0xa5: {  	v34 =	vadd.s32 v2, v13;
	v28 =	vld.idx.msk [tilespmem:v28+s19+$0x0], $0xffff  }
0xa6: {  	[tilespmem:s14+$0x50] =	vst v20;
	v35 =	vadd.s32 v2, v26  }
0xa7: {  	[tilespmem:s15+$0xFFFFFFE0] =	vst v21;
	s13 =	sadd.s32 $0x13A00, s8  }
0xa8: {  	[tilespmem:s13+$0x10] =	vst v24  }
0xa9: {  	v36 =	vld.idx.msk [tilespmem:v29+s19+$0x0], $0xffff;
	[tilespmem:s5+$0xFFFFFFD0] =	vst v25;
	s3 =	sadd.s32 $0x13A00, s3  }
0xaa: {  	v37 =	vadd.s32 v3, v14;
	v25 =	vld.idx.msk [tilespmem:v34+s19+$0x0], $0xffff;
	[tilespmem:s3+$0x10] =	vst v28  }
0xab: {  	v38 =	vadd.s32 v3, v13;
	[tilespmem:s16+$0x30] =	vst v15;
	v20 =	vld.idx.msk [tilespmem:v35+s19+$0x0], $0xffff  }
0xac: {  	v22 =	vld.idx.msk [tilespmem:v22+s19+$0x0], $0xffff;
	[tilespmem:s12+$0x0] =	vst v17;
	v39 =	vadd.s32 v3, v26  }
0xad: {  	v18 =	vld.idx.msk [tilespmem:v18+s19+$0x0], $0xffff;
	[tilespmem:s10+$0x20] =	vst v23  }
0xae: {  	v12 =	vadd.s32 v7, v12;
	v19 =	vld.idx.msk [tilespmem:v19+s19+$0x0], $0xffff;
	[tilespmem:s13+$0x20] =	vst v36  }
0xaf: {  	v40 =	vadd.s32 v4, v10;
	v41 =	vld.idx.msk [tilespmem:v37+s19+$0x0], $0xffff;
	[tilespmem:s5+$0xFFFFFFE0] =	vst v25  }
0xb0: {  	v42 =	vadd.s32 v4, v14;
	v15 =	vld.idx.msk [tilespmem:v38+s19+$0x0], $0xffff;
	[tilespmem:s3+$0x20] =	vst v20  }
0xb1: {  	v43 =	vadd.s32 v4, v13;
	[tilespmem:s14+$0x60] =	vst v22;
	v17 =	vld.idx.msk [tilespmem:v39+s19+$0x0], $0xffff  }
0xb2: {  	v44 =	vadd.s32 v4, v26;
	v16 =	vld.idx.msk [tilespmem:v16+s19+$0x0], $0xffff;
	[tilespmem:s15+$0xFFFFFFF0] =	vst v18  }
0xb3: {  	v11 =	vadd.s32 v7, v11;
	v12 =	vld.idx.msk [tilespmem:v12+s19+$0x0], $0xffff;
	[tilespmem:s16+$0x40] =	vst v19  }
0xb4: {  	v45 =	vadd.s32 v5, v9;
	v21 =	vld.idx.msk [tilespmem:v40+s19+$0x0], $0xffff;
	[tilespmem:s13+$0x30] =	vst v41  }
0xb5: {  	v46 =	vadd.s32 v5, v10;
	v23 =	vld.idx.msk [tilespmem:v42+s19+$0x0], $0xffff;
	[tilespmem:s5+$0xFFFFFFF0] =	vst v15  }
0xb6: {  	v47 =	vadd.s32 v5, v14;
	v20 =	vld.idx.msk [tilespmem:v43+s19+$0x0], $0xffff;
	[tilespmem:s3+$0x30] =	vst v17  }
0xb7: {  	v48 =	vadd.s32 v5, v13;
	[tilespmem:s12+$0x10] =	vst v16;
	v17 =	vld.idx.msk [tilespmem:v44+s19+$0x0], $0xffff  }
0xb8: {  	v49 =	vadd.s32 v5, v26;
	v11 =	vld.idx.msk [tilespmem:v11+s19+$0x0], $0xffff;
	[tilespmem:s10+$0x30] =	vst v12  }
0xb9: {  	v50 =	vadd.s32 v6, v8;
	v19 =	vld.idx.msk [tilespmem:v45+s19+$0x0], $0xffff;
	[tilespmem:s15+$0x0] =	vst v21  }
0xba: {  	v51 =	vadd.s32 v6, v9;
	v22 =	vld.idx.msk [tilespmem:v46+s19+$0x0], $0xffff;
	[tilespmem:s13+$0x40] =	vst v23  }
0xbb: {  	v52 =	vadd.s32 v6, v10;
	v15 =	vld.idx.msk [tilespmem:v47+s19+$0x0], $0xffff;
	[tilespmem:s5+$0x0] =	vst v20  }
0xbc: {  	v53 =	vadd.s32 v6, v14;
	v16 =	vld.idx.msk [tilespmem:v48+s19+$0x0], $0xffff;
	[tilespmem:s3+$0x40] =	vst v17  }
0xbd: {  	v54 =	vadd.s32 v6, v13;
	[tilespmem:s14+$0x70] =	vst v11;
	v12 =	vld.idx.msk [tilespmem:v49+s19+$0x0], $0xffff  }
0xbe: {  	v56 =	vadd.s32 v6, v26;
	v55 =	vld.idx.msk [tilespmem:v50+s19+$0x0], $0xffff;
	[tilespmem:s16+$0x50] =	vst v19  }
0xbf: {  	v8 =	vadd.s32 v7, v8;
	v19 =	vld.idx.msk [tilespmem:v51+s19+$0x0], $0xffff;
	[tilespmem:s15+$0x10] =	vst v22  }
0xc0: {  	v57 =	vadd.s32 v7, v9;
	v58 =	vld.idx.msk [tilespmem:v52+s19+$0x0], $0xffff;
	[tilespmem:s13+$0x50] =	vst v15  }
0xc1: {  	v59 =	vadd.s32 v7, v10;
	v15 =	vld.idx.msk [tilespmem:v53+s19+$0x0], $0xffff;
	[tilespmem:s5+$0x10] =	vst v16  }
0xc2: {  	v60 =	vadd.s32 v7, v14;
	v11 =	vld.idx.msk [tilespmem:v54+s19+$0x0], $0xffff;
	[tilespmem:s3+$0x50] =	vst v12  }
0xc3: {  	v61 =	vadd.s32 v7, v13;
	[tilespmem:s12+$0x20] =	vst v55;
	v62 =	vld.idx.msk [tilespmem:v56+s19+$0x0], $0xffff  }
0xc4: {  	v63 =	vadd.s32 v7, v26;
	v8 =	vld.idx.msk [tilespmem:v8+s19+$0x0], $0xffff;
	[tilespmem:s16+$0x60] =	vst v19  }
0xc5: {  	v9 =	vld.idx.msk [tilespmem:v57+s19+$0x0], $0xffff;
	[tilespmem:s15+$0x20] =	vst v58  }
0xc6: {  	v10 =	vld.idx.msk [tilespmem:v59+s19+$0x0], $0xffff;
	[tilespmem:s13+$0x60] =	vst v15  }
0xc7: {  	v14 =	vld.idx.msk [tilespmem:v60+s19+$0x0], $0xffff;
	[tilespmem:s5+$0x20] =	vst v11  }
0xc8: {  	v11 =	vld.idx.msk [tilespmem:v61+s19+$0x0], $0xffff;
	[tilespmem:s3+$0x60] =	vst v62  }
0xc9: {  	[tilespmem:s12+$0x30] =	vst v8;
	v8 =	vld.idx.msk [tilespmem:v63+s19+$0x0], $0xffff  }
0xca: {  	p1 =	sne.s32 s31, $0x31;
	[tilespmem:s16+$0x70] =	vst v9  }
.Ltmp2:
0xcb: {  	[tilespmem:s15+$0x30] =	vst v10;
	s15 =	sshll.u32 s31, $0x14;
	(pc) =	sbr.rel @p1 .LBB2_8-.Ltmp2, $4  }
0xcc: {  	s16 =	sor.u32 s7, s15;
	[tilespmem:s13+$0x70] =	vst v14  }
0xcd: {  	s17 =	sshrl.u32 s16, $0x3;
	[tilespmem:s5+$0x30] =	vst v11  }
0xce: {  	s30 =	sadd.s32 s2, s17;
	[tilespmem:s3+$0x70] =	vst v8  }
0xcf: {  	[hbm4b:s30+s20] =	stream.strided.scatter [tilespmem:s22], [sflag:$0x5], $0x2000, s21, s20, $0x38;
	[tilespmem:$0x17A00] =	vst v63  }
.Ltmp3:
0xd0: {  	(pc) =	sbr.rel .LBB2_9-.Ltmp3, $4  }
0xd1: {  	_ = 	snop  }
0xd2: {  	_ =	swait.ge [sflag:s23], $0x2000  }
0xd3: {  	[sflag:s23] =	ssyncset.done $0x0  }
0xd4: {  	[sflag:s23] =	ssyncadd.s32 $0xFFFFE000  }
.LBB2_8:
0xd5: {  	s3 =	sshll.u32 s31, $0x9  }
0xd6: {  	s3 =	sand.u32 $0x3FFFFE00, s3  }
.Ltmp4:
0xd7: {  	s5 =	simm.s32 $0xBA00;
	s3 =	sadd.s32 $0x200, s3;
	(pc) =	sbr.rel @p0 .LBB2_10-.Ltmp4, $4  }
0xd8: {  	[tilespmem:s5], [sflag:$0x1] =	stream.indirect.gather [hbm4b:s4+s9], $0x40, s3, s9, $0xb8;
	[tilespmem:$0x17A00] =	vst v63  }
0xd9: {  	_ =	swait.ge [sflag:s23], $0x2000  }
0xda: {  	[sflag:s23] =	ssyncset.done $0x0  }
0xdb: {  	[sflag:s23] =	ssyncadd.s32 $0xFFFFE000  }
.LBB2_9:
0xdc: {  	_ =	swait.ge [sflag:s24], $0x2000  }
0xdd: {  	[sflag:s24] =	ssyncset.done $0x0  }
0xde: {  	[sflag:s24] =	ssyncadd.s32 $0xFFFFE000  }
.LBB2_10:
0xdf: {  	s10 =	sor.u32 $0x1, s0  }
0xe0: {  	s12 =	simm.s32 $0xDA40;
	s3 =	sshll.u32 s10, $0x6  }
0xe1: {  	v8 =	vld [tilespmem:s12+$0x0];
	s3 =	sand.u32 $0x3FFFFFC0, s3  }
0xe2: {  	v11 =	vld [tilespmem:s3+$0x6400];
	_ =	sdelay $0x2  }
0xe3: {  	v12 =	vld [tilespmem:s12+$0xFFFFFFC0]  }
0xe4: {  	v10 =	vld [tilespmem:s3+$0x6410]  }
0xe5: {  	v9 =	vld [tilespmem:s3+$0x6420];
	v13 =	vadd.f32 v8, v11  }
0xe6: {  	s5 =	simm.s32 $0x9648;
	s14 =	simm.s32 $0xDAC0;
	v8 =	vld [tilespmem:s3+$0x6430]  }
0xe7: {  	[tilespmem:s5+$0x0] =	vst v13;
	v13 =	vld [tilespmem:s14+$0x0]  }
0xe8: {  	v14 =	vld [tilespmem:s12+$0x10]  }
0xe9: {  	v12 =	vadd.f32 v12, v11;
	_ =	sdelay $0x1  }
0xea: {  	[tilespmem:s5+$0xFFFFFFB8] =	vst v12;
	v12 =	vld [tilespmem:s14+$0xFFFFFFC0]  }
0xeb: {  	v15 =	vld [tilespmem:s12+$0xFFFFFFD0];
	v13 =	vadd.f32 v13, v11  }
0xec: {  	s6 =	simm.s32 $0x96D8;
	s8 =	simm.s32 $0xDB40;
	v14 =	vadd.f32 v14, v10  }
0xed: {  	[tilespmem:s6+$0x0] =	vst v13;
	v13 =	vld [tilespmem:s8+$0x0]  }
0xee: {  	[tilespmem:s5+$0x10] =	vst v14;
	v14 =	vld [tilespmem:s14+$0x10]  }
0xef: {  	v12 =	vadd.f32 v12, v11;
	v16 =	vld [tilespmem:s12+$0x20]  }
0xf0: {  	v15 =	vadd.f32 v15, v10  }
0xf1: {  	[tilespmem:s6+$0xFFFFFFB8] =	vst v12;
	v12 =	vld [tilespmem:s8+$0xFFFFFFC0]  }
0xf2: {  	[tilespmem:s5+$0xFFFFFFC8] =	vst v15;
	v15 =	vld [tilespmem:s14+$0xFFFFFFD0];
	v13 =	vadd.f32 v13, v11  }
0xf3: {  	s15 =	simm.s32 $0x9768;
	s16 =	simm.s32 $0xDBC0;
	v17 =	vld [tilespmem:s12+$0xFFFFFFE0];
	v14 =	vadd.f32 v14, v10  }
0xf4: {  	[tilespmem:s15+$0x0] =	vst v13;
	v13 =	vadd.f32 v16, v9;
	v16 =	vld [tilespmem:s16+$0x0]  }
0xf5: {  	[tilespmem:s6+$0x10] =	vst v14;
	v18 =	vld [tilespmem:s8+$0x10]  }
0xf6: {  	v14 =	vadd.f32 v12, v11;
	[tilespmem:s5+$0x20] =	vst v13;
	v13 =	vld [tilespmem:s14+$0x20]  }
0xf7: {  	v19 =	vadd.f32 v15, v10;
	v12 =	vld [tilespmem:s12+$0x30]  }
0xf8: {  	v15 =	vld [tilespmem:s16+$0xFFFFFFC0];
	[tilespmem:s15+$0xFFFFFFB8] =	vst v14;
	v14 =	vadd.f32 v17, v9  }
0xf9: {  	[tilespmem:s6+$0xFFFFFFC8] =	vst v19;
	v17 =	vadd.f32 v16, v11;
	v16 =	vld [tilespmem:s8+$0xFFFFFFD0]  }
0xfa: {  	s11 =	simm.s32 $0x97F8;
	[tilespmem:s5+$0xFFFFFFD8] =	vst v14;
	v14 =	vld [tilespmem:s14+$0xFFFFFFE0];
	v18 =	vadd.f32 v18, v10  }
0xfb: {  	s30 =	simm.s32 $0x6;
	s13 =	simm.s32 $0xDC40;
	s3 =	simm.s32 $0x97F8;
	[tilespmem:s11+$0x0] =	vst v17;
	v17 =	vadd.f32 v13, v9;
	v13 =	vld [tilespmem:s12+$0xFFFFFFF0]  }
.LBB2_11:
0xfc: {  	v19 =	vld [tilespmem:s13+$0x0];
	[tilespmem:s15+$0x10] =	vst v18;
	v12 =	vadd.f32 v12, v8;
	s17 =	smov.u32 s14;
	s14 =	smov.u32 s8;
	s8 =	smov.u32 s16  }
0xfd: {  	s16 =	smov.u32 s13;
	s30 =	sadd.s32 $0x2, s30;
	v15 =	vadd.f32 v15, v11;
	v18 =	vld [tilespmem:s8+$0x10];
	[tilespmem:s6+$0x20] =	vst v17  }
0xfe: {  	s12 =	simm.s32 $0x15A40;
	p0 =	slt.u32 s30, $0x7E;
	v16 =	vadd.f32 v16, v10;
	v17 =	vld [tilespmem:s14+$0x20];
	[tilespmem:s5+$0x30] =	vst v12  }
.Ltmp5:
0xff: {  	[tilespmem:s11+$0xFFFFFFB8] =	vst v15;
	v14 =	vadd.f32 v14, v9;
	v12 =	vld [tilespmem:s17+$0x30];
	(pc) =	sbr.rel @p0 .LBB2_11-.Ltmp5, $4  }
0x100: {  	v15 =	vld [tilespmem:s13+$0xFFFFFFC0];
	[tilespmem:s15+$0xFFFFFFC8] =	vst v16;
	v13 =	vadd.f32 v13, v8  }
0x101: {  	v19 =	vadd.f32 v19, v11;
	v16 =	vld [tilespmem:s8+$0xFFFFFFD0];
	[tilespmem:s6+$0xFFFFFFD8] =	vst v14  }
0x102: {  	s11 =	sadd.s32 $0x90, s11;
	v18 =	vadd.f32 v18, v10;
	v14 =	vld [tilespmem:s14+$0xFFFFFFE0];
	[tilespmem:s5+$0xFFFFFFE8] =	vst v13;
	s5 =	smov.u32 s6;
	s6 =	smov.u32 s15  }
0x103: {  	s13 =	sadd.s32 $0x80, s13;
	s15 =	smov.u32 s3;
	s3 =	smov.u32 s11;
	[tilespmem:s11+$0x0] =	vst v19;
	v17 =	vadd.f32 v17, v9;
	v13 =	vld [tilespmem:s17+$0xFFFFFFF0]  }
0x104: {  	_ = 	snop  }
0x105: {  	v11 =	vadd.f32 v15, v11;
	_ =	sdelay $0x1  }
0x106: {  	v15 =	vld [tilespmem:s16+$0x10];
	[tilespmem:s11+$0xFFFFFFB8] =	vst v11  }
0x107: {  	v11 =	vld [tilespmem:s16+$0xFFFFFFD0];
	_ =	sdelay $0x2  }
0x108: {  	v16 =	vadd.f32 v16, v10  }
0x109: {  	[tilespmem:s15+$0x10] =	vst v18;
	v15 =	vadd.f32 v15, v10  }
0x10a: {  	v18 =	vld [tilespmem:s8+$0x20];
	[tilespmem:s15+$0xFFFFFFC8] =	vst v16;
	v10 =	vadd.f32 v11, v10  }
0x10b: {  	[tilespmem:s3+$0x10] =	vst v15;
	v11 =	vld [tilespmem:s8+$0xFFFFFFE0]  }
0x10c: {  	v15 =	vld [tilespmem:s16+$0x20];
	[tilespmem:s3+$0xFFFFFFC8] =	vst v10  }
0x10d: {  	v10 =	vld [tilespmem:s16+$0xFFFFFFE0]  }
0x10e: {  	v14 =	vadd.f32 v14, v9  }
0x10f: {  	[tilespmem:s6+$0x20] =	vst v17;
	v16 =	vadd.f32 v18, v9  }
0x110: {  	v17 =	vld [tilespmem:s14+$0x30];
	[tilespmem:s6+$0xFFFFFFD8] =	vst v14;
	v11 =	vadd.f32 v11, v9  }
0x111: {  	v14 =	vld [tilespmem:s14+$0xFFFFFFF0];
	[tilespmem:s15+$0x20] =	vst v16;
	v15 =	vadd.f32 v15, v9  }
0x112: {  	v16 =	vld [tilespmem:s8+$0x30];
	[tilespmem:s15+$0xFFFFFFD8] =	vst v11;
	v9 =	vadd.f32 v10, v9  }
0x113: {  	[tilespmem:s3+$0x20] =	vst v15;
	v10 =	vadd.f32 v12, v8;
	v11 =	vld [tilespmem:s8+$0xFFFFFFF0]  }
0x114: {  	v12 =	vadd.f32 v13, v8;
	v13 =	vld [tilespmem:s16+$0x30];
	[tilespmem:s3+$0xFFFFFFD8] =	vst v9  }
0x115: {  	s11 =	simm.s32 $0x0;
	[tilespmem:s5+$0x30] =	vst v10;
	v9 =	vadd.f32 v17, v8;
	v10 =	vld [tilespmem:s16+$0xFFFFFFF0]  }
0x116: {  	v14 =	vadd.f32 v14, v8;
	[tilespmem:s5+$0xFFFFFFE8] =	vst v12;
	v12 =	vmov s11  }
0x117: {  	v12 =	vand.u32 $0x3E, v12;
	[tilespmem:s6+$0x30] =	vst v9;
	v9 =	vadd.f32 v16, v8  }
0x118: {  	s13 =	simm.s32 $0x1;
	[tilespmem:s6+$0xFFFFFFE8] =	vst v14;
	v14 =	vadd.s32 v0, v12;
	v11 =	vadd.f32 v11, v8  }
0x119: {  	[tilespmem:s15+$0x30] =	vst v9;
	v9 =	vadd.f32 v13, v8;
	v13 =	vmov s13  }
0x11a: {  	[tilespmem:s15+$0xFFFFFFE8] =	vst v11;
	v11 =	vand.u32 $0x3F, v13;
	v8 =	vadd.f32 v10, v8  }
0x11b: {  	[tilespmem:s3+$0x30] =	vst v9;
	v9 =	vadd.s32 v0, v11  }
0x11c: {  	[tilespmem:s3+$0xFFFFFFE8] =	vst v8  }
0x11d: {  	v10 =	vld.idx.msk [tilespmem:v14+s19+$0x0], $0xffff  }
0x11e: {  	v13 =	vadd.s32 v1, v12  }
0x11f: {  	s14 =	simm.s32 $0x2  }
0x120: {  	v8 =	vmov s14;
	v9 =	vld.idx.msk [tilespmem:v9+s19+$0x0], $0xffff  }
0x121: {  	v8 =	vand.u32 $0x3E, v8;
	v14 =	vadd.s32 v1, v11  }
0x122: {  	s16 =	simm.s32 $0x0;
	s15 =	simm.s32 $0x80;
	[tilespmem:s12+$0xFFFFFFC0] =	vst v10;
	v10 =	vadd.s32 v0, v8  }
0x123: {  	s5 =	sand.u32 $0x1C00, s16;
	s3 =	sand.u32 $0x380, s15;
	v13 =	vld.idx.msk [tilespmem:v13+s19+$0x0], $0xffff  }
0x124: {  	v15 =	vadd.s32 v2, v12;
	s3 =	sor.u32 s3, s5  }
0x125: {  	[tilespmem:s3+$0x15A00] =	vst v9  }
0x126: {  	s17 =	simm.s32 $0x3;
	v14 =	vld.idx.msk [tilespmem:v14+s19+$0x0], $0xffff  }
0x127: {  	v17 =	vadd.s32 v2, v11;
	v9 =	vmov s17;
	v16 =	vld.idx.msk [tilespmem:v10+s19+$0x0], $0xffff  }
0x128: {  	v9 =	vand.u32 $0x3F, v9;
	[tilespmem:s12+$0xFFFFFFD0] =	vst v13;
	v13 =	vadd.s32 v1, v8  }
0x129: {  	s30 =	simm.s32 $0x4;
	v18 =	vadd.s32 v0, v9;
	v15 =	vld.idx.msk [tilespmem:v15+s19+$0x0], $0xffff  }
0x12a: {  	v19 =	vadd.s32 v3, v12;
	s15 =	sadd.s32 $0x15A00, s3;
	v10 =	vmov s30  }
0x12b: {  	s14 =	simm.s32 $0x15B40;
	v10 =	vand.u32 $0x3E, v10;
	[tilespmem:s15+$0x10] =	vst v14  }
0x12c: {  	v14 =	vadd.s32 v0, v10;
	[tilespmem:s14+$0xFFFFFFC0] =	vst v16;
	v16 =	vld.idx.msk [tilespmem:v17+s19+$0x0], $0xffff  }
0x12d: {  	v17 =	vadd.s32 v3, v11;
	v13 =	vld.idx.msk [tilespmem:v13+s19+$0x0], $0xffff  }
0x12e: {  	v18 =	vld.idx.msk [tilespmem:v18+s19+$0x0], $0xffff;
	[tilespmem:s12+$0xFFFFFFE0] =	vst v15;
	v15 =	vadd.s32 v2, v8  }
0x12f: {  	v20 =	vadd.s32 v1, v9;
	v19 =	vld.idx.msk [tilespmem:v19+s19+$0x0], $0xffff  }
0x130: {  	s8 =	simm.s32 $0x100;
	v21 =	vadd.s32 v4, v12;
	s6 =	simm.s32 $0x180  }
0x131: {  	s5 =	sand.u32 $0x1C00, s8;
	s3 =	sand.u32 $0x380, s6;
	v14 =	vld.idx.msk [tilespmem:v14+s19+$0x0], $0xffff;
	[tilespmem:s15+$0x20] =	vst v16  }
0x132: {  	s3 =	sor.u32 s3, s5;
	[tilespmem:s14+$0xFFFFFFD0] =	vst v13;
	v13 =	vadd.s32 v1, v10;
	v16 =	vld.idx.msk [tilespmem:v17+s19+$0x0], $0xffff  }
0x133: {  	[tilespmem:s3+$0x15A00] =	vst v18;
	v15 =	vld.idx.msk [tilespmem:v15+s19+$0x0], $0xffff  }
0x134: {  	s11 =	simm.s32 $0x5;
	v17 =	vadd.s32 v4, v11;
	[tilespmem:s12+$0xFFFFFFF0] =	vst v19;
	v19 =	vld.idx.msk [tilespmem:v20+s19+$0x0], $0xffff  }
0x135: {  	s16 =	simm.s32 $0x15C40;
	v18 =	vadd.s32 v3, v8;
	v20 =	vld.idx.msk [tilespmem:v21+s19+$0x0], $0xffff;
	v21 =	vmov s11  }
0x136: {  	v22 =	vadd.s32 v2, v9;
	[tilespmem:s16+$0xFFFFFFC0] =	vst v14;
	v14 =	vand.u32 $0x3F, v21  }
0x137: {  	s13 =	simm.s32 $0x6;
	v24 =	vld.idx.msk [tilespmem:v13+s19+$0x0], $0xffff;
	v25 =	vadd.s32 v0, v14  }
0x138: {  	v23 =	vadd.s32 v5, v12;
	v21 =	vmov s13;
	[tilespmem:s15+$0x30] =	vst v16  }
0x139: {  	s5 =	sadd.s32 $0x15A00, s3;
	v13 =	vand.u32 $0x3E, v21;
	[tilespmem:s14+$0xFFFFFFE0] =	vst v15;
	v15 =	vld.idx.msk [tilespmem:v17+s19+$0x0], $0xffff  }
0x13a: {  	v16 =	vadd.s32 v0, v13;
	v17 =	vld.idx.msk [tilespmem:v18+s19+$0x0], $0xffff;
	[tilespmem:s5+$0x10] =	vst v19  }
0x13b: {  	v18 =	vadd.s32 v5, v11;
	[tilespmem:s12+$0x0] =	vst v20;
	v19 =	vld.idx.msk [tilespmem:v22+s19+$0x0], $0xffff  }
0x13c: {  	[tilespmem:s16+$0xFFFFFFD0] =	vst v24;
	v24 =	vld.idx.msk [tilespmem:v25+s19+$0x0], $0xffff;
	v25 =	vadd.s32 v4, v8  }
0x13d: {  	v21 =	vadd.s32 v2, v10;
	v22 =	vld.idx.msk [tilespmem:v23+s19+$0x0], $0xffff  }
0x13e: {  	v23 =	vadd.s32 v3, v9  }
0x13f: {  	v27 =	vadd.s32 v6, v12;
	v16 =	vld.idx.msk [tilespmem:v16+s19+$0x0], $0xffff;
	[tilespmem:s15+$0x40] =	vst v15  }
0x140: {  	v26 =	vadd.s32 v1, v14;
	[tilespmem:s14+$0xFFFFFFF0] =	vst v17;
	v20 =	vld.idx.msk [tilespmem:v18+s19+$0x0], $0xffff  }
0x141: {  	s8 =	simm.s32 $0x280;
	s17 =	simm.s32 $0x200;
	[tilespmem:s5+$0x20] =	vst v19;
	v17 =	vld.idx.msk [tilespmem:v25+s19+$0x0], $0xffff;
	v25 =	vadd.s32 v1, v13  }
0x142: {  	s30 =	sand.u32 $0x380, s8;
	s3 =	sand.u32 $0x1C00, s17;
	v21 =	vld.idx.msk [tilespmem:v21+s19+$0x0], $0xffff;
	[tilespmem:s12+$0x10] =	vst v22;
	v22 =	vadd.s32 v6, v11  }
0x143: {  	s11 =	sor.u32 s30, s3;
	v18 =	vadd.s32 v3, v10;
	v15 =	vld.idx.msk [tilespmem:v23+s19+$0x0], $0xffff  }
0x144: {  	s6 =	simm.s32 $0x15D40;
	v19 =	vadd.s32 v4, v9;
	[tilespmem:s11+$0x15A00] =	vst v24;
	v23 =	vld.idx.msk [tilespmem:v27+s19+$0x0], $0xffff  }
0x145: {  	s3 =	simm.s32 $0x8;
	s13 =	simm.s32 $0x7;
	v24 =	vld.idx.msk [tilespmem:v26+s19+$0x0], $0xffff;
	[tilespmem:s6+$0xFFFFFFC0] =	vst v16;
	v16 =	vadd.s32 v5, v8  }
.LBB2_13:
0x146: {  	p0 =	slt.u32 s3, $0x3E;
	v25 =	vld.idx.msk [tilespmem:v25+s19+$0x0], $0xffff;
	v26 =	vmov s13;
	v27 =	vadd.s32 v2, v14;
	[tilespmem:s15+$0x50] =	vst v20  }
0x147: {  	v20 =	vand.u32 $0x3F, v26;
	[tilespmem:s16+$0xFFFFFFE0] =	vst v21;
	v21 =	vadd.s32 v7, v12;
	v22 =	vld.idx.msk [tilespmem:v22+s19+$0x0], $0xffff;
	v12 =	vmovc v8;
	v8 =	vmov v10  }
0x148: {  	v26 =	vmov s3;
	v10 =	vmov v13;
	v28 =	vadd.s32 v0, v20;
	v18 =	vld.idx.msk [tilespmem:v18+s19+$0x0], $0xffff;
	[tilespmem:s5+$0x30] =	vst v15  }
0x149: {  	s13 =	sadd.s32 $0x15A00, s11;
	v13 =	vand.u32 $0x3E, v26;
	[tilespmem:s14+$0x0] =	vst v17;
	v15 =	vld.idx.msk [tilespmem:v19+s19+$0x0], $0xffff;
	v17 =	vadd.s32 v7, v11;
	v11 =	vmovc v9;
	v9 =	vmov v14  }
0x14a: {  	v19 =	vadd.s32 v0, v13;
	v14 =	vmov v20;
	[tilespmem:s13+$0x10] =	vst v24;
	v16 =	vld.idx.msk [tilespmem:v16+s19+$0x0], $0xffff  }
0x14b: {  	v20 =	vadd.s32 v5, v11;
	v24 =	vld.idx.msk [tilespmem:v27+s19+$0x0], $0xffff;
	[tilespmem:s12+$0x20] =	vst v23  }
0x14c: {  	v23 =	vadd.s32 v2, v10;
	[tilespmem:s6+$0xFFFFFFD0] =	vst v25;
	v26 =	vld.idx.msk [tilespmem:v21+s19+$0x0], $0xffff  }
0x14d: {  	v27 =	vld.idx.msk [tilespmem:v28+s19+$0x0], $0xffff;
	v28 =	vadd.s32 v3, v9;
	[tilespmem:s15+$0x60] =	vst v22  }
0x14e: {  	v29 =	vadd.s32 v4, v8;
	[tilespmem:s16+$0xFFFFFFF0] =	vst v18;
	v30 =	vld.idx.msk [tilespmem:v17+s19+$0x0], $0xffff  }
0x14f: {  	s8 =	sadd.s32 $0x100, s8;
	v31 =	vld.idx.msk [tilespmem:v19+s19+$0x0], $0xffff;
	v19 =	vadd.s32 v1, v14;
	[tilespmem:s5+$0x40] =	vst v15  }
0x150: {  	s11 =	sadd.s32 $0xFFFFFF80, s8;
	v32 =	vadd.s32 v6, v12;
	[tilespmem:s14+$0x10] =	vst v16;
	v20 =	vld.idx.msk [tilespmem:v20+s19+$0x0], $0xffff  }
.Ltmp6:
0x151: {  	s17 =	sand.u32 $0x380, s8;
	s11 =	sand.u32 $0x1C00, s11;
	v25 =	vadd.s32 v1, v13;
	v21 =	vld.idx.msk [tilespmem:v23+s19+$0x0], $0xffff;
	[tilespmem:s13+$0x20] =	vst v24;
	(pc) =	sbr.rel @p0 .LBB2_13-.Ltmp6, $4  }
0x152: {  	s11 =	sor.u32 s17, s11;
	v22 =	vadd.s32 v6, v11;
	v15 =	vld.idx.msk [tilespmem:v28+s19+$0x0], $0xffff;
	[tilespmem:s12+$0x30] =	vst v26;
	s12 =	smov.u32 s14;
	s14 =	smov.u32 s16  }
0x153: {  	v18 =	vadd.s32 v3, v10;
	s16 =	smov.u32 s6;
	[tilespmem:s11+$0x15A00] =	vst v27;
	v17 =	vld.idx.msk [tilespmem:v29+s19+$0x0], $0xffff  }
0x154: {  	s6 =	sadd.s32 $0x100, s6;
	v24 =	vld.idx.msk [tilespmem:v19+s19+$0x0], $0xffff;
	v19 =	vadd.s32 v4, v9;
	[tilespmem:s15+$0x70] =	vst v30;
	s15 =	smov.u32 s5;
	s5 =	smov.u32 s13  }
0x155: {  	v16 =	vadd.s32 v5, v8;
	s13 =	sadd.s32 $0x1, s3;
	s3 =	sadd.s32 $0x2, s3;
	[tilespmem:s6+$0xFFFFFFC0] =	vst v31;
	v23 =	vld.idx.msk [tilespmem:v32+s19+$0x0], $0xffff  }
0x156: {  	v26 =	vmov s13  }
0x157: {  	v26 =	vand.u32 $0x3F, v26  }
0x158: {  	v27 =	vadd.s32 v0, v26;
	_ =	sdelay $0x4  }
0x159: {  	v27 =	vld.idx.msk [tilespmem:v27+s19+$0x0], $0xffff  }
0x15a: {  	s3 =	sadd.s32 $0x100, s8;
	v28 =	vadd.s32 v1, v26  }
0x15b: {  	s8 =	sadd.s32 $0xFFFFFF80, s3  }
0x15c: {  	s3 =	sand.u32 $0x380, s3;
	s8 =	sand.u32 $0x1C00, s8  }
0x15d: {  	s3 =	sor.u32 s3, s8  }
0x15e: {  	v25 =	vld.idx.msk [tilespmem:v25+s19+$0x0], $0xffff;
	v29 =	vadd.s32 v2, v14;
	[tilespmem:s3+$0x15A00] =	vst v27  }
0x15f: {  	v54 =	vadd.s32 v2, v13;
	v28 =	vld.idx.msk [tilespmem:v28+s19+$0x0], $0xffff  }
0x160: {  	[tilespmem:s15+$0x50] =	vst v20;
	v20 =	vadd.s32 v2, v26  }
0x161: {  	[tilespmem:s16+$0xFFFFFFE0] =	vst v21;
	s13 =	sadd.s32 $0x15A00, s11  }
0x162: {  	[tilespmem:s13+$0x10] =	vst v24  }
0x163: {  	v55 =	vld.idx.msk [tilespmem:v29+s19+$0x0], $0xffff;
	[tilespmem:s6+$0xFFFFFFD0] =	vst v25;
	s3 =	sadd.s32 $0x15A00, s3  }
0x164: {  	v56 =	vadd.s32 v3, v14;
	v25 =	vld.idx.msk [tilespmem:v54+s19+$0x0], $0xffff;
	[tilespmem:s3+$0x10] =	vst v28  }
0x165: {  	[tilespmem:s5+$0x30] =	vst v15;
	v15 =	vadd.s32 v3, v13;
	v20 =	vld.idx.msk [tilespmem:v20+s19+$0x0], $0xffff  }
0x166: {  	v22 =	vld.idx.msk [tilespmem:v22+s19+$0x0], $0xffff;
	[tilespmem:s14+$0x0] =	vst v17;
	v17 =	vadd.s32 v3, v26  }
0x167: {  	v18 =	vld.idx.msk [tilespmem:v18+s19+$0x0], $0xffff;
	[tilespmem:s12+$0x20] =	vst v23  }
0x168: {  	v12 =	vadd.s32 v7, v12;
	v19 =	vld.idx.msk [tilespmem:v19+s19+$0x0], $0xffff;
	[tilespmem:s13+$0x20] =	vst v55  }
0x169: {  	v57 =	vadd.s32 v4, v10;
	v58 =	vld.idx.msk [tilespmem:v56+s19+$0x0], $0xffff;
	[tilespmem:s6+$0xFFFFFFE0] =	vst v25  }
0x16a: {  	v59 =	vadd.s32 v4, v14;
	v15 =	vld.idx.msk [tilespmem:v15+s19+$0x0], $0xffff;
	[tilespmem:s3+$0x20] =	vst v20  }
0x16b: {  	[tilespmem:s15+$0x60] =	vst v22;
	v20 =	vadd.s32 v4, v13;
	v17 =	vld.idx.msk [tilespmem:v17+s19+$0x0], $0xffff  }
0x16c: {  	v16 =	vld.idx.msk [tilespmem:v16+s19+$0x0], $0xffff;
	[tilespmem:s16+$0xFFFFFFF0] =	vst v18;
	v18 =	vadd.s32 v4, v26  }
0x16d: {  	v11 =	vadd.s32 v7, v11;
	v12 =	vld.idx.msk [tilespmem:v12+s19+$0x0], $0xffff;
	[tilespmem:s5+$0x40] =	vst v19  }
0x16e: {  	v19 =	vadd.s32 v5, v9;
	v21 =	vld.idx.msk [tilespmem:v57+s19+$0x0], $0xffff;
	[tilespmem:s13+$0x30] =	vst v58  }
0x16f: {  	v60 =	vadd.s32 v5, v10;
	v23 =	vld.idx.msk [tilespmem:v59+s19+$0x0], $0xffff;
	[tilespmem:s6+$0xFFFFFFF0] =	vst v15  }
0x170: {  	v15 =	vadd.s32 v5, v14;
	v20 =	vld.idx.msk [tilespmem:v20+s19+$0x0], $0xffff;
	[tilespmem:s3+$0x30] =	vst v17  }
0x171: {  	[tilespmem:s14+$0x10] =	vst v16;
	v16 =	vadd.s32 v5, v13;
	v17 =	vld.idx.msk [tilespmem:v18+s19+$0x0], $0xffff  }
0x172: {  	v11 =	vld.idx.msk [tilespmem:v11+s19+$0x0], $0xffff;
	[tilespmem:s12+$0x30] =	vst v12;
	v12 =	vadd.s32 v5, v26  }
0x173: {  	v19 =	vld.idx.msk [tilespmem:v19+s19+$0x0], $0xffff;
	[tilespmem:s16+$0x0] =	vst v21;
	v18 =	vadd.s32 v6, v8  }
0x174: {  	v61 =	vadd.s32 v6, v9;
	v22 =	vld.idx.msk [tilespmem:v60+s19+$0x0], $0xffff;
	[tilespmem:s13+$0x40] =	vst v23  }
0x175: {  	v62 =	vadd.s32 v6, v10;
	v15 =	vld.idx.msk [tilespmem:v15+s19+$0x0], $0xffff;
	[tilespmem:s6+$0x0] =	vst v20  }
0x176: {  	v20 =	vadd.s32 v6, v14;
	v16 =	vld.idx.msk [tilespmem:v16+s19+$0x0], $0xffff;
	[tilespmem:s3+$0x40] =	vst v17  }
0x177: {  	[tilespmem:s15+$0x70] =	vst v11;
	v11 =	vadd.s32 v6, v13;
	v12 =	vld.idx.msk [tilespmem:v12+s19+$0x0], $0xffff  }
0x178: {  	[tilespmem:s5+$0x50] =	vst v19;
	v17 =	vld.idx.msk [tilespmem:v18+s19+$0x0], $0xffff;
	v18 =	vadd.s32 v6, v26  }
0x179: {  	v19 =	vld.idx.msk [tilespmem:v61+s19+$0x0], $0xffff;
	[tilespmem:s16+$0x10] =	vst v22;
	v8 =	vadd.s32 v7, v8  }
0x17a: {  	v9 =	vadd.s32 v7, v9;
	v63 =	vld.idx.msk [tilespmem:v62+s19+$0x0], $0xffff;
	[tilespmem:s13+$0x50] =	vst v15  }
0x17b: {  	v10 =	vadd.s32 v7, v10;
	v15 =	vld.idx.msk [tilespmem:v20+s19+$0x0], $0xffff;
	[tilespmem:s6+$0x10] =	vst v16  }
0x17c: {  	v14 =	vadd.s32 v7, v14;
	v11 =	vld.idx.msk [tilespmem:v11+s19+$0x0], $0xffff;
	[tilespmem:s3+$0x50] =	vst v12  }
0x17d: {  	[tilespmem:s14+$0x20] =	vst v17;
	v12 =	vadd.s32 v7, v13;
	v13 =	vld.idx.msk [tilespmem:v18+s19+$0x0], $0xffff  }
0x17e: {  	[tilespmem:s5+$0x60] =	vst v19;
	v16 =	vadd.s32 v7, v26;
	v8 =	vld.idx.msk [tilespmem:v8+s19+$0x0], $0xffff  }
0x17f: {  	v9 =	vld.idx.msk [tilespmem:v9+s19+$0x0], $0xffff;
	[tilespmem:s16+$0x20] =	vst v63  }
0x180: {  	v10 =	vld.idx.msk [tilespmem:v10+s19+$0x0], $0xffff;
	[tilespmem:s13+$0x60] =	vst v15  }
0x181: {  	v14 =	vld.idx.msk [tilespmem:v14+s19+$0x0], $0xffff;
	[tilespmem:s6+$0x20] =	vst v11  }
0x182: {  	v11 =	vld.idx.msk [tilespmem:v12+s19+$0x0], $0xffff;
	[tilespmem:s3+$0x60] =	vst v13  }
0x183: {  	[tilespmem:s14+$0x30] =	vst v8;
	v8 =	vld.idx.msk [tilespmem:v16+s19+$0x0], $0xffff  }
0x184: {  	[tilespmem:s5+$0x70] =	vst v9  }
0x185: {  	[tilespmem:s16+$0x30] =	vst v10;
	s16 =	sshll.u32 s10, $0x12  }
0x186: {  	s5 =	sor.u32 s7, s16;
	[tilespmem:s13+$0x70] =	vst v14  }
0x187: {  	p0 =	seq.s32 s31, $0x31;
	s5 =	sshrl.u32 s5, $0x3;
	[tilespmem:s6+$0x30] =	vst v11  }
0x188: {  	s17 =	sadd.s32 s2, s5;
	[tilespmem:s3+$0x70] =	vst v8;
	s3 =	sshll.u32 @!p0 s31, $0x9  }
0x189: {  	[hbm4b:s17+s20] =	stream.strided.scatter [tilespmem:s25], [sflag:$0x6], $0x2000, s21, s20, $0x38;
	[tilespmem:$0x17A00] =	vst v63  }
0x18a: {  	s10 =	sand.u32 @!p0 $0x3FFFFE00, s3  }
0x18b: {  	s5 =	simm.s32 @!p0 $0x80;
	s6 =	simm.s32 @!p0 $0xDA00;
	s3 =	sadd.s32 @!p0 $0x280, s10  }
0x18c: {  	[tilespmem:s6], [sflag:$0x2] =	stream.indirect.gather @!p0 [hbm4b:s4+s5], $0x40, s3, s5, $0xb8;
	[tilespmem:$0x17A00] =	vst v63  }
0x18d: {  	_ =	swait.ge [sflag:s26], $0x2000  }
0x18e: {  	[sflag:s26] =	ssyncset.done $0x0  }
0x18f: {  	[sflag:s26] =	ssyncadd.s32 $0xFFFFE000  }
0x190: {  	s0 =	sor.u32 $0x2, s0;
	_ =	swait.ge [sflag:s28], $0x2000  }
0x191: {  	s30 =	sshll.u32 s0, $0x6;
	[sflag:s28] =	ssyncset.done $0x0  }
0x192: {  	s3 =	sand.u32 $0x3FFFFFC0, s30;
	[sflag:s28] =	ssyncadd.s32 $0xFFFFE000  }
0x193: {  	s17 =	simm.s32 $0xFA40;
	v11 =	vld [tilespmem:s3+$0x6400]  }
0x194: {  	v8 =	vld [tilespmem:s17+$0x0];
	_ =	sdelay $0x2  }
0x195: {  	v10 =	vld [tilespmem:s3+$0x6410]  }
0x196: {  	v12 =	vld [tilespmem:s17+$0xFFFFFFC0]  }
0x197: {  	v9 =	vld [tilespmem:s3+$0x6420];
	v13 =	vadd.f32 v8, v11  }
0x198: {  	s12 =	simm.s32 $0xFAC0;
	s5 =	simm.s32 $0x9648;
	v8 =	vld [tilespmem:s3+$0x6430]  }
0x199: {  	[tilespmem:s5+$0x0] =	vst v13;
	v13 =	vld [tilespmem:s12+$0x0]  }
0x19a: {  	v14 =	vld [tilespmem:s17+$0x10]  }
0x19b: {  	v12 =	vadd.f32 v12, v11;
	_ =	sdelay $0x1  }
0x19c: {  	[tilespmem:s5+$0xFFFFFFB8] =	vst v12;
	v12 =	vld [tilespmem:s12+$0xFFFFFFC0]  }
0x19d: {  	v15 =	vld [tilespmem:s17+$0xFFFFFFD0];
	v13 =	vadd.f32 v13, v11  }
0x19e: {  	s14 =	simm.s32 $0xFB40;
	s6 =	simm.s32 $0x96D8;
	v14 =	vadd.f32 v14, v10  }
0x19f: {  	[tilespmem:s6+$0x0] =	vst v13;
	v13 =	vld [tilespmem:s14+$0x0]  }
0x1a0: {  	[tilespmem:s5+$0x10] =	vst v14;
	v14 =	vld [tilespmem:s12+$0x10]  }
0x1a1: {  	v12 =	vadd.f32 v12, v11;
	v16 =	vld [tilespmem:s17+$0x20]  }
0x1a2: {  	v15 =	vadd.f32 v15, v10  }
0x1a3: {  	[tilespmem:s6+$0xFFFFFFB8] =	vst v12;
	v12 =	vld [tilespmem:s14+$0xFFFFFFC0]  }
0x1a4: {  	[tilespmem:s5+$0xFFFFFFC8] =	vst v15;
	v15 =	vld [tilespmem:s12+$0xFFFFFFD0];
	v13 =	vadd.f32 v13, v11  }
0x1a5: {  	s8 =	simm.s32 $0x9768;
	s15 =	simm.s32 $0xFBC0;
	v17 =	vld [tilespmem:s17+$0xFFFFFFE0];
	v14 =	vadd.f32 v14, v10  }
0x1a6: {  	[tilespmem:s8+$0x0] =	vst v13;
	v13 =	vadd.f32 v16, v9;
	v16 =	vld [tilespmem:s15+$0x0]  }
0x1a7: {  	[tilespmem:s6+$0x10] =	vst v14;
	v18 =	vld [tilespmem:s14+$0x10]  }
0x1a8: {  	v14 =	vadd.f32 v12, v11;
	[tilespmem:s5+$0x20] =	vst v13;
	v13 =	vld [tilespmem:s12+$0x20]  }
0x1a9: {  	v19 =	vadd.f32 v15, v10;
	v12 =	vld [tilespmem:s17+$0x30]  }
0x1aa: {  	v15 =	vld [tilespmem:s15+$0xFFFFFFC0];
	[tilespmem:s8+$0xFFFFFFB8] =	vst v14;
	v14 =	vadd.f32 v17, v9  }
0x1ab: {  	[tilespmem:s6+$0xFFFFFFC8] =	vst v19;
	v17 =	vadd.f32 v16, v11;
	v16 =	vld [tilespmem:s14+$0xFFFFFFD0]  }
0x1ac: {  	s11 =	simm.s32 $0x97F8;
	[tilespmem:s5+$0xFFFFFFD8] =	vst v14;
	v14 =	vld [tilespmem:s12+$0xFFFFFFE0];
	v18 =	vadd.f32 v18, v10  }
0x1ad: {  	s16 =	simm.s32 $0x6;
	s13 =	simm.s32 $0xFC40;
	s3 =	simm.s32 $0x97F8;
	[tilespmem:s11+$0x0] =	vst v17;
	v17 =	vadd.f32 v13, v9;
	v13 =	vld [tilespmem:s17+$0xFFFFFFF0]  }
.LBB2_15:
0x1ae: {  	v19 =	vld [tilespmem:s13+$0x0];
	[tilespmem:s8+$0x10] =	vst v18;
	v12 =	vadd.f32 v12, v8;
	s17 =	smov.u32 s12;
	s12 =	smov.u32 s14;
	s14 =	smov.u32 s15  }
0x1af: {  	s15 =	smov.u32 s13;
	s16 =	sadd.s32 $0x2, s16;
	v15 =	vadd.f32 v15, v11;
	v18 =	vld [tilespmem:s14+$0x10];
	[tilespmem:s6+$0x20] =	vst v17  }
0x1b0: {  	p1 =	slt.u32 s16, $0x7E;
	v16 =	vadd.f32 v16, v10;
	v17 =	vld [tilespmem:s12+$0x20];
	[tilespmem:s5+$0x30] =	vst v12  }
.Ltmp7:
0x1b1: {  	[tilespmem:s11+$0xFFFFFFB8] =	vst v15;
	v14 =	vadd.f32 v14, v9;
	v12 =	vld [tilespmem:s17+$0x30];
	(pc) =	sbr.rel @p1 .LBB2_15-.Ltmp7, $4  }
0x1b2: {  	v15 =	vld [tilespmem:s13+$0xFFFFFFC0];
	[tilespmem:s8+$0xFFFFFFC8] =	vst v16;
	v13 =	vadd.f32 v13, v8  }
0x1b3: {  	v19 =	vadd.f32 v19, v11;
	v16 =	vld [tilespmem:s14+$0xFFFFFFD0];
	[tilespmem:s6+$0xFFFFFFD8] =	vst v14  }
0x1b4: {  	s11 =	sadd.s32 $0x90, s11;
	v18 =	vadd.f32 v18, v10;
	v14 =	vld [tilespmem:s12+$0xFFFFFFE0];
	[tilespmem:s5+$0xFFFFFFE8] =	vst v13;
	s5 =	smov.u32 s6;
	s6 =	smov.u32 s8  }
0x1b5: {  	s13 =	sadd.s32 $0x80, s13;
	s8 =	smov.u32 s3;
	s3 =	smov.u32 s11;
	[tilespmem:s11+$0x0] =	vst v19;
	v17 =	vadd.f32 v17, v9;
	v13 =	vld [tilespmem:s17+$0xFFFFFFF0]  }
0x1b6: {  	_ = 	snop  }
0x1b7: {  	v11 =	vadd.f32 v15, v11;
	_ =	sdelay $0x1  }
0x1b8: {  	v15 =	vld [tilespmem:s15+$0x10];
	[tilespmem:s11+$0xFFFFFFB8] =	vst v11  }
0x1b9: {  	v11 =	vld [tilespmem:s15+$0xFFFFFFD0];
	_ =	sdelay $0x2  }
0x1ba: {  	v16 =	vadd.f32 v16, v10  }
0x1bb: {  	[tilespmem:s8+$0x10] =	vst v18;
	v15 =	vadd.f32 v15, v10  }
0x1bc: {  	v18 =	vld [tilespmem:s14+$0x20];
	[tilespmem:s8+$0xFFFFFFC8] =	vst v16;
	v10 =	vadd.f32 v11, v10  }
0x1bd: {  	[tilespmem:s3+$0x10] =	vst v15;
	v11 =	vld [tilespmem:s14+$0xFFFFFFE0]  }
0x1be: {  	v15 =	vld [tilespmem:s15+$0x20];
	[tilespmem:s3+$0xFFFFFFC8] =	vst v10  }
0x1bf: {  	v10 =	vld [tilespmem:s15+$0xFFFFFFE0]  }
0x1c0: {  	v14 =	vadd.f32 v14, v9  }
0x1c1: {  	[tilespmem:s6+$0x20] =	vst v17;
	v16 =	vadd.f32 v18, v9  }
0x1c2: {  	v17 =	vld [tilespmem:s12+$0x30];
	[tilespmem:s6+$0xFFFFFFD8] =	vst v14;
	v11 =	vadd.f32 v11, v9  }
0x1c3: {  	v14 =	vld [tilespmem:s12+$0xFFFFFFF0];
	[tilespmem:s8+$0x20] =	vst v16;
	v15 =	vadd.f32 v15, v9  }
0x1c4: {  	v16 =	vld [tilespmem:s14+$0x30];
	[tilespmem:s8+$0xFFFFFFD8] =	vst v11;
	v9 =	vadd.f32 v10, v9  }
0x1c5: {  	[tilespmem:s3+$0x20] =	vst v15;
	v10 =	vadd.f32 v12, v8;
	v11 =	vld [tilespmem:s14+$0xFFFFFFF0]  }
0x1c6: {  	v12 =	vadd.f32 v13, v8;
	v13 =	vld [tilespmem:s15+$0x30];
	[tilespmem:s3+$0xFFFFFFD8] =	vst v9  }
0x1c7: {  	s12 =	simm.s32 $0x0;
	[tilespmem:s5+$0x30] =	vst v10;
	v9 =	vadd.f32 v17, v8;
	v10 =	vld [tilespmem:s15+$0xFFFFFFF0]  }
0x1c8: {  	v14 =	vadd.f32 v14, v8;
	[tilespmem:s5+$0xFFFFFFE8] =	vst v12;
	v12 =	vmov s12  }
0x1c9: {  	v12 =	vand.u32 $0x3E, v12;
	[tilespmem:s6+$0x30] =	vst v9;
	v9 =	vadd.f32 v16, v8  }
0x1ca: {  	s13 =	simm.s32 $0x1;
	[tilespmem:s6+$0xFFFFFFE8] =	vst v14;
	v14 =	vadd.s32 v0, v12;
	v11 =	vadd.f32 v11, v8  }
0x1cb: {  	[tilespmem:s8+$0x30] =	vst v9;
	v9 =	vadd.f32 v13, v8;
	v13 =	vmov s13  }
0x1cc: {  	[tilespmem:s8+$0xFFFFFFE8] =	vst v11;
	v11 =	vand.u32 $0x3F, v13;
	v8 =	vadd.f32 v10, v8  }
0x1cd: {  	[tilespmem:s3+$0x30] =	vst v9;
	v9 =	vadd.s32 v0, v11  }
0x1ce: {  	[tilespmem:s3+$0xFFFFFFE8] =	vst v8  }
0x1cf: {  	v10 =	vld.idx.msk [tilespmem:v14+s19+$0x0], $0xffff  }
0x1d0: {  	v13 =	vadd.s32 v1, v12  }
0x1d1: {  	s14 =	simm.s32 $0x2  }
0x1d2: {  	v8 =	vmov s14;
	v9 =	vld.idx.msk [tilespmem:v9+s19+$0x0], $0xffff  }
0x1d3: {  	s14 =	simm.s32 $0x13A40;
	v8 =	vand.u32 $0x3E, v8;
	v14 =	vadd.s32 v1, v11  }
0x1d4: {  	s16 =	simm.s32 $0x0;
	s15 =	simm.s32 $0x80;
	[tilespmem:s14+$0xFFFFFFC0] =	vst v10;
	v10 =	vadd.s32 v0, v8  }
0x1d5: {  	s5 =	sand.u32 $0x1C00, s16;
	s3 =	sand.u32 $0x380, s15;
	v13 =	vld.idx.msk [tilespmem:v13+s19+$0x0], $0xffff  }
0x1d6: {  	v15 =	vadd.s32 v2, v12;
	s3 =	sor.u32 s3, s5  }
0x1d7: {  	[tilespmem:s3+$0x13A00] =	vst v9  }
0x1d8: {  	s17 =	simm.s32 $0x3;
	v14 =	vld.idx.msk [tilespmem:v14+s19+$0x0], $0xffff  }
0x1d9: {  	v17 =	vadd.s32 v2, v11;
	v9 =	vmov s17;
	v16 =	vld.idx.msk [tilespmem:v10+s19+$0x0], $0xffff  }
0x1da: {  	v9 =	vand.u32 $0x3F, v9;
	[tilespmem:s14+$0xFFFFFFD0] =	vst v13;
	v13 =	vadd.s32 v1, v8  }
0x1db: {  	s30 =	simm.s32 $0x4;
	v18 =	vadd.s32 v0, v9;
	v15 =	vld.idx.msk [tilespmem:v15+s19+$0x0], $0xffff  }
0x1dc: {  	v19 =	vadd.s32 v3, v12;
	s15 =	sadd.s32 $0x13A00, s3;
	v10 =	vmov s30  }
0x1dd: {  	s12 =	simm.s32 $0x13B40;
	v10 =	vand.u32 $0x3E, v10;
	[tilespmem:s15+$0x10] =	vst v14  }
0x1de: {  	v14 =	vadd.s32 v0, v10;
	[tilespmem:s12+$0xFFFFFFC0] =	vst v16;
	v16 =	vld.idx.msk [tilespmem:v17+s19+$0x0], $0xffff  }
0x1df: {  	v17 =	vadd.s32 v3, v11;
	v13 =	vld.idx.msk [tilespmem:v13+s19+$0x0], $0xffff  }
0x1e0: {  	v18 =	vld.idx.msk [tilespmem:v18+s19+$0x0], $0xffff;
	[tilespmem:s14+$0xFFFFFFE0] =	vst v15;
	v15 =	vadd.s32 v2, v8  }
0x1e1: {  	v20 =	vadd.s32 v1, v9;
	v19 =	vld.idx.msk [tilespmem:v19+s19+$0x0], $0xffff  }
0x1e2: {  	v21 =	vadd.s32 v4, v12;
	s6 =	simm.s32 $0x180;
	s8 =	simm.s32 $0x100  }
0x1e3: {  	s5 =	sand.u32 $0x1C00, s8;
	s3 =	sand.u32 $0x380, s6;
	v14 =	vld.idx.msk [tilespmem:v14+s19+$0x0], $0xffff;
	[tilespmem:s15+$0x20] =	vst v16  }
0x1e4: {  	s3 =	sor.u32 s3, s5;
	[tilespmem:s12+$0xFFFFFFD0] =	vst v13;
	v13 =	vadd.s32 v1, v10;
	v16 =	vld.idx.msk [tilespmem:v17+s19+$0x0], $0xffff  }
0x1e5: {  	[tilespmem:s3+$0x13A00] =	vst v18;
	v15 =	vld.idx.msk [tilespmem:v15+s19+$0x0], $0xffff  }
0x1e6: {  	s11 =	simm.s32 $0x5;
	v17 =	vadd.s32 v4, v11;
	[tilespmem:s14+$0xFFFFFFF0] =	vst v19;
	v19 =	vld.idx.msk [tilespmem:v20+s19+$0x0], $0xffff  }
0x1e7: {  	s16 =	simm.s32 $0x13C40;
	v18 =	vadd.s32 v3, v8;
	v20 =	vld.idx.msk [tilespmem:v21+s19+$0x0], $0xffff;
	v21 =	vmov s11  }
0x1e8: {  	v22 =	vadd.s32 v2, v9;
	[tilespmem:s16+$0xFFFFFFC0] =	vst v14;
	v14 =	vand.u32 $0x3F, v21  }
0x1e9: {  	s13 =	simm.s32 $0x6;
	v24 =	vld.idx.msk [tilespmem:v13+s19+$0x0], $0xffff;
	v25 =	vadd.s32 v0, v14  }
0x1ea: {  	v23 =	vadd.s32 v5, v12;
	v21 =	vmov s13;
	[tilespmem:s15+$0x30] =	vst v16  }
0x1eb: {  	s5 =	sadd.s32 $0x13A00, s3;
	v13 =	vand.u32 $0x3E, v21;
	[tilespmem:s12+$0xFFFFFFE0] =	vst v15;
	v15 =	vld.idx.msk [tilespmem:v17+s19+$0x0], $0xffff  }
0x1ec: {  	v16 =	vadd.s32 v0, v13;
	v17 =	vld.idx.msk [tilespmem:v18+s19+$0x0], $0xffff;
	[tilespmem:s5+$0x10] =	vst v19  }
0x1ed: {  	v18 =	vadd.s32 v5, v11;
	[tilespmem:s14+$0x0] =	vst v20;
	v19 =	vld.idx.msk [tilespmem:v22+s19+$0x0], $0xffff  }
0x1ee: {  	[tilespmem:s16+$0xFFFFFFD0] =	vst v24;
	v24 =	vld.idx.msk [tilespmem:v25+s19+$0x0], $0xffff;
	v25 =	vadd.s32 v4, v8  }
0x1ef: {  	v21 =	vadd.s32 v2, v10;
	v22 =	vld.idx.msk [tilespmem:v23+s19+$0x0], $0xffff  }
0x1f0: {  	v23 =	vadd.s32 v3, v9  }
0x1f1: {  	v27 =	vadd.s32 v6, v12;
	v16 =	vld.idx.msk [tilespmem:v16+s19+$0x0], $0xffff;
	[tilespmem:s15+$0x40] =	vst v15  }
0x1f2: {  	v26 =	vadd.s32 v1, v14;
	[tilespmem:s12+$0xFFFFFFF0] =	vst v17;
	v20 =	vld.idx.msk [tilespmem:v18+s19+$0x0], $0xffff  }
0x1f3: {  	s8 =	simm.s32 $0x280;
	s17 =	simm.s32 $0x200;
	[tilespmem:s5+$0x20] =	vst v19;
	v17 =	vld.idx.msk [tilespmem:v25+s19+$0x0], $0xffff;
	v25 =	vadd.s32 v1, v13  }
0x1f4: {  	s30 =	sand.u32 $0x380, s8;
	s3 =	sand.u32 $0x1C00, s17;
	v21 =	vld.idx.msk [tilespmem:v21+s19+$0x0], $0xffff;
	[tilespmem:s14+$0x10] =	vst v22;
	v22 =	vadd.s32 v6, v11  }
0x1f5: {  	s11 =	sor.u32 s30, s3;
	v18 =	vadd.s32 v3, v10;
	v15 =	vld.idx.msk [tilespmem:v23+s19+$0x0], $0xffff  }
0x1f6: {  	s6 =	simm.s32 $0x13D40;
	v19 =	vadd.s32 v4, v9;
	[tilespmem:s11+$0x13A00] =	vst v24;
	v23 =	vld.idx.msk [tilespmem:v27+s19+$0x0], $0xffff  }
0x1f7: {  	s3 =	simm.s32 $0x8;
	s13 =	simm.s32 $0x7;
	v24 =	vld.idx.msk [tilespmem:v26+s19+$0x0], $0xffff;
	[tilespmem:s6+$0xFFFFFFC0] =	vst v16;
	v16 =	vadd.s32 v5, v8  }
.LBB2_17:
0x1f8: {  	p1 =	slt.u32 s3, $0x3E;
	v25 =	vld.idx.msk [tilespmem:v25+s19+$0x0], $0xffff;
	v26 =	vmov s13;
	v27 =	vadd.s32 v2, v14;
	[tilespmem:s15+$0x50] =	vst v20  }
0x1f9: {  	v20 =	vand.u32 $0x3F, v26;
	[tilespmem:s16+$0xFFFFFFE0] =	vst v21;
	v21 =	vadd.s32 v7, v12;
	v22 =	vld.idx.msk [tilespmem:v22+s19+$0x0], $0xffff;
	v12 =	vmovc v8;
	v8 =	vmov v10  }
0x1fa: {  	v26 =	vmov s3;
	v10 =	vmov v13;
	v28 =	vadd.s32 v0, v20;
	v18 =	vld.idx.msk [tilespmem:v18+s19+$0x0], $0xffff;
	[tilespmem:s5+$0x30] =	vst v15  }
0x1fb: {  	s13 =	sadd.s32 $0x13A00, s11;
	v13 =	vand.u32 $0x3E, v26;
	[tilespmem:s12+$0x0] =	vst v17;
	v15 =	vld.idx.msk [tilespmem:v19+s19+$0x0], $0xffff;
	v17 =	vadd.s32 v7, v11;
	v11 =	vmovc v9;
	v9 =	vmov v14  }
0x1fc: {  	v19 =	vadd.s32 v0, v13;
	v14 =	vmov v20;
	[tilespmem:s13+$0x10] =	vst v24;
	v16 =	vld.idx.msk [tilespmem:v16+s19+$0x0], $0xffff  }
0x1fd: {  	v20 =	vadd.s32 v5, v11;
	v24 =	vld.idx.msk [tilespmem:v27+s19+$0x0], $0xffff;
	[tilespmem:s14+$0x20] =	vst v23  }
0x1fe: {  	v23 =	vadd.s32 v2, v10;
	[tilespmem:s6+$0xFFFFFFD0] =	vst v25;
	v26 =	vld.idx.msk [tilespmem:v21+s19+$0x0], $0xffff  }
0x1ff: {  	v27 =	vld.idx.msk [tilespmem:v28+s19+$0x0], $0xffff;
	v28 =	vadd.s32 v3, v9;
	[tilespmem:s15+$0x60] =	vst v22  }
0x200: {  	v29 =	vadd.s32 v4, v8;
	[tilespmem:s16+$0xFFFFFFF0] =	vst v18;
	v30 =	vld.idx.msk [tilespmem:v17+s19+$0x0], $0xffff  }
0x201: {  	s8 =	sadd.s32 $0x100, s8;
	v31 =	vld.idx.msk [tilespmem:v19+s19+$0x0], $0xffff;
	v19 =	vadd.s32 v1, v14;
	[tilespmem:s5+$0x40] =	vst v15  }
0x202: {  	s11 =	sadd.s32 $0xFFFFFF80, s8;
	v32 =	vadd.s32 v6, v12;
	[tilespmem:s12+$0x10] =	vst v16;
	v20 =	vld.idx.msk [tilespmem:v20+s19+$0x0], $0xffff  }
.Ltmp8:
0x203: {  	s17 =	sand.u32 $0x380, s8;
	s11 =	sand.u32 $0x1C00, s11;
	v25 =	vadd.s32 v1, v13;
	v21 =	vld.idx.msk [tilespmem:v23+s19+$0x0], $0xffff;
	[tilespmem:s13+$0x20] =	vst v24;
	(pc) =	sbr.rel @p1 .LBB2_17-.Ltmp8, $4  }
0x204: {  	s11 =	sor.u32 s17, s11;
	v22 =	vadd.s32 v6, v11;
	v15 =	vld.idx.msk [tilespmem:v28+s19+$0x0], $0xffff;
	[tilespmem:s14+$0x30] =	vst v26;
	s14 =	smov.u32 s12;
	s12 =	smov.u32 s16  }
0x205: {  	v18 =	vadd.s32 v3, v10;
	s16 =	smov.u32 s6;
	[tilespmem:s11+$0x13A00] =	vst v27;
	v17 =	vld.idx.msk [tilespmem:v29+s19+$0x0], $0xffff  }
0x206: {  	s6 =	sadd.s32 $0x100, s6;
	v24 =	vld.idx.msk [tilespmem:v19+s19+$0x0], $0xffff;
	v19 =	vadd.s32 v4, v9;
	[tilespmem:s15+$0x70] =	vst v30;
	s15 =	smov.u32 s5;
	s5 =	smov.u32 s13  }
0x207: {  	v16 =	vadd.s32 v5, v8;
	s13 =	sadd.s32 $0x1, s3;
	s3 =	sadd.s32 $0x2, s3;
	[tilespmem:s6+$0xFFFFFFC0] =	vst v31;
	v23 =	vld.idx.msk [tilespmem:v32+s19+$0x0], $0xffff  }
0x208: {  	v26 =	vmov s13  }
0x209: {  	v26 =	vand.u32 $0x3F, v26  }
0x20a: {  	v27 =	vadd.s32 v0, v26;
	_ =	sdelay $0x4  }
0x20b: {  	v27 =	vld.idx.msk [tilespmem:v27+s19+$0x0], $0xffff  }
0x20c: {  	s3 =	sadd.s32 $0x100, s8;
	v28 =	vadd.s32 v1, v26  }
0x20d: {  	s8 =	sadd.s32 $0xFFFFFF80, s3  }
0x20e: {  	s3 =	sand.u32 $0x380, s3;
	s8 =	sand.u32 $0x1C00, s8  }
0x20f: {  	s3 =	sor.u32 s3, s8  }
0x210: {  	v25 =	vld.idx.msk [tilespmem:v25+s19+$0x0], $0xffff;
	v29 =	vadd.s32 v2, v14;
	[tilespmem:s3+$0x13A00] =	vst v27  }
0x211: {  	v54 =	vadd.s32 v2, v13;
	v28 =	vld.idx.msk [tilespmem:v28+s19+$0x0], $0xffff  }
0x212: {  	[tilespmem:s15+$0x50] =	vst v20;
	v20 =	vadd.s32 v2, v26  }
0x213: {  	[tilespmem:s16+$0xFFFFFFE0] =	vst v21;
	s13 =	sadd.s32 $0x13A00, s11  }
0x214: {  	[tilespmem:s13+$0x10] =	vst v24  }
0x215: {  	v55 =	vld.idx.msk [tilespmem:v29+s19+$0x0], $0xffff;
	[tilespmem:s6+$0xFFFFFFD0] =	vst v25;
	s3 =	sadd.s32 $0x13A00, s3  }
0x216: {  	v56 =	vadd.s32 v3, v14;
	v25 =	vld.idx.msk [tilespmem:v54+s19+$0x0], $0xffff;
	[tilespmem:s3+$0x10] =	vst v28  }
0x217: {  	[tilespmem:s5+$0x30] =	vst v15;
	v15 =	vadd.s32 v3, v13;
	v20 =	vld.idx.msk [tilespmem:v20+s19+$0x0], $0xffff  }
0x218: {  	v22 =	vld.idx.msk [tilespmem:v22+s19+$0x0], $0xffff;
	[tilespmem:s12+$0x0] =	vst v17;
	v17 =	vadd.s32 v3, v26  }
0x219: {  	v18 =	vld.idx.msk [tilespmem:v18+s19+$0x0], $0xffff;
	[tilespmem:s14+$0x20] =	vst v23  }
0x21a: {  	v12 =	vadd.s32 v7, v12;
	v19 =	vld.idx.msk [tilespmem:v19+s19+$0x0], $0xffff;
	[tilespmem:s13+$0x20] =	vst v55  }
0x21b: {  	v57 =	vadd.s32 v4, v10;
	v58 =	vld.idx.msk [tilespmem:v56+s19+$0x0], $0xffff;
	[tilespmem:s6+$0xFFFFFFE0] =	vst v25  }
0x21c: {  	v59 =	vadd.s32 v4, v14;
	v15 =	vld.idx.msk [tilespmem:v15+s19+$0x0], $0xffff;
	[tilespmem:s3+$0x20] =	vst v20  }
0x21d: {  	[tilespmem:s15+$0x60] =	vst v22;
	v20 =	vadd.s32 v4, v13;
	v17 =	vld.idx.msk [tilespmem:v17+s19+$0x0], $0xffff  }
0x21e: {  	v16 =	vld.idx.msk [tilespmem:v16+s19+$0x0], $0xffff;
	[tilespmem:s16+$0xFFFFFFF0] =	vst v18;
	v18 =	vadd.s32 v4, v26  }
0x21f: {  	v11 =	vadd.s32 v7, v11;
	v12 =	vld.idx.msk [tilespmem:v12+s19+$0x0], $0xffff;
	[tilespmem:s5+$0x40] =	vst v19  }
0x220: {  	v19 =	vadd.s32 v5, v9;
	v21 =	vld.idx.msk [tilespmem:v57+s19+$0x0], $0xffff;
	[tilespmem:s13+$0x30] =	vst v58  }
0x221: {  	v60 =	vadd.s32 v5, v10;
	v23 =	vld.idx.msk [tilespmem:v59+s19+$0x0], $0xffff;
	[tilespmem:s6+$0xFFFFFFF0] =	vst v15  }
0x222: {  	v15 =	vadd.s32 v5, v14;
	v20 =	vld.idx.msk [tilespmem:v20+s19+$0x0], $0xffff;
	[tilespmem:s3+$0x30] =	vst v17  }
0x223: {  	[tilespmem:s12+$0x10] =	vst v16;
	v16 =	vadd.s32 v5, v13;
	v17 =	vld.idx.msk [tilespmem:v18+s19+$0x0], $0xffff  }
0x224: {  	v11 =	vld.idx.msk [tilespmem:v11+s19+$0x0], $0xffff;
	[tilespmem:s14+$0x30] =	vst v12;
	v12 =	vadd.s32 v5, v26  }
0x225: {  	v19 =	vld.idx.msk [tilespmem:v19+s19+$0x0], $0xffff;
	[tilespmem:s16+$0x0] =	vst v21;
	v18 =	vadd.s32 v6, v8  }
0x226: {  	v61 =	vadd.s32 v6, v9;
	v22 =	vld.idx.msk [tilespmem:v60+s19+$0x0], $0xffff;
	[tilespmem:s13+$0x40] =	vst v23  }
0x227: {  	v62 =	vadd.s32 v6, v10;
	v15 =	vld.idx.msk [tilespmem:v15+s19+$0x0], $0xffff;
	[tilespmem:s6+$0x0] =	vst v20  }
0x228: {  	v20 =	vadd.s32 v6, v14;
	v16 =	vld.idx.msk [tilespmem:v16+s19+$0x0], $0xffff;
	[tilespmem:s3+$0x40] =	vst v17  }
0x229: {  	[tilespmem:s15+$0x70] =	vst v11;
	v11 =	vadd.s32 v6, v13;
	v12 =	vld.idx.msk [tilespmem:v12+s19+$0x0], $0xffff  }
0x22a: {  	[tilespmem:s5+$0x50] =	vst v19;
	v17 =	vld.idx.msk [tilespmem:v18+s19+$0x0], $0xffff;
	v18 =	vadd.s32 v6, v26  }
0x22b: {  	v19 =	vld.idx.msk [tilespmem:v61+s19+$0x0], $0xffff;
	[tilespmem:s16+$0x10] =	vst v22;
	v8 =	vadd.s32 v7, v8  }
0x22c: {  	v9 =	vadd.s32 v7, v9;
	v63 =	vld.idx.msk [tilespmem:v62+s19+$0x0], $0xffff;
	[tilespmem:s13+$0x50] =	vst v15  }
0x22d: {  	v10 =	vadd.s32 v7, v10;
	v15 =	vld.idx.msk [tilespmem:v20+s19+$0x0], $0xffff;
	[tilespmem:s6+$0x10] =	vst v16  }
0x22e: {  	v14 =	vadd.s32 v7, v14;
	v11 =	vld.idx.msk [tilespmem:v11+s19+$0x0], $0xffff;
	[tilespmem:s3+$0x50] =	vst v12  }
0x22f: {  	[tilespmem:s12+$0x20] =	vst v17;
	v12 =	vadd.s32 v7, v13;
	v13 =	vld.idx.msk [tilespmem:v18+s19+$0x0], $0xffff  }
0x230: {  	[tilespmem:s5+$0x60] =	vst v19;
	v16 =	vadd.s32 v7, v26;
	v8 =	vld.idx.msk [tilespmem:v8+s19+$0x0], $0xffff  }
0x231: {  	v9 =	vld.idx.msk [tilespmem:v9+s19+$0x0], $0xffff;
	[tilespmem:s16+$0x20] =	vst v63  }
0x232: {  	v10 =	vld.idx.msk [tilespmem:v10+s19+$0x0], $0xffff;
	[tilespmem:s13+$0x60] =	vst v15  }
0x233: {  	v14 =	vld.idx.msk [tilespmem:v14+s19+$0x0], $0xffff;
	[tilespmem:s6+$0x20] =	vst v11  }
0x234: {  	v11 =	vld.idx.msk [tilespmem:v12+s19+$0x0], $0xffff;
	[tilespmem:s3+$0x60] =	vst v13  }
0x235: {  	[tilespmem:s12+$0x30] =	vst v8;
	v8 =	vld.idx.msk [tilespmem:v16+s19+$0x0], $0xffff  }
0x236: {  	[tilespmem:s5+$0x70] =	vst v9  }
0x237: {  	s0 =	sshll.u32 s0, $0x12;
	[tilespmem:s16+$0x30] =	vst v10  }
0x238: {  	s0 =	sor.u32 s7, s0;
	[tilespmem:s13+$0x70] =	vst v14  }
0x239: {  	s0 =	sshrl.u32 s0, $0x3;
	[tilespmem:s6+$0x30] =	vst v11  }
0x23a: {  	s0 =	sadd.s32 s2, s0;
	[tilespmem:s3+$0x70] =	vst v8  }
0x23b: {  	[hbm4b:s0+s20] =	stream.strided.scatter [tilespmem:s22], [sflag:$0x5], $0x2000, s21, s20, $0x38;
	[tilespmem:$0x17A00] =	vst v63  }
0x23c: {  	s5 =	simm.s32 @!p0 $0xFA00;
	s3 =	simm.s32 @!p0 $0x80;
	s0 =	sadd.s32 @!p0 $0x300, s10  }
0x23d: {  	[tilespmem:s5], [sflag:$0x3] =	stream.indirect.gather @!p0 [hbm4b:s4+s3], $0x40, s0, s3, $0xb8;
	[tilespmem:$0x17A00] =	vst v63  }
0x23e: {  	_ =	swait.ge [sflag:s29], $0x2000  }
0x23f: {  	[sflag:s29] =	ssyncset.done $0x0  }
0x240: {  	[sflag:s29] =	ssyncadd.s32 $0xFFFFE000  }
0x241: {  	_ =	swait.ge [sflag:s24], $0x2000  }
0x242: {  	s17 =	sshll.u32 s1, $0x6;
	[sflag:s24] =	ssyncset.done $0x0  }
0x243: {  	s0 =	sand.u32 $0x3FFFFFC0, s17;
	[sflag:s24] =	ssyncadd.s32 $0xFFFFE000  }
0x244: {  	s30 =	simm.s32 $0x11A40;
	v11 =	vld [tilespmem:s0+$0x6400]  }
0x245: {  	v8 =	vld [tilespmem:s30+$0x0];
	_ =	sdelay $0x2  }
0x246: {  	v10 =	vld [tilespmem:s0+$0x6410]  }
0x247: {  	v12 =	vld [tilespmem:s30+$0xFFFFFFC0]  }
0x248: {  	v9 =	vld [tilespmem:s0+$0x6420];
	v13 =	vadd.f32 v8, v11  }
0x249: {  	s6 =	simm.s32 $0x11AC0;
	v8 =	vld [tilespmem:s0+$0x6430];
	s0 =	simm.s32 $0x9648  }
0x24a: {  	[tilespmem:s0+$0x0] =	vst v13;
	v13 =	vld [tilespmem:s6+$0x0]  }
0x24b: {  	v14 =	vld [tilespmem:s30+$0x10]  }
0x24c: {  	v12 =	vadd.f32 v12, v11;
	_ =	sdelay $0x1  }
0x24d: {  	[tilespmem:s0+$0xFFFFFFB8] =	vst v12;
	v12 =	vld [tilespmem:s6+$0xFFFFFFC0]  }
0x24e: {  	v15 =	vld [tilespmem:s30+$0xFFFFFFD0];
	v13 =	vadd.f32 v13, v11  }
0x24f: {  	s10 =	simm.s32 $0x11B40;
	s5 =	simm.s32 $0x96D8;
	v14 =	vadd.f32 v14, v10  }
0x250: {  	[tilespmem:s5+$0x0] =	vst v13;
	v13 =	vld [tilespmem:s10+$0x0]  }
0x251: {  	[tilespmem:s0+$0x10] =	vst v14;
	v14 =	vld [tilespmem:s6+$0x10]  }
0x252: {  	v12 =	vadd.f32 v12, v11;
	v16 =	vld [tilespmem:s30+$0x20]  }
0x253: {  	v15 =	vadd.f32 v15, v10  }
0x254: {  	[tilespmem:s5+$0xFFFFFFB8] =	vst v12;
	v12 =	vld [tilespmem:s10+$0xFFFFFFC0]  }
0x255: {  	[tilespmem:s0+$0xFFFFFFC8] =	vst v15;
	v15 =	vld [tilespmem:s6+$0xFFFFFFD0];
	v13 =	vadd.f32 v13, v11  }
0x256: {  	s8 =	simm.s32 $0x9768;
	s12 =	simm.s32 $0x11BC0;
	v17 =	vld [tilespmem:s30+$0xFFFFFFE0];
	v14 =	vadd.f32 v14, v10  }
0x257: {  	[tilespmem:s8+$0x0] =	vst v13;
	v13 =	vadd.f32 v16, v9;
	v16 =	vld [tilespmem:s12+$0x0]  }
0x258: {  	[tilespmem:s5+$0x10] =	vst v14;
	v18 =	vld [tilespmem:s10+$0x10]  }
0x259: {  	v14 =	vadd.f32 v12, v11;
	[tilespmem:s0+$0x20] =	vst v13;
	v13 =	vld [tilespmem:s6+$0x20]  }
0x25a: {  	v19 =	vadd.f32 v15, v10;
	v12 =	vld [tilespmem:s30+$0x30]  }
0x25b: {  	v15 =	vld [tilespmem:s12+$0xFFFFFFC0];
	[tilespmem:s8+$0xFFFFFFB8] =	vst v14;
	v14 =	vadd.f32 v17, v9  }
0x25c: {  	[tilespmem:s5+$0xFFFFFFC8] =	vst v19;
	v17 =	vadd.f32 v16, v11;
	v16 =	vld [tilespmem:s10+$0xFFFFFFD0]  }
0x25d: {  	s11 =	simm.s32 $0x97F8;
	[tilespmem:s0+$0xFFFFFFD8] =	vst v14;
	v14 =	vld [tilespmem:s6+$0xFFFFFFE0];
	v18 =	vadd.f32 v18, v10  }
0x25e: {  	s14 =	simm.s32 $0x6;
	s13 =	simm.s32 $0x11C40;
	s3 =	simm.s32 $0x97F8;
	[tilespmem:s11+$0x0] =	vst v17;
	v17 =	vadd.f32 v13, v9;
	v13 =	vld [tilespmem:s30+$0xFFFFFFF0]  }
.LBB2_19:
0x25f: {  	v19 =	vld [tilespmem:s13+$0x0];
	[tilespmem:s8+$0x10] =	vst v18;
	v12 =	vadd.f32 v12, v8;
	s15 =	smov.u32 s6;
	s6 =	smov.u32 s10;
	s10 =	smov.u32 s12  }
0x260: {  	s12 =	smov.u32 s13;
	s14 =	sadd.s32 $0x2, s14;
	v15 =	vadd.f32 v15, v11;
	v18 =	vld [tilespmem:s10+$0x10];
	[tilespmem:s5+$0x20] =	vst v17  }
0x261: {  	p0 =	slt.u32 s14, $0x7E;
	v16 =	vadd.f32 v16, v10;
	v17 =	vld [tilespmem:s6+$0x20];
	[tilespmem:s0+$0x30] =	vst v12  }
.Ltmp9:
0x262: {  	[tilespmem:s11+$0xFFFFFFB8] =	vst v15;
	v14 =	vadd.f32 v14, v9;
	v12 =	vld [tilespmem:s15+$0x30];
	(pc) =	sbr.rel @p0 .LBB2_19-.Ltmp9, $4  }
0x263: {  	v15 =	vld [tilespmem:s13+$0xFFFFFFC0];
	[tilespmem:s8+$0xFFFFFFC8] =	vst v16;
	v13 =	vadd.f32 v13, v8  }
0x264: {  	v19 =	vadd.f32 v19, v11;
	v16 =	vld [tilespmem:s10+$0xFFFFFFD0];
	[tilespmem:s5+$0xFFFFFFD8] =	vst v14  }
0x265: {  	s11 =	sadd.s32 $0x90, s11;
	v18 =	vadd.f32 v18, v10;
	v14 =	vld [tilespmem:s6+$0xFFFFFFE0];
	[tilespmem:s0+$0xFFFFFFE8] =	vst v13;
	s0 =	smov.u32 s5;
	s5 =	smov.u32 s8  }
0x266: {  	s13 =	sadd.s32 $0x80, s13;
	s8 =	smov.u32 s3;
	s3 =	smov.u32 s11;
	[tilespmem:s11+$0x0] =	vst v19;
	v17 =	vadd.f32 v17, v9;
	v13 =	vld [tilespmem:s15+$0xFFFFFFF0]  }
0x267: {  	_ = 	snop  }
0x268: {  	v11 =	vadd.f32 v15, v11;
	_ =	sdelay $0x1  }
0x269: {  	v15 =	vld [tilespmem:s12+$0x10];
	[tilespmem:s11+$0xFFFFFFB8] =	vst v11  }
0x26a: {  	v11 =	vld [tilespmem:s12+$0xFFFFFFD0];
	_ =	sdelay $0x2  }
0x26b: {  	v16 =	vadd.f32 v16, v10  }
0x26c: {  	[tilespmem:s8+$0x10] =	vst v18;
	v15 =	vadd.f32 v15, v10  }
0x26d: {  	v18 =	vld [tilespmem:s10+$0x20];
	[tilespmem:s8+$0xFFFFFFC8] =	vst v16;
	v10 =	vadd.f32 v11, v10  }
0x26e: {  	[tilespmem:s3+$0x10] =	vst v15;
	v11 =	vld [tilespmem:s10+$0xFFFFFFE0]  }
0x26f: {  	v15 =	vld [tilespmem:s12+$0x20];
	[tilespmem:s3+$0xFFFFFFC8] =	vst v10  }
0x270: {  	v10 =	vld [tilespmem:s12+$0xFFFFFFE0]  }
0x271: {  	v14 =	vadd.f32 v14, v9  }
0x272: {  	[tilespmem:s5+$0x20] =	vst v17;
	v16 =	vadd.f32 v18, v9  }
0x273: {  	v17 =	vld [tilespmem:s6+$0x30];
	[tilespmem:s5+$0xFFFFFFD8] =	vst v14;
	v11 =	vadd.f32 v11, v9  }
0x274: {  	v14 =	vld [tilespmem:s6+$0xFFFFFFF0];
	[tilespmem:s8+$0x20] =	vst v16;
	v15 =	vadd.f32 v15, v9  }
0x275: {  	v16 =	vld [tilespmem:s10+$0x30];
	[tilespmem:s8+$0xFFFFFFD8] =	vst v11;
	v9 =	vadd.f32 v10, v9  }
0x276: {  	[tilespmem:s3+$0x20] =	vst v15;
	v10 =	vadd.f32 v12, v8;
	v11 =	vld [tilespmem:s10+$0xFFFFFFF0]  }
0x277: {  	v12 =	vadd.f32 v13, v8;
	v13 =	vld [tilespmem:s12+$0x30];
	[tilespmem:s3+$0xFFFFFFD8] =	vst v9  }
0x278: {  	s17 =	simm.s32 $0x0;
	[tilespmem:s0+$0x30] =	vst v10;
	v9 =	vadd.f32 v17, v8;
	v10 =	vld [tilespmem:s12+$0xFFFFFFF0]  }
0x279: {  	v14 =	vadd.f32 v14, v8;
	[tilespmem:s0+$0xFFFFFFE8] =	vst v12;
	v12 =	vmov s17  }
0x27a: {  	v12 =	vand.u32 $0x3E, v12;
	[tilespmem:s5+$0x30] =	vst v9;
	v9 =	vadd.f32 v16, v8  }
0x27b: {  	s30 =	simm.s32 $0x1;
	[tilespmem:s5+$0xFFFFFFE8] =	vst v14;
	v14 =	vadd.s32 v0, v12;
	v11 =	vadd.f32 v11, v8  }
0x27c: {  	[tilespmem:s8+$0x30] =	vst v9;
	v9 =	vadd.f32 v13, v8;
	v13 =	vmov s30  }
0x27d: {  	[tilespmem:s8+$0xFFFFFFE8] =	vst v11;
	v11 =	vand.u32 $0x3F, v13;
	v8 =	vadd.f32 v10, v8  }
0x27e: {  	[tilespmem:s3+$0x30] =	vst v9;
	v9 =	vadd.s32 v0, v11  }
0x27f: {  	[tilespmem:s3+$0xFFFFFFE8] =	vst v8  }
0x280: {  	v10 =	vld.idx.msk [tilespmem:v14+s19+$0x0], $0xffff  }
0x281: {  	v13 =	vadd.s32 v1, v12  }
0x282: {  	s5 =	simm.s32 $0x2  }
0x283: {  	v8 =	vmov s5;
	v9 =	vld.idx.msk [tilespmem:v9+s19+$0x0], $0xffff  }
0x284: {  	s10 =	simm.s32 $0x15A40;
	v8 =	vand.u32 $0x3E, v8;
	v14 =	vadd.s32 v1, v11  }
0x285: {  	s6 =	simm.s32 $0x80;
	s8 =	simm.s32 $0x0;
	[tilespmem:s10+$0xFFFFFFC0] =	vst v10;
	v10 =	vadd.s32 v0, v8  }
0x286: {  	s0 =	sand.u32 $0x380, s6;
	s3 =	sand.u32 $0x1C00, s8;
	v13 =	vld.idx.msk [tilespmem:v13+s19+$0x0], $0xffff  }
0x287: {  	v15 =	vadd.s32 v2, v12;
	s0 =	sor.u32 s0, s3  }
0x288: {  	[tilespmem:s0+$0x15A00] =	vst v9  }
0x289: {  	s11 =	simm.s32 $0x3;
	v14 =	vld.idx.msk [tilespmem:v14+s19+$0x0], $0xffff  }
0x28a: {  	v17 =	vadd.s32 v2, v11;
	v9 =	vmov s11;
	v16 =	vld.idx.msk [tilespmem:v10+s19+$0x0], $0xffff  }
0x28b: {  	v9 =	vand.u32 $0x3F, v9;
	[tilespmem:s10+$0xFFFFFFD0] =	vst v13;
	v13 =	vadd.s32 v1, v8  }
0x28c: {  	s12 =	simm.s32 $0x4;
	v18 =	vadd.s32 v0, v9;
	v15 =	vld.idx.msk [tilespmem:v15+s19+$0x0], $0xffff  }
0x28d: {  	v19 =	vadd.s32 v3, v12;
	v10 =	vmov s12;
	s12 =	sadd.s32 $0x15A00, s0  }
0x28e: {  	s0 =	simm.s32 $0x15B40;
	v10 =	vand.u32 $0x3E, v10;
	[tilespmem:s12+$0x10] =	vst v14  }
0x28f: {  	v14 =	vadd.s32 v0, v10;
	[tilespmem:s0+$0xFFFFFFC0] =	vst v16;
	v16 =	vld.idx.msk [tilespmem:v17+s19+$0x0], $0xffff  }
0x290: {  	v17 =	vadd.s32 v3, v11;
	v13 =	vld.idx.msk [tilespmem:v13+s19+$0x0], $0xffff  }
0x291: {  	v18 =	vld.idx.msk [tilespmem:v18+s19+$0x0], $0xffff;
	[tilespmem:s10+$0xFFFFFFE0] =	vst v15;
	v15 =	vadd.s32 v2, v8  }
0x292: {  	v20 =	vadd.s32 v1, v9;
	v19 =	vld.idx.msk [tilespmem:v19+s19+$0x0], $0xffff  }
0x293: {  	s13 =	simm.s32 $0x180;
	s14 =	simm.s32 $0x100;
	v21 =	vadd.s32 v4, v12  }
0x294: {  	s5 =	sand.u32 $0x1C00, s14;
	s3 =	sand.u32 $0x380, s13;
	v14 =	vld.idx.msk [tilespmem:v14+s19+$0x0], $0xffff;
	[tilespmem:s12+$0x20] =	vst v16  }
0x295: {  	s3 =	sor.u32 s3, s5;
	[tilespmem:s0+$0xFFFFFFD0] =	vst v13;
	v13 =	vadd.s32 v1, v10;
	v16 =	vld.idx.msk [tilespmem:v17+s19+$0x0], $0xffff  }
0x296: {  	[tilespmem:s3+$0x15A00] =	vst v18;
	v15 =	vld.idx.msk [tilespmem:v15+s19+$0x0], $0xffff  }
0x297: {  	s15 =	simm.s32 $0x5;
	v17 =	vadd.s32 v4, v11;
	[tilespmem:s10+$0xFFFFFFF0] =	vst v19;
	v19 =	vld.idx.msk [tilespmem:v20+s19+$0x0], $0xffff  }
0x298: {  	s14 =	simm.s32 $0x15C40;
	v18 =	vadd.s32 v3, v8;
	v20 =	vld.idx.msk [tilespmem:v21+s19+$0x0], $0xffff;
	v21 =	vmov s15  }
0x299: {  	v22 =	vadd.s32 v2, v9;
	[tilespmem:s14+$0xFFFFFFC0] =	vst v14;
	v14 =	vand.u32 $0x3F, v21  }
0x29a: {  	s16 =	simm.s32 $0x6;
	v24 =	vld.idx.msk [tilespmem:v13+s19+$0x0], $0xffff;
	v25 =	vadd.s32 v0, v14  }
0x29b: {  	v23 =	vadd.s32 v5, v12;
	v21 =	vmov s16;
	[tilespmem:s12+$0x30] =	vst v16  }
0x29c: {  	s5 =	sadd.s32 $0x15A00, s3;
	v13 =	vand.u32 $0x3E, v21;
	[tilespmem:s0+$0xFFFFFFE0] =	vst v15;
	v15 =	vld.idx.msk [tilespmem:v17+s19+$0x0], $0xffff  }
0x29d: {  	v16 =	vadd.s32 v0, v13;
	v17 =	vld.idx.msk [tilespmem:v18+s19+$0x0], $0xffff;
	[tilespmem:s5+$0x10] =	vst v19  }
0x29e: {  	v18 =	vadd.s32 v5, v11;
	[tilespmem:s10+$0x0] =	vst v20;
	v19 =	vld.idx.msk [tilespmem:v22+s19+$0x0], $0xffff  }
0x29f: {  	[tilespmem:s14+$0xFFFFFFD0] =	vst v24;
	v24 =	vld.idx.msk [tilespmem:v25+s19+$0x0], $0xffff;
	v25 =	vadd.s32 v4, v8  }
0x2a0: {  	v21 =	vadd.s32 v2, v10;
	v22 =	vld.idx.msk [tilespmem:v23+s19+$0x0], $0xffff  }
0x2a1: {  	v23 =	vadd.s32 v3, v9  }
0x2a2: {  	v27 =	vadd.s32 v6, v12;
	v16 =	vld.idx.msk [tilespmem:v16+s19+$0x0], $0xffff;
	[tilespmem:s12+$0x40] =	vst v15  }
0x2a3: {  	v26 =	vadd.s32 v1, v14;
	[tilespmem:s0+$0xFFFFFFF0] =	vst v17;
	v20 =	vld.idx.msk [tilespmem:v18+s19+$0x0], $0xffff  }
0x2a4: {  	s17 =	simm.s32 $0x200;
	s8 =	simm.s32 $0x280;
	[tilespmem:s5+$0x20] =	vst v19;
	v17 =	vld.idx.msk [tilespmem:v25+s19+$0x0], $0xffff;
	v25 =	vadd.s32 v1, v13  }
0x2a5: {  	s30 =	sand.u32 $0x380, s8;
	s3 =	sand.u32 $0x1C00, s17;
	v21 =	vld.idx.msk [tilespmem:v21+s19+$0x0], $0xffff;
	[tilespmem:s10+$0x10] =	vst v22;
	v22 =	vadd.s32 v6, v11  }
0x2a6: {  	s11 =	sor.u32 s30, s3;
	v18 =	vadd.s32 v3, v10;
	v15 =	vld.idx.msk [tilespmem:v23+s19+$0x0], $0xffff  }
0x2a7: {  	s6 =	simm.s32 $0x15D40;
	v19 =	vadd.s32 v4, v9;
	[tilespmem:s11+$0x15A00] =	vst v24;
	v23 =	vld.idx.msk [tilespmem:v27+s19+$0x0], $0xffff  }
0x2a8: {  	s13 =	simm.s32 $0x7;
	s3 =	simm.s32 $0x8;
	v24 =	vld.idx.msk [tilespmem:v26+s19+$0x0], $0xffff;
	[tilespmem:s6+$0xFFFFFFC0] =	vst v16;
	v16 =	vadd.s32 v5, v8  }
.LBB2_21:
0x2a9: {  	p0 =	slt.u32 s3, $0x3E;
	v25 =	vld.idx.msk [tilespmem:v25+s19+$0x0], $0xffff;
	v26 =	vmov s13;
	v27 =	vadd.s32 v2, v14;
	[tilespmem:s12+$0x50] =	vst v20  }
0x2aa: {  	v20 =	vand.u32 $0x3F, v26;
	[tilespmem:s14+$0xFFFFFFE0] =	vst v21;
	v21 =	vadd.s32 v7, v12;
	v22 =	vld.idx.msk [tilespmem:v22+s19+$0x0], $0xffff;
	v12 =	vmovc v8;
	v8 =	vmov v10  }
0x2ab: {  	v26 =	vmov s3;
	v10 =	vmov v13;
	v28 =	vadd.s32 v0, v20;
	v18 =	vld.idx.msk [tilespmem:v18+s19+$0x0], $0xffff;
	[tilespmem:s5+$0x30] =	vst v15  }
0x2ac: {  	s13 =	sadd.s32 $0x15A00, s11;
	v13 =	vand.u32 $0x3E, v26;
	[tilespmem:s0+$0x0] =	vst v17;
	v15 =	vld.idx.msk [tilespmem:v19+s19+$0x0], $0xffff;
	v17 =	vadd.s32 v7, v11;
	v11 =	vmovc v9;
	v9 =	vmov v14  }
0x2ad: {  	v19 =	vadd.s32 v0, v13;
	v14 =	vmov v20;
	[tilespmem:s13+$0x10] =	vst v24;
	v16 =	vld.idx.msk [tilespmem:v16+s19+$0x0], $0xffff  }
0x2ae: {  	v20 =	vadd.s32 v5, v11;
	v24 =	vld.idx.msk [tilespmem:v27+s19+$0x0], $0xffff;
	[tilespmem:s10+$0x20] =	vst v23  }
0x2af: {  	v23 =	vadd.s32 v2, v10;
	[tilespmem:s6+$0xFFFFFFD0] =	vst v25;
	v26 =	vld.idx.msk [tilespmem:v21+s19+$0x0], $0xffff  }
0x2b0: {  	v27 =	vld.idx.msk [tilespmem:v28+s19+$0x0], $0xffff;
	v28 =	vadd.s32 v3, v9;
	[tilespmem:s12+$0x60] =	vst v22  }
0x2b1: {  	v29 =	vadd.s32 v4, v8;
	[tilespmem:s14+$0xFFFFFFF0] =	vst v18;
	v30 =	vld.idx.msk [tilespmem:v17+s19+$0x0], $0xffff  }
0x2b2: {  	s8 =	sadd.s32 $0x100, s8;
	v31 =	vld.idx.msk [tilespmem:v19+s19+$0x0], $0xffff;
	v19 =	vadd.s32 v1, v14;
	[tilespmem:s5+$0x40] =	vst v15  }
0x2b3: {  	s11 =	sadd.s32 $0xFFFFFF80, s8;
	v32 =	vadd.s32 v6, v12;
	[tilespmem:s0+$0x10] =	vst v16;
	v20 =	vld.idx.msk [tilespmem:v20+s19+$0x0], $0xffff  }
.Ltmp10:
0x2b4: {  	s15 =	sand.u32 $0x380, s8;
	s11 =	sand.u32 $0x1C00, s11;
	v25 =	vadd.s32 v1, v13;
	v21 =	vld.idx.msk [tilespmem:v23+s19+$0x0], $0xffff;
	[tilespmem:s13+$0x20] =	vst v24;
	(pc) =	sbr.rel @p0 .LBB2_21-.Ltmp10, $4  }
0x2b5: {  	s11 =	sor.u32 s15, s11;
	v22 =	vadd.s32 v6, v11;
	v15 =	vld.idx.msk [tilespmem:v28+s19+$0x0], $0xffff;
	[tilespmem:s10+$0x30] =	vst v26;
	s10 =	smov.u32 s0;
	s0 =	smov.u32 s14  }
0x2b6: {  	v18 =	vadd.s32 v3, v10;
	s14 =	smov.u32 s6;
	[tilespmem:s11+$0x15A00] =	vst v27;
	v17 =	vld.idx.msk [tilespmem:v29+s19+$0x0], $0xffff  }
0x2b7: {  	s6 =	sadd.s32 $0x100, s6;
	v24 =	vld.idx.msk [tilespmem:v19+s19+$0x0], $0xffff;
	v19 =	vadd.s32 v4, v9;
	[tilespmem:s12+$0x70] =	vst v30;
	s12 =	smov.u32 s5;
	s5 =	smov.u32 s13  }
0x2b8: {  	v16 =	vadd.s32 v5, v8;
	s13 =	sadd.s32 $0x1, s3;
	s3 =	sadd.s32 $0x2, s3;
	[tilespmem:s6+$0xFFFFFFC0] =	vst v31;
	v23 =	vld.idx.msk [tilespmem:v32+s19+$0x0], $0xffff  }
0x2b9: {  	v26 =	vmov s13  }
0x2ba: {  	v26 =	vand.u32 $0x3F, v26  }
0x2bb: {  	v27 =	vadd.s32 v0, v26;
	_ =	sdelay $0x4  }
0x2bc: {  	v27 =	vld.idx.msk [tilespmem:v27+s19+$0x0], $0xffff  }
0x2bd: {  	s3 =	sadd.s32 $0x100, s8;
	v28 =	vadd.s32 v1, v26  }
0x2be: {  	s8 =	sadd.s32 $0xFFFFFF80, s3  }
0x2bf: {  	s3 =	sand.u32 $0x380, s3;
	s8 =	sand.u32 $0x1C00, s8  }
0x2c0: {  	s3 =	sor.u32 s3, s8  }
0x2c1: {  	v25 =	vld.idx.msk [tilespmem:v25+s19+$0x0], $0xffff;
	v29 =	vadd.s32 v2, v14;
	[tilespmem:s3+$0x15A00] =	vst v27  }
0x2c2: {  	v34 =	vadd.s32 v2, v13;
	v28 =	vld.idx.msk [tilespmem:v28+s19+$0x0], $0xffff  }
0x2c3: {  	[tilespmem:s12+$0x50] =	vst v20;
	v35 =	vadd.s32 v2, v26  }
0x2c4: {  	[tilespmem:s14+$0xFFFFFFE0] =	vst v21;
	s17 =	sadd.s32 $0x15A00, s11  }
0x2c5: {  	[tilespmem:s17+$0x10] =	vst v24  }
0x2c6: {  	v36 =	vld.idx.msk [tilespmem:v29+s19+$0x0], $0xffff;
	[tilespmem:s6+$0xFFFFFFD0] =	vst v25;
	s3 =	sadd.s32 $0x15A00, s3  }
0x2c7: {  	v37 =	vadd.s32 v3, v14;
	v25 =	vld.idx.msk [tilespmem:v34+s19+$0x0], $0xffff;
	[tilespmem:s3+$0x10] =	vst v28  }
0x2c8: {  	v38 =	vadd.s32 v3, v13;
	[tilespmem:s5+$0x30] =	vst v15;
	v20 =	vld.idx.msk [tilespmem:v35+s19+$0x0], $0xffff  }
0x2c9: {  	v22 =	vld.idx.msk [tilespmem:v22+s19+$0x0], $0xffff;
	[tilespmem:s0+$0x0] =	vst v17;
	v39 =	vadd.s32 v3, v26  }
0x2ca: {  	v18 =	vld.idx.msk [tilespmem:v18+s19+$0x0], $0xffff;
	[tilespmem:s10+$0x20] =	vst v23  }
0x2cb: {  	v12 =	vadd.s32 v7, v12;
	v19 =	vld.idx.msk [tilespmem:v19+s19+$0x0], $0xffff;
	[tilespmem:s17+$0x20] =	vst v36  }
0x2cc: {  	v40 =	vadd.s32 v4, v10;
	v41 =	vld.idx.msk [tilespmem:v37+s19+$0x0], $0xffff;
	[tilespmem:s6+$0xFFFFFFE0] =	vst v25  }
0x2cd: {  	v42 =	vadd.s32 v4, v14;
	v15 =	vld.idx.msk [tilespmem:v38+s19+$0x0], $0xffff;
	[tilespmem:s3+$0x20] =	vst v20  }
0x2ce: {  	v43 =	vadd.s32 v4, v13;
	[tilespmem:s12+$0x60] =	vst v22;
	v17 =	vld.idx.msk [tilespmem:v39+s19+$0x0], $0xffff  }
0x2cf: {  	v44 =	vadd.s32 v4, v26;
	v16 =	vld.idx.msk [tilespmem:v16+s19+$0x0], $0xffff;
	[tilespmem:s14+$0xFFFFFFF0] =	vst v18  }
0x2d0: {  	v11 =	vadd.s32 v7, v11;
	v12 =	vld.idx.msk [tilespmem:v12+s19+$0x0], $0xffff;
	[tilespmem:s5+$0x40] =	vst v19  }
0x2d1: {  	v45 =	vadd.s32 v5, v9;
	v21 =	vld.idx.msk [tilespmem:v40+s19+$0x0], $0xffff;
	[tilespmem:s17+$0x30] =	vst v41  }
0x2d2: {  	v46 =	vadd.s32 v5, v10;
	v23 =	vld.idx.msk [tilespmem:v42+s19+$0x0], $0xffff;
	[tilespmem:s6+$0xFFFFFFF0] =	vst v15  }
0x2d3: {  	v47 =	vadd.s32 v5, v14;
	v20 =	vld.idx.msk [tilespmem:v43+s19+$0x0], $0xffff;
	[tilespmem:s3+$0x30] =	vst v17  }
0x2d4: {  	v48 =	vadd.s32 v5, v13;
	[tilespmem:s0+$0x10] =	vst v16;
	v17 =	vld.idx.msk [tilespmem:v44+s19+$0x0], $0xffff  }
0x2d5: {  	v49 =	vadd.s32 v5, v26;
	v11 =	vld.idx.msk [tilespmem:v11+s19+$0x0], $0xffff;
	[tilespmem:s10+$0x30] =	vst v12  }
0x2d6: {  	v50 =	vadd.s32 v6, v8;
	v19 =	vld.idx.msk [tilespmem:v45+s19+$0x0], $0xffff;
	[tilespmem:s14+$0x0] =	vst v21  }
0x2d7: {  	v51 =	vadd.s32 v6, v9;
	v22 =	vld.idx.msk [tilespmem:v46+s19+$0x0], $0xffff;
	[tilespmem:s17+$0x40] =	vst v23  }
0x2d8: {  	v52 =	vadd.s32 v6, v10;
	v15 =	vld.idx.msk [tilespmem:v47+s19+$0x0], $0xffff;
	[tilespmem:s6+$0x0] =	vst v20  }
0x2d9: {  	v53 =	vadd.s32 v6, v14;
	v16 =	vld.idx.msk [tilespmem:v48+s19+$0x0], $0xffff;
	[tilespmem:s3+$0x40] =	vst v17  }
0x2da: {  	v54 =	vadd.s32 v6, v13;
	[tilespmem:s12+$0x70] =	vst v11;
	v12 =	vld.idx.msk [tilespmem:v49+s19+$0x0], $0xffff  }
0x2db: {  	v56 =	vadd.s32 v6, v26;
	v55 =	vld.idx.msk [tilespmem:v50+s19+$0x0], $0xffff;
	[tilespmem:s5+$0x50] =	vst v19  }
0x2dc: {  	v8 =	vadd.s32 v7, v8;
	v19 =	vld.idx.msk [tilespmem:v51+s19+$0x0], $0xffff;
	[tilespmem:s14+$0x10] =	vst v22  }
0x2dd: {  	v57 =	vadd.s32 v7, v9;
	v58 =	vld.idx.msk [tilespmem:v52+s19+$0x0], $0xffff;
	[tilespmem:s17+$0x50] =	vst v15  }
0x2de: {  	v59 =	vadd.s32 v7, v10;
	v15 =	vld.idx.msk [tilespmem:v53+s19+$0x0], $0xffff;
	[tilespmem:s6+$0x10] =	vst v16  }
0x2df: {  	v60 =	vadd.s32 v7, v14;
	v11 =	vld.idx.msk [tilespmem:v54+s19+$0x0], $0xffff;
	[tilespmem:s3+$0x50] =	vst v12  }
0x2e0: {  	v61 =	vadd.s32 v7, v13;
	[tilespmem:s0+$0x20] =	vst v55;
	v62 =	vld.idx.msk [tilespmem:v56+s19+$0x0], $0xffff  }
0x2e1: {  	v63 =	vadd.s32 v7, v26;
	v8 =	vld.idx.msk [tilespmem:v8+s19+$0x0], $0xffff;
	[tilespmem:s5+$0x60] =	vst v19  }
0x2e2: {  	v9 =	vld.idx.msk [tilespmem:v57+s19+$0x0], $0xffff;
	[tilespmem:s14+$0x20] =	vst v58  }
0x2e3: {  	v10 =	vld.idx.msk [tilespmem:v59+s19+$0x0], $0xffff;
	[tilespmem:s17+$0x60] =	vst v15  }
0x2e4: {  	v14 =	vld.idx.msk [tilespmem:v60+s19+$0x0], $0xffff;
	[tilespmem:s6+$0x20] =	vst v11  }
0x2e5: {  	v11 =	vld.idx.msk [tilespmem:v61+s19+$0x0], $0xffff;
	[tilespmem:s3+$0x60] =	vst v62  }
0x2e6: {  	s31 =	sadd.s32 $0x1, s31;
	[tilespmem:s0+$0x30] =	vst v8;
	v8 =	vld.idx.msk [tilespmem:v63+s19+$0x0], $0xffff  }
0x2e7: {  	p0 =	sne.s32 s31, $0x32;
	[tilespmem:s5+$0x70] =	vst v9  }
.Ltmp11:
0x2e8: {  	s30 =	sshll.u32 s1, $0x12;
	[tilespmem:s14+$0x30] =	vst v10;
	(pc) =	sbr.rel @p0 .LBB2_2-.Ltmp11, $4  }
0x2e9: {  	s0 =	sor.u32 s7, s30;
	[tilespmem:s17+$0x70] =	vst v14  }
0x2ea: {  	s0 =	sshrl.u32 s0, $0x3;
	[tilespmem:s6+$0x30] =	vst v11  }
0x2eb: {  	s0 =	sadd.s32 s2, s0;
	[tilespmem:s3+$0x70] =	vst v8  }
0x2ec: {  	[hbm4b:s0+s20] =	stream.strided.scatter [tilespmem:s25], [sflag:$0x6], $0x2000, s21, s20, $0x38;
	[tilespmem:$0x17A00] =	vst v63  }
0x2ed: {  	_ =	swait.ge [sflag:s28], $0x2000  }
0x2ee: {  	[sflag:s28] =	ssyncset.done $0x0  }
0x2ef: {  	[sflag:s28] =	ssyncadd.s32 $0xFFFFE000  }
0x2f0: {  	_ =	swait.ge [sflag:s24], $0x2000  }
0x2f1: {  	s1 =	rddreg [dreg:$0x6]  }
0x2f2: {  	s0 =	rddreg [dreg:$0x5];
	s1 =	sadd.s32 $0x1, s1  }
0x2f3: {  	p0 =	sne.s32 s1, s0  }
.Ltmp12:
0x2f4: {  	_ = 	snop;
	(pc) =	sbr.rel @p0 .LBB2_1-.Ltmp12, $3  }
0x2f5: {  	_ =	sdelay $0x1  }
0x2f6: {  	[sflag:s24] =	ssyncset.done $0x0  }
0x2f7: {  	[sflag:s24] =	ssyncadd.s32 $0xFFFFE000  }
0x2f8: {  	_ =	sfence.sel $0x180000  }
0x2f9: {  	[bflag:$0x0] =	sbarrier.arrive $0xFFFF  }
0x2fa: {  	_ =	strace $0x90000047  }
0x2fb: {  	s0 =	stileid.u32;
	[bflag:$0x2] =	sbarrier.arrive $0xFFFF  }
0x2fc: {  	p0 =	sne.s32 s0, $0x0;
	s0 =	rddreg [dreg:$0x2]  }
0x2fd: {  	s0 =	sadd.s32 @!p0 $0x100000, s0  }
0x2fe: {  	[sflag:s0] =	ssyncadd.tile.s32 @!p0 $0x1;
	_ =	shalt  }
.Lfunc_end2:
_tile_overlayer_lowered:
.L_overlay_start_2:
0x2ff: {  	(tag) =	ssettag $0x2  }
0x300: {  	s0 =	rddreg [dreg:$0x0];
	s2 =	stileid.u32  }
0x301: {  	s1 =	rddreg [dreg:$0x1];
	p0 =	sne.s32 s2, $0x0  }
0x302: {  	s3 =	rddreg [dreg:$0x2];
	[bflag:$0x3] =	sbarrier.arrive $0xFFFF;
	s2 =	simm.s32 @!p0 $0x1C07  }
0x303: {  	[timem:s3], [sflag:s2] =	dma.local @!p0 [hbm:s0], s1  }
0x304: {  	s0 =	simm.s32 @!p0 $0x7  }
0x305: {  	_ =	swait.ge @!p0 [sflag:s0], s1  }
0x306: {  	s1 =	ssub.s32 @!p0 $0x0, s1;
	[sflag:s0] =	ssyncset.done @!p0 $0x0  }
0x307: {  	[sflag:s0] =	ssyncadd.s32 @!p0 s1  }
0x308: {  	[bflag:$0x3] =	sbarrier.arrive $0xFFFF  }
0x309: {  	_ =	shalt  }

</sc_bundles>
